<compile_context>
chip_gen: v7x
topology: tpu7x:2x2x1
jax: 0.10.2.dev20260603
libtpu: 0.0.44.dev20260713+nightly
codegen_flags: <defaults>
</compile_context>

<pallas_src>
import functools

import numpy as np
import jax
import jax.numpy as jnp
from jax import lax
from jax.experimental import pallas as pl
from jax.experimental.pallas import tpu as pltpu
from jax.experimental.pallas import tpu_sc as plsc

N = 10000
E = 320000
D = 128
H = 8
DH = D // H

NC = 2
NS = 16
NW = NC * NS
EPW = E // NW
C = 80
NCHUNK = EPW // C
NP = 10240
RPT = NP // NS
G = C // 16

EB = 2000
ROWB = 1000

_PERM = (np.arange(D) % DH) * H + (np.arange(D) // DH)


@functools.cache
def _mesh():
    return plsc.VectorSubcoreMesh(core_axis_name="c", subcore_axis_name="s",
                                  num_cores=NC, num_subcores=NS)


def _proj_body(h_ref, w_ref, b_ref, q_ref, k_ref, v_ref):
    x = h_ref[...]
    y = jnp.dot(x, w_ref[...], preferred_element_type=jnp.float32) + b_ref[...]
    q_ref[...] = y[:, :D]
    k_ref[...] = y[:, D:2 * D].astype(jnp.bfloat16)
    v_ref[...] = y[:, 2 * D:].astype(jnp.bfloat16)


def _tc_proj(hx, w_all, b_all):
    return pl.pallas_call(
        _proj_body,
        grid=(N // ROWB,),
        in_specs=[
            pl.BlockSpec((ROWB, D), lambda i: (i, 0)),
            pl.BlockSpec((D, 3 * D), lambda i: (0, 0)),
            pl.BlockSpec((1, 3 * D), lambda i: (0, 0)),
        ],
        out_specs=[
            pl.BlockSpec((ROWB, D), lambda i: (i, 0)),
            pl.BlockSpec((ROWB, D), lambda i: (i, 0)),
            pl.BlockSpec((ROWB, D), lambda i: (i, 0)),
        ],
        out_shape=[
            jax.ShapeDtypeStruct((N, D), jnp.float32),
            jax.ShapeDtypeStruct((N, D), jnp.bfloat16),
            jax.ShapeDtypeStruct((N, D), jnp.bfloat16),
        ],
    )(hx, w_all, b_all)


def _sc_gather_body(row_hbm, col_hbm, q_hbm, kv_hbm,
                    qr_hbm, kvc_hbm,
                    rowv0, colv0, rowv1, colv1,
                    qv0, kvv0, qv1, kvv1,
                    sidx0, sidx1, sg0, sg1, sw0, sw1):
    cid = lax.axis_index("c")
    sid = lax.axis_index("s")
    wid = sid * NC + cid
    base = wid * EPW
    RV = (rowv0, rowv1)
    CV = (colv0, colv1)
    QV = (qv0, qv1)
    KVV = (kvv0, kvv1)
    SIDX = (sidx0, sidx1)
    SG = (sg0, sg1)
    SW = (sw0, sw1)

    def idx_start(j, b):
        off = base + j * C
        pltpu.async_copy(row_hbm.at[pl.ds(off, C)], RV[b], SIDX[b])
        pltpu.async_copy(col_hbm.at[pl.ds(off, C)], CV[b], SIDX[b])

    def idx_wait(j, b):
        off = base + j * C
        pltpu.make_async_copy(row_hbm.at[pl.ds(off, C)], RV[b], SIDX[b]).wait()
        pltpu.make_async_copy(col_hbm.at[pl.ds(off, C)], CV[b], SIDX[b]).wait()

    def gather_start(b):
        pltpu.async_copy(q_hbm.at[RV[b]], QV[b], SG[b])
        pltpu.async_copy(kv_hbm.at[CV[b]], KVV[b], SG[b])

    def gather_wait(b):
        pltpu.make_async_copy(q_hbm.at[RV[b]], QV[b], SG[b]).wait()
        pltpu.make_async_copy(kv_hbm.at[CV[b]], KVV[b], SG[b]).wait()

    def write_start(j, b):
        off = base + j * C
        pltpu.async_copy(QV[b], qr_hbm.at[pl.ds(off, C)], SW[b])
        pltpu.async_copy(KVV[b], kvc_hbm.at[pl.ds(off, C)], SW[b])

    def write_wait(j, b):
        off = base + j * C
        pltpu.make_async_copy(QV[b], qr_hbm.at[pl.ds(off, C)], SW[b]).wait()
        pltpu.make_async_copy(KVV[b], kvc_hbm.at[pl.ds(off, C)], SW[b]).wait()

    idx_start(0, 0)
    idx_start(1, 1)
    idx_wait(0, 0)
    gather_start(0)

    @pl.loop(0, (NCHUNK - 1) // 2)
    def _pair(t):
        for b in range(2):
            j = t * 2 + b
            bn = 1 - b
            idx_wait(j + 1, bn)

            @pl.when(j >= 1)
            def _():
                write_wait(j - 1, bn)

            gather_start(bn)
            gather_wait(b)
            write_start(j, b)

            @pl.when(j + 2 < NCHUNK)
            def _():
                idx_start(j + 2, b)

    jl = NCHUNK - 1
    gather_wait(0)
    write_start(jl, 0)
    write_wait(jl - 1, 1)
    write_wait(jl, 0)


@functools.cache
def _sc_gather():
    return pl.kernel(
        _sc_gather_body,
        out_type=[
            jax.ShapeDtypeStruct((E, D), jnp.float32),
            jax.ShapeDtypeStruct((E, D), jnp.int32),
        ],
        mesh=_mesh(),
        scratch_types=[
            pltpu.VMEM((C,), jnp.int32),
            pltpu.VMEM((C,), jnp.int32),
            pltpu.VMEM((C,), jnp.int32),
            pltpu.VMEM((C,), jnp.int32),
            pltpu.VMEM((C, D), jnp.float32),
            pltpu.VMEM((C, D), jnp.int32),
            pltpu.VMEM((C, D), jnp.float32),
            pltpu.VMEM((C, D), jnp.int32),
            pltpu.SemaphoreType.DMA,
            pltpu.SemaphoreType.DMA,
            pltpu.SemaphoreType.DMA,
            pltpu.SemaphoreType.DMA,
            pltpu.SemaphoreType.DMA,
            pltpu.SemaphoreType.DMA,
        ],
        compiler_params=pltpu.CompilerParams(needs_layout_passes=False),
    )


def _unpack_pairs(w):
    lo = jax.lax.bitcast_convert_type(w << 16, jnp.float32)
    hi = jax.lax.bitcast_convert_type(w & jnp.int32(-65536), jnp.float32)
    return jnp.concatenate([lo, hi], axis=1)


def _mid_body(qr_ref, kv_ref, sel_ref, selt_ref, ex_ref, cv_ref):
    kv = kv_ref[...]
    kc = _unpack_pairs(kv[:, :D // 2])
    vc = _unpack_pairs(kv[:, D // 2:])
    prod = qr_ref[...] * kc
    lg = jnp.dot(prod, selt_ref[...], preferred_element_type=jnp.float32)
    exb = jnp.exp(lg)
    ex_ref[...] = exb
    scale = jnp.dot(exb, sel_ref[...], preferred_element_type=jnp.float32)
    cv_ref[...] = vc * scale


def _tc_mid(qr, kvc, sel, selt):
    return pl.pallas_call(
        _mid_body,
        grid=(E // EB,),
        in_specs=[
            pl.BlockSpec((EB, D), lambda i: (i, 0)),
            pl.BlockSpec((EB, D), lambda i: (i, 0)),
            pl.BlockSpec((H, D), lambda i: (0, 0)),
            pl.BlockSpec((D, H), lambda i: (0, 0)),
        ],
        out_specs=[
            pl.BlockSpec((EB, H), lambda i: (i, 0)),
            pl.BlockSpec((EB, D), lambda i: (i, 0)),
        ],
        out_shape=[
            jax.ShapeDtypeStruct((E, H), jnp.float32),
            jax.ShapeDtypeStruct((E, D), jnp.float32),
        ],
    )(qr, kvc, sel, selt)


def _sc_ssum_body(row_hbm, ex_hbm, zs_hbm,
                  sp_hbm,
                  rowv0, rowv1, exv0, exv1, sloc,
                  sidx0, sidx1):
    cid = lax.axis_index("c")
    sid = lax.axis_index("s")
    wid = sid * NC + cid
    pltpu.sync_copy(zs_hbm, sloc)
    base = wid * EPW
    RV = (rowv0, rowv1)
    EXV = (exv0, exv1)
    SIDX = (sidx0, sidx1)
    iota16 = lax.iota(jnp.int32, 16)
    iota8 = iota16 * H

    def idx_start(j, b):
        off = base + j * C
        pltpu.async_copy(row_hbm.at[pl.ds(off, C)], RV[b], SIDX[b])
        pltpu.async_copy(ex_hbm.at[pl.ds(off * H, C * H)], EXV[b], SIDX[b])

    def idx_wait(j, b):
        off = base + j * C
        pltpu.make_async_copy(row_hbm.at[pl.ds(off, C)], RV[b], SIDX[b]).wait()
        pltpu.make_async_copy(ex_hbm.at[pl.ds(off * H, C * H)], EXV[b],
                              SIDX[b]).wait()

    def compute(b):
        rv, exv = RV[b], EXV[b]

        @pl.loop(0, G)
        def _grp(g):
            rowi16 = rv[pl.ds(g * 16, 16)]
            sbase16 = rowi16 * H
            exbase = iota8 + g * 16 * H
            for hh in range(H):
                ex16 = plsc.load_gather(exv, [exbase + hh])
                plsc.addupdate_scatter(sloc, [sbase16 + hh], ex16)

    idx_start(0, 0)
    idx_start(1, 1)

    @pl.loop(0, (NCHUNK - 1) // 2)
    def _pair(t):
        for b in range(2):
            j = t * 2 + b
            idx_wait(j, b)
            compute(b)

            @pl.when(j + 2 < NCHUNK)
            def _():
                idx_start(j + 2, b)

    idx_wait(NCHUNK - 1, 0)
    compute(0)
    pltpu.sync_copy(sloc, sp_hbm.at[wid])


@functools.cache
def _sc_ssum():
    return pl.kernel(
        _sc_ssum_body,
        out_type=jax.ShapeDtypeStruct((NW, NP * H), jnp.float32),
        mesh=_mesh(),
        scratch_types=[
            pltpu.VMEM((C,), jnp.int32),
            pltpu.VMEM((C,), jnp.int32),
            pltpu.VMEM((C * H,), jnp.float32),
            pltpu.VMEM((C * H,), jnp.float32),
            pltpu.VMEM((NP * H,), jnp.float32),
            pltpu.SemaphoreType.DMA,
            pltpu.SemaphoreType.DMA,
        ],
        compiler_params=pltpu.CompilerParams(needs_layout_passes=False),
    )


def _sc_scat_body(row_hbm, cv_hbm, zv_hbm,
                  op_hbm,
                  rowv0, rowv1, cvv0, cvv1, rowsc, oacc,
                  sidx0, sidx1, ssc):
    cid = lax.axis_index("c")
    sid = lax.axis_index("s")
    wid = sid * NC + cid
    pltpu.sync_copy(zv_hbm.at[pl.ds(sid * RPT, RPT)],
                    oacc.at[pl.ds(sid * RPT, RPT)])
    plsc.subcore_barrier()
    base = wid * EPW
    RV = (rowv0, rowv1)
    CVV = (cvv0, cvv1)
    SIDX = (sidx0, sidx1)

    def idx_start(j, b):
        off = base + j * C
        pltpu.async_copy(row_hbm.at[pl.ds(off, C)], RV[b], SIDX[b])
        pltpu.async_copy(cv_hbm.at[pl.ds(off, C)], CVV[b], SIDX[b])

    def idx_wait(j, b):
        off = base + j * C
        pltpu.make_async_copy(row_hbm.at[pl.ds(off, C)], RV[b], SIDX[b]).wait()
        pltpu.make_async_copy(cv_hbm.at[pl.ds(off, C)], CVV[b], SIDX[b]).wait()

    def scat_start(b):
        pltpu.async_copy(CVV[b], oacc.at[rowsc], ssc, add=True)

    def scat_wait(b):
        pltpu.make_async_copy(CVV[b], oacc.at[rowsc], ssc).wait()

    idx_start(0, 0)
    idx_start(1, 1)

    @pl.loop(0, (NCHUNK - 1) // 2)
    def _pair(t):
        for b in range(2):
            j = t * 2 + b
            idx_wait(j, b)

            @pl.when(j >= 1)
            def _():
                scat_wait(1 - b)

            for k in range(C // 16):
                rowsc[pl.ds(k * 16, 16)] = RV[b][pl.ds(k * 16, 16)]
            scat_start(b)

            @pl.when(j + 2 < NCHUNK)
            def _():
                idx_start(j + 2, b)

    jl = NCHUNK - 1
    idx_wait(jl, 0)
    scat_wait(1)
    for k in range(C // 16):
        rowsc[pl.ds(k * 16, 16)] = RV[0][pl.ds(k * 16, 16)]
    scat_start(0)
    scat_wait(0)
    plsc.subcore_barrier()
    pltpu.sync_copy(oacc.at[pl.ds(sid * RPT, RPT)],
                    op_hbm.at[cid, pl.ds(sid * RPT, RPT)])


@functools.cache
def _sc_scat():
    return pl.kernel(
        _sc_scat_body,
        out_type=jax.ShapeDtypeStruct((NC, NP, D), jnp.float32),
        mesh=_mesh(),
        scratch_types=[
            pltpu.VMEM((C,), jnp.int32),
            pltpu.VMEM((C,), jnp.int32),
            pltpu.VMEM((C, D), jnp.float32),
            pltpu.VMEM((C, D), jnp.float32),
            pltpu.VMEM((C,), jnp.int32),
            pltpu.VMEM_SHARED((NP, D), jnp.float32),
            pltpu.SemaphoreType.DMA,
            pltpu.SemaphoreType.DMA,
            pltpu.SemaphoreType.DMA,
        ],
        compiler_params=pltpu.CompilerParams(needs_layout_passes=False),
    )


def _rs_body(sp_ref, rs_ref):
    s = jnp.sum(sp_ref[...], axis=0)
    rs_ref[...] = jnp.where(s > 0.0, 1.0 / s, 0.0)


def _tc_rs(sp):
    sp2 = sp.reshape(NW, NP * H // D, D)
    rs = pl.pallas_call(
        _rs_body,
        out_shape=jax.ShapeDtypeStruct((NP * H // D, D), jnp.float32),
    )(sp2)
    return rs.reshape(NP, H)


def _out_body(p_ref, rs_ref, sel_ref, w_ref, b_ref, o_ref):
    scale = jnp.dot(rs_ref[...], sel_ref[...],
                    preferred_element_type=jnp.float32)
    x = (p_ref[0] + p_ref[1]) * scale
    o_ref[...] = (jnp.dot(x, w_ref[...], preferred_element_type=jnp.float32)
                  + b_ref[...])


def _tc_out(parts, rs, sel, wo_t, bo2):
    return pl.pallas_call(
        _out_body,
        grid=(N // ROWB,),
        in_specs=[
            pl.BlockSpec((NC, ROWB, D), lambda i: (0, i, 0)),
            pl.BlockSpec((ROWB, H), lambda i: (i, 0)),
            pl.BlockSpec((H, D), lambda i: (0, 0)),
            pl.BlockSpec((D, D), lambda i: (0, 0)),
            pl.BlockSpec((1, D), lambda i: (0, 0)),
        ],
        out_specs=pl.BlockSpec((ROWB, D), lambda i: (i, 0)),
        out_shape=jax.ShapeDtypeStruct((N, D), jnp.float32),
    )(parts, rs, sel, wo_t, bo2)


def kernel(A, h, Wq, bq, Wk, bk, Wv, bv, Wo, bo):
    scaling = DH ** (-0.5)
    wq_t = Wq[_PERM, :].T * scaling
    wk_t = Wk[_PERM, :].T
    wv_t = Wv[_PERM, :].T
    w_all = jnp.concatenate([wq_t, wk_t, wv_t], axis=1)
    b_all = jnp.concatenate(
        [bq[_PERM] * scaling, bk[_PERM], bv[_PERM]])[None, :]
    q2, k2, v2 = _tc_proj(h, w_all, b_all)

    row = A[0]
    col = A[1]
    zs = jnp.zeros((NP * H,), jnp.float32)
    zv = jnp.zeros((NP, D), jnp.float32)
    sel = jnp.asarray(np.repeat(np.eye(H, dtype=np.float32), DH, axis=1))

    def _pack_pairs(x):
        return jax.lax.bitcast_convert_type(
            jnp.stack([x[:, :D // 2], x[:, D // 2:]], axis=-1), jnp.int32)

    kvi = jnp.concatenate([_pack_pairs(k2), _pack_pairs(v2)], axis=1)
    qr, kvc = _sc_gather()(row, col, q2, kvi)
    ex, cv = _tc_mid(qr, kvc, sel, sel.T)
    sp = _sc_ssum()(row, ex.reshape(E * H), zs)
    parts = _sc_scat()(row, cv, zv)
    rs = _tc_rs(sp).reshape(NP, H)

    wo_t = Wo[:, _PERM].T
    return _tc_out(parts, rs, sel, wo_t, bo[None, :])

# --- scband reference (transcript-rebuilt; emitter-appended) ---
"""Pipeline reference for scband-sparse-mha-89163521065068 (READ-ONLY COPY).

The authoritative reference and input builder live on the scoring server;
editing this copy changes nothing except your own understanding.
"""

import jax, jax.numpy as jnp
import numpy as np

N = 10000
E = 320000
D = 128
H = 8
DH = D // H


def setup_inputs(seed: int = 0) -> dict:
    key = jax.random.key(seed)
    ks = jax.random.split(key, 12)
    h = jax.random.normal(ks[0], (N, D), dtype=jnp.float32)
    A = jax.random.randint(ks[1], (2, E), 0, N, dtype=jnp.int32)
    sc = 1.0 / np.sqrt(D)
    Wq = jax.random.normal(ks[2], (D, D), dtype=jnp.float32) * sc
    bq = jax.random.normal(ks[3], (D,), dtype=jnp.float32) * sc
    Wk = jax.random.normal(ks[4], (D, D), dtype=jnp.float32) * sc
    bk = jax.random.normal(ks[5], (D,), dtype=jnp.float32) * sc
    Wv = jax.random.normal(ks[6], (D, D), dtype=jnp.float32) * sc
    bv = jax.random.normal(ks[7], (D,), dtype=jnp.float32) * sc
    Wo = jax.random.normal(ks[8], (D, D), dtype=jnp.float32) * sc
    bo = jax.random.normal(ks[9], (D,), dtype=jnp.float32) * sc
    return {"A": A, "h": h, "Wq": Wq, "bq": bq, "Wk": Wk, "bk": bk, "Wv": Wv, "bv": bv, "Wo": Wo, "bo": bo}


def reference(A, h, Wq, bq, Wk, bk, Wv, bv, Wo, bo):
    n = h.shape[0]
    scaling = DH ** (-0.5)
    q = (h @ Wq.T + bq).reshape(n, DH, H) * scaling
    k = (h @ Wk.T + bk).reshape(n, DH, H)
    v = (h @ Wv.T + bv).reshape(n, DH, H)
    row = A[0]
    col = A[1]
    # bsddmm: per-edge, per-head logit = sum_d q[row,d,h] * k[col,d,h]
    logits = jnp.sum(q[row] * k[col], axis=1)  # (E, H)
    # sparse row-wise softmax
    m = jax.ops.segment_max(logits, row, num_segments=n)
    m = jnp.where(jnp.isfinite(m), m, 0.0)
    ex = jnp.exp(logits - m[row])
    s = jax.ops.segment_sum(ex, row, num_segments=n)
    denom = s[row]
    attn = ex / jnp.where(denom == 0, 1.0, denom)  # (E, H)
    # bspmm: out[i] = sum_{e: row[e]=i} attn[e] * v[col[e]]
    out = jax.ops.segment_sum(attn[:, None, :] * v[col], row, num_segments=n)  # (N, DH, H)
    return out.reshape(n, D) @ Wo.T + bo

if __name__ == "__main__":
    import jax
    _d = setup_inputs()
    print(jax.jit(kernel)(*tuple(_d.values())))

</pallas_src>

<mosaic_0001>
#map = affine_map<(d0, d1) -> (0)>
#map1 = affine_map<(d0, d1) -> (0, 0)>
module attributes {stable_mosaic.version = 14 : i64} {
  func.func @_sc_ssum_body(%arg0: i32, %arg1: i32, %arg2: memref<320000xi32, #tpu.memory_space<hbm>>, %arg3: memref<2560000xf32, #tpu.memory_space<hbm>>, %arg4: memref<81920xf32, #tpu.memory_space<hbm>>, %arg5: memref<32x81920xf32, #tpu.memory_space<hbm>>, %arg6: memref<80xi32, #tpu.memory_space<vmem>>, %arg7: memref<80xi32, #tpu.memory_space<vmem>>, %arg8: memref<640xf32, #tpu.memory_space<vmem>>, %arg9: memref<640xf32, #tpu.memory_space<vmem>>, %arg10: memref<81920xf32, #tpu.memory_space<vmem>>, %arg11: memref<!tpu.dma_semaphore, #tpu.memory_space<semaphore_mem>>, %arg12: memref<!tpu.dma_semaphore, #tpu.memory_space<semaphore_mem>>) attributes {dimension_semantics = [#tpu.dimension_semantics<core_parallel>, #tpu.dimension_semantics<subcore_parallel>], iteration_bounds = array<i64: 2, 16>, scalar_prefetch = 0 : i64, scratch_operands = 7 : i64, tpu.core_type = #tpu.core_type<sc_vector_subcore>, window_params = [{transform_indices = #map}, {transform_indices = #map}, {transform_indices = #map}, {transform_indices = #map1}]} {
    %mul3A = arith.constant 2 : i32
    %mul3A_0 = arith.muli %arg1, %mul3A : i32
    %add3A = arith.addi %mul3A_0, %arg0 : i32
    "tpu.region"() ({
      %run_scoped3A = tpu.sem_alloc : memref<!tpu.dma_semaphore, #tpu.memory_space<semaphore_mem>>
      tpu.enqueue_dma source(%arg4 : memref<81920xf32, #tpu.memory_space<hbm>>) target(%arg10 : memref<81920xf32, #tpu.memory_space<vmem>>) target_semaphore(%run_scoped3A : memref<!tpu.dma_semaphore, #tpu.memory_space<semaphore_mem>>)
      tpu.wait_dma2 semaphore(%run_scoped3A : memref<!tpu.dma_semaphore, #tpu.memory_space<semaphore_mem>>) src(%arg4 : memref<81920xf32, #tpu.memory_space<hbm>>) dst(%arg10 : memref<81920xf32, #tpu.memory_space<vmem>>)
      tpu.yield
    }) : () -> ()
    %mul3A_1 = arith.constant 10000 : i32
    %mul3A_2 = arith.muli %add3A, %mul3A_1 : i32
    %iota3A = tpu.iota {dimensions = array<i32: 0>} : vector<16xi32>
    %mul3A_3 = arith.constant 8 : i32
    %mul3A_4 = vector.broadcast %mul3A_3 : i32 to vector<16xi32>
    %mul3A_5 = arith.muli %iota3A, %mul3A_4 : vector<16xi32>
    %add3A_6 = arith.constant 0 : i32
    %add3A_7 = arith.addi %mul3A_2, %add3A_6 : i32
    %dma_start3A = tpu.memref_slice %arg2[%add3A_7] : memref<320000xi32, #tpu.memory_space<hbm>> -> memref<80xi32, #tpu.memory_space<hbm>>
    %dma_start3A_8 = tpu.memref_slice %arg2[%add3A_7] : memref<320000xi32, #tpu.memory_space<hbm>> -> memref<80xi32, #tpu.memory_space<hbm>>
    tpu.enqueue_dma source(%dma_start3A_8 : memref<80xi32, #tpu.memory_space<hbm>>) target(%arg6 : memref<80xi32, #tpu.memory_space<vmem>>) target_semaphore(%arg11 : memref<!tpu.dma_semaphore, #tpu.memory_space<semaphore_mem>>)
    %mul3A_9 = arith.constant 8 : i32
    %mul3A_10 = arith.muli %add3A_7, %mul3A_9 : i32
    %dma_start3A_11 = tpu.memref_slice %arg3[%mul3A_10] : memref<2560000xf32, #tpu.memory_space<hbm>> -> memref<640xf32, #tpu.memory_space<hbm>>
    %dma_start3A_12 = tpu.memref_slice %arg3[%mul3A_10] : memref<2560000xf32, #tpu.memory_space<hbm>> -> memref<640xf32, #tpu.memory_space<hbm>>
    tpu.enqueue_dma source(%dma_start3A_12 : memref<640xf32, #tpu.memory_space<hbm>>) target(%arg8 : memref<640xf32, #tpu.memory_space<vmem>>) target_semaphore(%arg11 : memref<!tpu.dma_semaphore, #tpu.memory_space<semaphore_mem>>)
    %add3A_13 = arith.constant 80 : i32
    %add3A_14 = arith.addi %mul3A_2, %add3A_13 : i32
    %dma_start3A_15 = tpu.memref_slice %arg2[%add3A_14] : memref<320000xi32, #tpu.memory_space<hbm>> -> memref<80xi32, #tpu.memory_space<hbm>>
    %dma_start3A_16 = tpu.memref_slice %arg2[%add3A_14] : memref<320000xi32, #tpu.memory_space<hbm>> -> memref<80xi32, #tpu.memory_space<hbm>>
    tpu.enqueue_dma source(%dma_start3A_16 : memref<80xi32, #tpu.memory_space<hbm>>) target(%arg7 : memref<80xi32, #tpu.memory_space<vmem>>) target_semaphore(%arg12 : memref<!tpu.dma_semaphore, #tpu.memory_space<semaphore_mem>>)
    %mul3A_17 = arith.constant 8 : i32
    %mul3A_18 = arith.muli %add3A_14, %mul3A_17 : i32
    %dma_start3A_19 = tpu.memref_slice %arg3[%mul3A_18] : memref<2560000xf32, #tpu.memory_space<hbm>> -> memref<640xf32, #tpu.memory_space<hbm>>
    %dma_start3A_20 = tpu.memref_slice %arg3[%mul3A_18] : memref<2560000xf32, #tpu.memory_space<hbm>> -> memref<640xf32, #tpu.memory_space<hbm>>
    tpu.enqueue_dma source(%dma_start3A_20 : memref<640xf32, #tpu.memory_space<hbm>>) target(%arg9 : memref<640xf32, #tpu.memory_space<vmem>>) target_semaphore(%arg12 : memref<!tpu.dma_semaphore, #tpu.memory_space<semaphore_mem>>)
    %scan3A = arith.constant 0 : i32
    %scan3A_21 = arith.constant 62 : i32
    %scan3A_22 = arith.addi %scan3A, %scan3A_21 : i32
    %scan3A_23 = arith.constant 1 : i32
    scf.for %scan3A_37 = %scan3A to %scan3A_22 step %scan3A_23  : i32 {
      %mul3A_38 = arith.constant 1 : i32
      %mul3A_39 = arith.muli %scan3A_37, %mul3A_38 : i32
      %add3A_40 = arith.constant 0 : i32
      %add3A_41 = arith.addi %add3A_40, %mul3A_39 : i32
      %mul3A_42 = arith.constant 2 : i32
      %mul3A_43 = arith.muli %add3A_41, %mul3A_42 : i32
      %add3A_44 = arith.constant 0 : i32
      %add3A_45 = arith.addi %mul3A_43, %add3A_44 : i32
      %mul3A_46 = arith.constant 80 : i32
      %mul3A_47 = arith.muli %add3A_45, %mul3A_46 : i32
      %add3A_48 = arith.addi %mul3A_2, %mul3A_47 : i32
      %dma_wait3A_49 = tpu.memref_slice %arg2[%add3A_48] : memref<320000xi32, #tpu.memory_space<hbm>> -> memref<80xi32, #tpu.memory_space<hbm>>
      %dma_wait3A_50 = tpu.memref_slice %arg2[%add3A_48] : memref<320000xi32, #tpu.memory_space<hbm>> -> memref<80xi32, #tpu.memory_space<hbm>>
      tpu.wait_dma2 semaphore(%arg11 : memref<!tpu.dma_semaphore, #tpu.memory_space<semaphore_mem>>) src(%dma_wait3A_50 : memref<80xi32, #tpu.memory_space<hbm>>) dst(%arg6 : memref<80xi32, #tpu.memory_space<vmem>>)
      %mul3A_51 = arith.constant 8 : i32
      %mul3A_52 = arith.muli %add3A_48, %mul3A_51 : i32
      %dma_wait3A_53 = tpu.memref_slice %arg3[%mul3A_52] : memref<2560000xf32, #tpu.memory_space<hbm>> -> memref<640xf32, #tpu.memory_space<hbm>>
      %dma_wait3A_54 = tpu.memref_slice %arg3[%mul3A_52] : memref<2560000xf32, #tpu.memory_space<hbm>> -> memref<640xf32, #tpu.memory_space<hbm>>
      tpu.wait_dma2 semaphore(%arg11 : memref<!tpu.dma_semaphore, #tpu.memory_space<semaphore_mem>>) src(%dma_wait3A_54 : memref<640xf32, #tpu.memory_space<hbm>>) dst(%arg8 : memref<640xf32, #tpu.memory_space<vmem>>)
      %scan3A_55 = arith.constant 0 : i32
      %scan3A_56 = arith.constant 5 : i32
      %scan3A_57 = arith.addi %scan3A_55, %scan3A_56 : i32
      %scan3A_58 = arith.constant 1 : i32
      scf.for %scan3A_89 = %scan3A_55 to %scan3A_57 step %scan3A_58  : i32 {
        %mul3A_90 = arith.constant 1 : i32
        %mul3A_91 = arith.muli %scan3A_89, %mul3A_90 : i32
        %add3A_92 = arith.constant 0 : i32
        %add3A_93 = arith.addi %add3A_92, %mul3A_91 : i32
        %mul3A_94 = arith.constant 16 : i32
        %mul3A_95 = arith.muli %add3A_93, %mul3A_94 : i32
        %get3A = arith.index_cast %mul3A_95 : i32 to index
        %get3A_96 = tpu.vector_load %arg6[%get3A] {strides = array<i32>} : memref<80xi32, #tpu.memory_space<vmem>>, vector<16xi32>,
        %mul3A_97 = arith.constant 8 : i32
        %mul3A_98 = vector.broadcast %mul3A_97 : i32 to vector<16xi32>
        %mul3A_99 = arith.muli %get3A_96, %mul3A_98 : vector<16xi32>
        %mul3A_100 = arith.constant 16 : i32
        %mul3A_101 = arith.muli %add3A_93, %mul3A_100 : i32
        %mul3A_102 = arith.constant 8 : i32
        %mul3A_103 = arith.muli %mul3A_101, %mul3A_102 : i32
        %add3A_104 = vector.broadcast %mul3A_103 : i32 to vector<16xi32>
        %add3A_105 = arith.addi %mul3A_5, %add3A_104 : vector<16xi32>
        %add3A_106 = arith.constant 0 : i32
        %add3A_107 = vector.broadcast %add3A_106 : i32 to vector<16xi32>
        %add3A_108 = arith.addi %add3A_105, %add3A_107 : vector<16xi32>
        %gather3A = tpu.vector_load_idx %arg8[%add3A_108] : memref<640xf32, #tpu.memory_space<vmem>>[vector<16xi32>], vector<16xf32>,
        %add3A_109 = arith.constant 0 : i32
        %add3A_110 = vector.broadcast %add3A_109 : i32 to vector<16xi32>
        %add3A_111 = arith.addi %mul3A_99, %add3A_110 : vector<16xi32>
        tpu.vector_store_idx %arg10[%add3A_111], %gather3A {add = true} : memref<81920xf32, #tpu.memory_space<vmem>>[vector<16xi32>], vector<16xf32>,
        %add3A_112 = arith.constant 1 : i32
        %add3A_113 = vector.broadcast %add3A_112 : i32 to vector<16xi32>
        %add3A_114 = arith.addi %add3A_105, %add3A_113 : vector<16xi32>
        %gather3A_115 = tpu.vector_load_idx %arg8[%add3A_114] : memref<640xf32, #tpu.memory_space<vmem>>[vector<16xi32>], vector<16xf32>,
        %add3A_116 = arith.constant 1 : i32
        %add3A_117 = vector.broadcast %add3A_116 : i32 to vector<16xi32>
        %add3A_118 = arith.addi %mul3A_99, %add3A_117 : vector<16xi32>
        tpu.vector_store_idx %arg10[%add3A_118], %gather3A_115 {add = true} : memref<81920xf32, #tpu.memory_space<vmem>>[vector<16xi32>], vector<16xf32>,
        %add3A_119 = arith.constant 2 : i32
        %add3A_120 = vector.broadcast %add3A_119 : i32 to vector<16xi32>
        %add3A_121 = arith.addi %add3A_105, %add3A_120 : vector<16xi32>
        %gather3A_122 = tpu.vector_load_idx %arg8[%add3A_121] : memref<640xf32, #tpu.memory_space<vmem>>[vector<16xi32>], vector<16xf32>,
        %add3A_123 = arith.constant 2 : i32
        %add3A_124 = vector.broadcast %add3A_123 : i32 to vector<16xi32>
        %add3A_125 = arith.addi %mul3A_99, %add3A_124 : vector<16xi32>
        tpu.vector_store_idx %arg10[%add3A_125], %gather3A_122 {add = true} : memref<81920xf32, #tpu.memory_space<vmem>>[vector<16xi32>], vector<16xf32>,
        %add3A_126 = arith.constant 3 : i32
        %add3A_127 = vector.broadcast %add3A_126 : i32 to vector<16xi32>
        %add3A_128 = arith.addi %add3A_105, %add3A_127 : vector<16xi32>
        %gather3A_129 = tpu.vector_load_idx %arg8[%add3A_128] : memref<640xf32, #tpu.memory_space<vmem>>[vector<16xi32>], vector<16xf32>,
        %add3A_130 = arith.constant 3 : i32
        %add3A_131 = vector.broadcast %add3A_130 : i32 to vector<16xi32>
        %add3A_132 = arith.addi %mul3A_99, %add3A_131 : vector<16xi32>
        tpu.vector_store_idx %arg10[%add3A_132], %gather3A_129 {add = true} : memref<81920xf32, #tpu.memory_space<vmem>>[vector<16xi32>], vector<16xf32>,
        %add3A_133 = arith.constant 4 : i32
        %add3A_134 = vector.broadcast %add3A_133 : i32 to vector<16xi32>
        %add3A_135 = arith.addi %add3A_105, %add3A_134 : vector<16xi32>
        %gather3A_136 = tpu.vector_load_idx %arg8[%add3A_135] : memref<640xf32, #tpu.memory_space<vmem>>[vector<16xi32>], vector<16xf32>,
        %add3A_137 = arith.constant 4 : i32
        %add3A_138 = vector.broadcast %add3A_137 : i32 to vector<16xi32>
        %add3A_139 = arith.addi %mul3A_99, %add3A_138 : vector<16xi32>
        tpu.vector_store_idx %arg10[%add3A_139], %gather3A_136 {add = true} : memref<81920xf32, #tpu.memory_space<vmem>>[vector<16xi32>], vector<16xf32>,
        %add3A_140 = arith.constant 5 : i32
        %add3A_141 = vector.broadcast %add3A_140 : i32 to vector<16xi32>
        %add3A_142 = arith.addi %add3A_105, %add3A_141 : vector<16xi32>
        %gather3A_143 = tpu.vector_load_idx %arg8[%add3A_142] : memref<640xf32, #tpu.memory_space<vmem>>[vector<16xi32>], vector<16xf32>,
        %add3A_144 = arith.constant 5 : i32
        %add3A_145 = vector.broadcast %add3A_144 : i32 to vector<16xi32>
        %add3A_146 = arith.addi %mul3A_99, %add3A_145 : vector<16xi32>
        tpu.vector_store_idx %arg10[%add3A_146], %gather3A_143 {add = true} : memref<81920xf32, #tpu.memory_space<vmem>>[vector<16xi32>], vector<16xf32>,
        %add3A_147 = arith.constant 6 : i32
        %add3A_148 = vector.broadcast %add3A_147 : i32 to vector<16xi32>
        %add3A_149 = arith.addi %add3A_105, %add3A_148 : vector<16xi32>
        %gather3A_150 = tpu.vector_load_idx %arg8[%add3A_149] : memref<640xf32, #tpu.memory_space<vmem>>[vector<16xi32>], vector<16xf32>,
        %add3A_151 = arith.constant 6 : i32
        %add3A_152 = vector.broadcast %add3A_151 : i32 to vector<16xi32>
        %add3A_153 = arith.addi %mul3A_99, %add3A_152 : vector<16xi32>
        tpu.vector_store_idx %arg10[%add3A_153], %gather3A_150 {add = true} : memref<81920xf32, #tpu.memory_space<vmem>>[vector<16xi32>], vector<16xf32>,
        %add3A_154 = arith.constant 7 : i32
        %add3A_155 = vector.broadcast %add3A_154 : i32 to vector<16xi32>
        %add3A_156 = arith.addi %add3A_105, %add3A_155 : vector<16xi32>
        %gather3A_157 = tpu.vector_load_idx %arg8[%add3A_156] : memref<640xf32, #tpu.memory_space<vmem>>[vector<16xi32>], vector<16xf32>,
        %add3A_158 = arith.constant 7 : i32
        %add3A_159 = vector.broadcast %add3A_158 : i32 to vector<16xi32>
        %add3A_160 = arith.addi %mul3A_99, %add3A_159 : vector<16xi32>
        tpu.vector_store_idx %arg10[%add3A_160], %gather3A_157 {add = true} : memref<81920xf32, #tpu.memory_space<vmem>>[vector<16xi32>], vector<16xf32>,
      }
      %scan3A_59 = arith.constant 5 : i32
      %add3A_60 = arith.constant 2 : i32
      %add3A_61 = arith.addi %add3A_45, %add3A_60 : i32
      %lt3A = arith.constant 125 : i32
      %lt3A_62 = arith.cmpi slt, %add3A_61, %lt3A : i32
      %convert_element_type3A = arith.extui %lt3A_62 : i1 to i32
      %cond3A = arith.constant 0 : i32
      %cond3A_63 = arith.cmpi ne, %convert_element_type3A, %cond3A : i32
      scf.if %cond3A_63 {
        %add3A_89 = arith.constant 2 : i32
        %add3A_90 = arith.addi %add3A_45, %add3A_89 : i32
        %mul3A_91 = arith.constant 80 : i32
        %mul3A_92 = arith.muli %add3A_90, %mul3A_91 : i32
        %add3A_93 = arith.addi %mul3A_2, %mul3A_92 : i32
        %dma_start3A_94 = tpu.memref_slice %arg2[%add3A_93] : memref<320000xi32, #tpu.memory_space<hbm>> -> memref<80xi32, #tpu.memory_space<hbm>>
        %dma_start3A_95 = tpu.memref_slice %arg2[%add3A_93] : memref<320000xi32, #tpu.memory_space<hbm>> -> memref<80xi32, #tpu.memory_space<hbm>>
        tpu.enqueue_dma source(%dma_start3A_95 : memref<80xi32, #tpu.memory_space<hbm>>) target(%arg6 : memref<80xi32, #tpu.memory_space<vmem>>) target_semaphore(%arg11 : memref<!tpu.dma_semaphore, #tpu.memory_space<semaphore_mem>>)
        %mul3A_96 = arith.constant 8 : i32
        %mul3A_97 = arith.muli %add3A_93, %mul3A_96 : i32
        %dma_start3A_98 = tpu.memref_slice %arg3[%mul3A_97] : memref<2560000xf32, #tpu.memory_space<hbm>> -> memref<640xf32, #tpu.memory_space<hbm>>
        %dma_start3A_99 = tpu.memref_slice %arg3[%mul3A_97] : memref<2560000xf32, #tpu.memory_space<hbm>> -> memref<640xf32, #tpu.memory_space<hbm>>
        tpu.enqueue_dma source(%dma_start3A_99 : memref<640xf32, #tpu.memory_space<hbm>>) target(%arg8 : memref<640xf32, #tpu.memory_space<vmem>>) target_semaphore(%arg11 : memref<!tpu.dma_semaphore, #tpu.memory_space<semaphore_mem>>)
      } else {
      }
      %mul3A_64 = arith.constant 2 : i32
      %mul3A_65 = arith.muli %add3A_41, %mul3A_64 : i32
      %add3A_66 = arith.constant 1 : i32
      %add3A_67 = arith.addi %mul3A_65, %add3A_66 : i32
      %mul3A_68 = arith.constant 80 : i32
      %mul3A_69 = arith.muli %add3A_67, %mul3A_68 : i32
      %add3A_70 = arith.addi %mul3A_2, %mul3A_69 : i32
      %dma_wait3A_71 = tpu.memref_slice %arg2[%add3A_70] : memref<320000xi32, #tpu.memory_space<hbm>> -> memref<80xi32, #tpu.memory_space<hbm>>
      %dma_wait3A_72 = tpu.memref_slice %arg2[%add3A_70] : memref<320000xi32, #tpu.memory_space<hbm>> -> memref<80xi32, #tpu.memory_space<hbm>>
      tpu.wait_dma2 semaphore(%arg12 : memref<!tpu.dma_semaphore, #tpu.memory_space<semaphore_mem>>) src(%dma_wait3A_72 : memref<80xi32, #tpu.memory_space<hbm>>) dst(%arg7 : memref<80xi32, #tpu.memory_space<vmem>>)
      %mul3A_73 = arith.constant 8 : i32
      %mul3A_74 = arith.muli %add3A_70, %mul3A_73 : i32
      %dma_wait3A_75 = tpu.memref_slice %arg3[%mul3A_74] : memref<2560000xf32, #tpu.memory_space<hbm>> -> memref<640xf32, #tpu.memory_space<hbm>>
      %dma_wait3A_76 = tpu.memref_slice %arg3[%mul3A_74] : memref<2560000xf32, #tpu.memory_space<hbm>> -> memref<640xf32, #tpu.memory_space<hbm>>
      tpu.wait_dma2 semaphore(%arg12 : memref<!tpu.dma_semaphore, #tpu.memory_space<semaphore_mem>>) src(%dma_wait3A_76 : memref<640xf32, #tpu.memory_space<hbm>>) dst(%arg9 : memref<640xf32, #tpu.memory_space<vmem>>)
      %scan3A_77 = arith.constant 0 : i32
      %scan3A_78 = arith.constant 5 : i32
      %scan3A_79 = arith.addi %scan3A_77, %scan3A_78 : i32
      %scan3A_80 = arith.constant 1 : i32
      scf.for %scan3A_89 = %scan3A_77 to %scan3A_79 step %scan3A_80  : i32 {
        %mul3A_90 = arith.constant 1 : i32
        %mul3A_91 = arith.muli %scan3A_89, %mul3A_90 : i32
        %add3A_92 = arith.constant 0 : i32
        %add3A_93 = arith.addi %add3A_92, %mul3A_91 : i32
        %mul3A_94 = arith.constant 16 : i32
        %mul3A_95 = arith.muli %add3A_93, %mul3A_94 : i32
        %get3A = arith.index_cast %mul3A_95 : i32 to index
        %get3A_96 = tpu.vector_load %arg7[%get3A] {strides = array<i32>} : memref<80xi32, #tpu.memory_space<vmem>>, vector<16xi32>,
        %mul3A_97 = arith.constant 8 : i32
        %mul3A_98 = vector.broadcast %mul3A_97 : i32 to vector<16xi32>
        %mul3A_99 = arith.muli %get3A_96, %mul3A_98 : vector<16xi32>
        %mul3A_100 = arith.constant 16 : i32
        %mul3A_101 = arith.muli %add3A_93, %mul3A_100 : i32
        %mul3A_102 = arith.constant 8 : i32
        %mul3A_103 = arith.muli %mul3A_101, %mul3A_102 : i32
        %add3A_104 = vector.broadcast %mul3A_103 : i32 to vector<16xi32>
        %add3A_105 = arith.addi %mul3A_5, %add3A_104 : vector<16xi32>
        %add3A_106 = arith.constant 0 : i32
        %add3A_107 = vector.broadcast %add3A_106 : i32 to vector<16xi32>
        %add3A_108 = arith.addi %add3A_105, %add3A_107 : vector<16xi32>
        %gather3A = tpu.vector_load_idx %arg9[%add3A_108] : memref<640xf32, #tpu.memory_space<vmem>>[vector<16xi32>], vector<16xf32>,
        %add3A_109 = arith.constant 0 : i32
        %add3A_110 = vector.broadcast %add3A_109 : i32 to vector<16xi32>
        %add3A_111 = arith.addi %mul3A_99, %add3A_110 : vector<16xi32>
        tpu.vector_store_idx %arg10[%add3A_111], %gather3A {add = true} : memref<81920xf32, #tpu.memory_space<vmem>>[vector<16xi32>], vector<16xf32>,
        %add3A_112 = arith.constant 1 : i32
        %add3A_113 = vector.broadcast %add3A_112 : i32 to vector<16xi32>
        %add3A_114 = arith.addi %add3A_105, %add3A_113 : vector<16xi32>
        %gather3A_115 = tpu.vector_load_idx %arg9[%add3A_114] : memref<640xf32, #tpu.memory_space<vmem>>[vector<16xi32>], vector<16xf32>,
        %add3A_116 = arith.constant 1 : i32
        %add3A_117 = vector.broadcast %add3A_116 : i32 to vector<16xi32>
        %add3A_118 = arith.addi %mul3A_99, %add3A_117 : vector<16xi32>
        tpu.vector_store_idx %arg10[%add3A_118], %gather3A_115 {add = true} : memref<81920xf32, #tpu.memory_space<vmem>>[vector<16xi32>], vector<16xf32>,
        %add3A_119 = arith.constant 2 : i32
        %add3A_120 = vector.broadcast %add3A_119 : i32 to vector<16xi32>
        %add3A_121 = arith.addi %add3A_105, %add3A_120 : vector<16xi32>
        %gather3A_122 = tpu.vector_load_idx %arg9[%add3A_121] : memref<640xf32, #tpu.memory_space<vmem>>[vector<16xi32>], vector<16xf32>,
        %add3A_123 = arith.constant 2 : i32
        %add3A_124 = vector.broadcast %add3A_123 : i32 to vector<16xi32>
        %add3A_125 = arith.addi %mul3A_99, %add3A_124 : vector<16xi32>
        tpu.vector_store_idx %arg10[%add3A_125], %gather3A_122 {add = true} : memref<81920xf32, #tpu.memory_space<vmem>>[vector<16xi32>], vector<16xf32>,
        %add3A_126 = arith.constant 3 : i32
        %add3A_127 = vector.broadcast %add3A_126 : i32 to vector<16xi32>
        %add3A_128 = arith.addi %add3A_105, %add3A_127 : vector<16xi32>
        %gather3A_129 = tpu.vector_load_idx %arg9[%add3A_128] : memref<640xf32, #tpu.memory_space<vmem>>[vector<16xi32>], vector<16xf32>,
        %add3A_130 = arith.constant 3 : i32
        %add3A_131 = vector.broadcast %add3A_130 : i32 to vector<16xi32>
        %add3A_132 = arith.addi %mul3A_99, %add3A_131 : vector<16xi32>
        tpu.vector_store_idx %arg10[%add3A_132], %gather3A_129 {add = true} : memref<81920xf32, #tpu.memory_space<vmem>>[vector<16xi32>], vector<16xf32>,
        %add3A_133 = arith.constant 4 : i32
        %add3A_134 = vector.broadcast %add3A_133 : i32 to vector<16xi32>
        %add3A_135 = arith.addi %add3A_105, %add3A_134 : vector<16xi32>
        %gather3A_136 = tpu.vector_load_idx %arg9[%add3A_135] : memref<640xf32, #tpu.memory_space<vmem>>[vector<16xi32>], vector<16xf32>,
        %add3A_137 = arith.constant 4 : i32
        %add3A_138 = vector.broadcast %add3A_137 : i32 to vector<16xi32>
        %add3A_139 = arith.addi %mul3A_99, %add3A_138 : vector<16xi32>
        tpu.vector_store_idx %arg10[%add3A_139], %gather3A_136 {add = true} : memref<81920xf32, #tpu.memory_space<vmem>>[vector<16xi32>], vector<16xf32>,
        %add3A_140 = arith.constant 5 : i32
        %add3A_141 = vector.broadcast %add3A_140 : i32 to vector<16xi32>
        %add3A_142 = arith.addi %add3A_105, %add3A_141 : vector<16xi32>
        %gather3A_143 = tpu.vector_load_idx %arg9[%add3A_142] : memref<640xf32, #tpu.memory_space<vmem>>[vector<16xi32>], vector<16xf32>,
        %add3A_144 = arith.constant 5 : i32
        %add3A_145 = vector.broadcast %add3A_144 : i32 to vector<16xi32>
        %add3A_146 = arith.addi %mul3A_99, %add3A_145 : vector<16xi32>
        tpu.vector_store_idx %arg10[%add3A_146], %gather3A_143 {add = true} : memref<81920xf32, #tpu.memory_space<vmem>>[vector<16xi32>], vector<16xf32>,
        %add3A_147 = arith.constant 6 : i32
        %add3A_148 = vector.broadcast %add3A_147 : i32 to vector<16xi32>
        %add3A_149 = arith.addi %add3A_105, %add3A_148 : vector<16xi32>
        %gather3A_150 = tpu.vector_load_idx %arg9[%add3A_149] : memref<640xf32, #tpu.memory_space<vmem>>[vector<16xi32>], vector<16xf32>,
        %add3A_151 = arith.constant 6 : i32
        %add3A_152 = vector.broadcast %add3A_151 : i32 to vector<16xi32>
        %add3A_153 = arith.addi %mul3A_99, %add3A_152 : vector<16xi32>
        tpu.vector_store_idx %arg10[%add3A_153], %gather3A_150 {add = true} : memref<81920xf32, #tpu.memory_space<vmem>>[vector<16xi32>], vector<16xf32>,
        %add3A_154 = arith.constant 7 : i32
        %add3A_155 = vector.broadcast %add3A_154 : i32 to vector<16xi32>
        %add3A_156 = arith.addi %add3A_105, %add3A_155 : vector<16xi32>
        %gather3A_157 = tpu.vector_load_idx %arg9[%add3A_156] : memref<640xf32, #tpu.memory_space<vmem>>[vector<16xi32>], vector<16xf32>,
        %add3A_158 = arith.constant 7 : i32
        %add3A_159 = vector.broadcast %add3A_158 : i32 to vector<16xi32>
        %add3A_160 = arith.addi %mul3A_99, %add3A_159 : vector<16xi32>
        tpu.vector_store_idx %arg10[%add3A_160], %gather3A_157 {add = true} : memref<81920xf32, #tpu.memory_space<vmem>>[vector<16xi32>], vector<16xf32>,
      }
      %scan3A_81 = arith.constant 5 : i32
      %add3A_82 = arith.constant 2 : i32
      %add3A_83 = arith.addi %add3A_67, %add3A_82 : i32
      %lt3A_84 = arith.constant 125 : i32
      %lt3A_85 = arith.cmpi slt, %add3A_83, %lt3A_84 : i32
      %convert_element_type3A_86 = arith.extui %lt3A_85 : i1 to i32
      %cond3A_87 = arith.constant 0 : i32
      %cond3A_88 = arith.cmpi ne, %convert_element_type3A_86, %cond3A_87 : i32
      scf.if %cond3A_88 {
        %add3A_89 = arith.constant 2 : i32
        %add3A_90 = arith.addi %add3A_67, %add3A_89 : i32
        %mul3A_91 = arith.constant 80 : i32
        %mul3A_92 = arith.muli %add3A_90, %mul3A_91 : i32
        %add3A_93 = arith.addi %mul3A_2, %mul3A_92 : i32
        %dma_start3A_94 = tpu.memref_slice %arg2[%add3A_93] : memref<320000xi32, #tpu.memory_space<hbm>> -> memref<80xi32, #tpu.memory_space<hbm>>
        %dma_start3A_95 = tpu.memref_slice %arg2[%add3A_93] : memref<320000xi32, #tpu.memory_space<hbm>> -> memref<80xi32, #tpu.memory_space<hbm>>
        tpu.enqueue_dma source(%dma_start3A_95 : memref<80xi32, #tpu.memory_space<hbm>>) target(%arg7 : memref<80xi32, #tpu.memory_space<vmem>>) target_semaphore(%arg12 : memref<!tpu.dma_semaphore, #tpu.memory_space<semaphore_mem>>)
        %mul3A_96 = arith.constant 8 : i32
        %mul3A_97 = arith.muli %add3A_93, %mul3A_96 : i32
        %dma_start3A_98 = tpu.memref_slice %arg3[%mul3A_97] : memref<2560000xf32, #tpu.memory_space<hbm>> -> memref<640xf32, #tpu.memory_space<hbm>>
        %dma_start3A_99 = tpu.memref_slice %arg3[%mul3A_97] : memref<2560000xf32, #tpu.memory_space<hbm>> -> memref<640xf32, #tpu.memory_space<hbm>>
        tpu.enqueue_dma source(%dma_start3A_99 : memref<640xf32, #tpu.memory_space<hbm>>) target(%arg9 : memref<640xf32, #tpu.memory_space<vmem>>) target_semaphore(%arg12 : memref<!tpu.dma_semaphore, #tpu.memory_space<semaphore_mem>>)
      } else {
      }
    }
    %scan3A_24 = arith.constant 62 : i32
    %add3A_25 = arith.constant 9920 : i32
    %add3A_26 = arith.addi %mul3A_2, %add3A_25 : i32
    %dma_wait3A = tpu.memref_slice %arg2[%add3A_26] : memref<320000xi32, #tpu.memory_space<hbm>> -> memref<80xi32, #tpu.memory_space<hbm>>
    %dma_wait3A_27 = tpu.memref_slice %arg2[%add3A_26] : memref<320000xi32, #tpu.memory_space<hbm>> -> memref<80xi32, #tpu.memory_space<hbm>>
    tpu.wait_dma2 semaphore(%arg11 : memref<!tpu.dma_semaphore, #tpu.memory_space<semaphore_mem>>) src(%dma_wait3A_27 : memref<80xi32, #tpu.memory_space<hbm>>) dst(%arg6 : memref<80xi32, #tpu.memory_space<vmem>>)
    %mul3A_28 = arith.constant 8 : i32
    %mul3A_29 = arith.muli %add3A_26, %mul3A_28 : i32
    %dma_wait3A_30 = tpu.memref_slice %arg3[%mul3A_29] : memref<2560000xf32, #tpu.memory_space<hbm>> -> memref<640xf32, #tpu.memory_space<hbm>>
    %dma_wait3A_31 = tpu.memref_slice %arg3[%mul3A_29] : memref<2560000xf32, #tpu.memory_space<hbm>> -> memref<640xf32, #tpu.memory_space<hbm>>
    tpu.wait_dma2 semaphore(%arg11 : memref<!tpu.dma_semaphore, #tpu.memory_space<semaphore_mem>>) src(%dma_wait3A_31 : memref<640xf32, #tpu.memory_space<hbm>>) dst(%arg8 : memref<640xf32, #tpu.memory_space<vmem>>)
    %scan3A_32 = arith.constant 0 : i32
    %scan3A_33 = arith.constant 5 : i32
    %scan3A_34 = arith.addi %scan3A_32, %scan3A_33 : i32
    %scan3A_35 = arith.constant 1 : i32
    scf.for %scan3A_37 = %scan3A_32 to %scan3A_34 step %scan3A_35  : i32 {
      %mul3A_38 = arith.constant 1 : i32
      %mul3A_39 = arith.muli %scan3A_37, %mul3A_38 : i32
      %add3A_40 = arith.constant 0 : i32
      %add3A_41 = arith.addi %add3A_40, %mul3A_39 : i32
      %mul3A_42 = arith.constant 16 : i32
      %mul3A_43 = arith.muli %add3A_41, %mul3A_42 : i32
      %get3A = arith.index_cast %mul3A_43 : i32 to index
      %get3A_44 = tpu.vector_load %arg6[%get3A] {strides = array<i32>} : memref<80xi32, #tpu.memory_space<vmem>>, vector<16xi32>,
      %mul3A_45 = arith.constant 8 : i32
      %mul3A_46 = vector.broadcast %mul3A_45 : i32 to vector<16xi32>
      %mul3A_47 = arith.muli %get3A_44, %mul3A_46 : vector<16xi32>
      %mul3A_48 = arith.constant 16 : i32
      %mul3A_49 = arith.muli %add3A_41, %mul3A_48 : i32
      %mul3A_50 = arith.constant 8 : i32
      %mul3A_51 = arith.muli %mul3A_49, %mul3A_50 : i32
      %add3A_52 = vector.broadcast %mul3A_51 : i32 to vector<16xi32>
      %add3A_53 = arith.addi %mul3A_5, %add3A_52 : vector<16xi32>
      %add3A_54 = arith.constant 0 : i32
      %add3A_55 = vector.broadcast %add3A_54 : i32 to vector<16xi32>
      %add3A_56 = arith.addi %add3A_53, %add3A_55 : vector<16xi32>
      %gather3A = tpu.vector_load_idx %arg8[%add3A_56] : memref<640xf32, #tpu.memory_space<vmem>>[vector<16xi32>], vector<16xf32>,
      %add3A_57 = arith.constant 0 : i32
      %add3A_58 = vector.broadcast %add3A_57 : i32 to vector<16xi32>
      %add3A_59 = arith.addi %mul3A_47, %add3A_58 : vector<16xi32>
      tpu.vector_store_idx %arg10[%add3A_59], %gather3A {add = true} : memref<81920xf32, #tpu.memory_space<vmem>>[vector<16xi32>], vector<16xf32>,
      %add3A_60 = arith.constant 1 : i32
      %add3A_61 = vector.broadcast %add3A_60 : i32 to vector<16xi32>
      %add3A_62 = arith.addi %add3A_53, %add3A_61 : vector<16xi32>
      %gather3A_63 = tpu.vector_load_idx %arg8[%add3A_62] : memref<640xf32, #tpu.memory_space<vmem>>[vector<16xi32>], vector<16xf32>,
      %add3A_64 = arith.constant 1 : i32
      %add3A_65 = vector.broadcast %add3A_64 : i32 to vector<16xi32>
      %add3A_66 = arith.addi %mul3A_47, %add3A_65 : vector<16xi32>
      tpu.vector_store_idx %arg10[%add3A_66], %gather3A_63 {add = true} : memref<81920xf32, #tpu.memory_space<vmem>>[vector<16xi32>], vector<16xf32>,
      %add3A_67 = arith.constant 2 : i32
      %add3A_68 = vector.broadcast %add3A_67 : i32 to vector<16xi32>
      %add3A_69 = arith.addi %add3A_53, %add3A_68 : vector<16xi32>
      %gather3A_70 = tpu.vector_load_idx %arg8[%add3A_69] : memref<640xf32, #tpu.memory_space<vmem>>[vector<16xi32>], vector<16xf32>,
      %add3A_71 = arith.constant 2 : i32
      %add3A_72 = vector.broadcast %add3A_71 : i32 to vector<16xi32>
      %add3A_73 = arith.addi %mul3A_47, %add3A_72 : vector<16xi32>
      tpu.vector_store_idx %arg10[%add3A_73], %gather3A_70 {add = true} : memref<81920xf32, #tpu.memory_space<vmem>>[vector<16xi32>], vector<16xf32>,
      %add3A_74 = arith.constant 3 : i32
      %add3A_75 = vector.broadcast %add3A_74 : i32 to vector<16xi32>
      %add3A_76 = arith.addi %add3A_53, %add3A_75 : vector<16xi32>
      %gather3A_77 = tpu.vector_load_idx %arg8[%add3A_76] : memref<640xf32, #tpu.memory_space<vmem>>[vector<16xi32>], vector<16xf32>,
      %add3A_78 = arith.constant 3 : i32
      %add3A_79 = vector.broadcast %add3A_78 : i32 to vector<16xi32>
      %add3A_80 = arith.addi %mul3A_47, %add3A_79 : vector<16xi32>
      tpu.vector_store_idx %arg10[%add3A_80], %gather3A_77 {add = true} : memref<81920xf32, #tpu.memory_space<vmem>>[vector<16xi32>], vector<16xf32>,
      %add3A_81 = arith.constant 4 : i32
      %add3A_82 = vector.broadcast %add3A_81 : i32 to vector<16xi32>
      %add3A_83 = arith.addi %add3A_53, %add3A_82 : vector<16xi32>
      %gather3A_84 = tpu.vector_load_idx %arg8[%add3A_83] : memref<640xf32, #tpu.memory_space<vmem>>[vector<16xi32>], vector<16xf32>,
      %add3A_85 = arith.constant 4 : i32
      %add3A_86 = vector.broadcast %add3A_85 : i32 to vector<16xi32>
      %add3A_87 = arith.addi %mul3A_47, %add3A_86 : vector<16xi32>
      tpu.vector_store_idx %arg10[%add3A_87], %gather3A_84 {add = true} : memref<81920xf32, #tpu.memory_space<vmem>>[vector<16xi32>], vector<16xf32>,
      %add3A_88 = arith.constant 5 : i32
      %add3A_89 = vector.broadcast %add3A_88 : i32 to vector<16xi32>
      %add3A_90 = arith.addi %add3A_53, %add3A_89 : vector<16xi32>
      %gather3A_91 = tpu.vector_load_idx %arg8[%add3A_90] : memref<640xf32, #tpu.memory_space<vmem>>[vector<16xi32>], vector<16xf32>,
      %add3A_92 = arith.constant 5 : i32
      %add3A_93 = vector.broadcast %add3A_92 : i32 to vector<16xi32>
      %add3A_94 = arith.addi %mul3A_47, %add3A_93 : vector<16xi32>
      tpu.vector_store_idx %arg10[%add3A_94], %gather3A_91 {add = true} : memref<81920xf32, #tpu.memory_space<vmem>>[vector<16xi32>], vector<16xf32>,
      %add3A_95 = arith.constant 6 : i32
      %add3A_96 = vector.broadcast %add3A_95 : i32 to vector<16xi32>
      %add3A_97 = arith.addi %add3A_53, %add3A_96 : vector<16xi32>
      %gather3A_98 = tpu.vector_load_idx %arg8[%add3A_97] : memref<640xf32, #tpu.memory_space<vmem>>[vector<16xi32>], vector<16xf32>,
      %add3A_99 = arith.constant 6 : i32
      %add3A_100 = vector.broadcast %add3A_99 : i32 to vector<16xi32>
      %add3A_101 = arith.addi %mul3A_47, %add3A_100 : vector<16xi32>
      tpu.vector_store_idx %arg10[%add3A_101], %gather3A_98 {add = true} : memref<81920xf32, #tpu.memory_space<vmem>>[vector<16xi32>], vector<16xf32>,
      %add3A_102 = arith.constant 7 : i32
      %add3A_103 = vector.broadcast %add3A_102 : i32 to vector<16xi32>
      %add3A_104 = arith.addi %add3A_53, %add3A_103 : vector<16xi32>
      %gather3A_105 = tpu.vector_load_idx %arg8[%add3A_104] : memref<640xf32, #tpu.memory_space<vmem>>[vector<16xi32>], vector<16xf32>,
      %add3A_106 = arith.constant 7 : i32
      %add3A_107 = vector.broadcast %add3A_106 : i32 to vector<16xi32>
      %add3A_108 = arith.addi %mul3A_47, %add3A_107 : vector<16xi32>
      tpu.vector_store_idx %arg10[%add3A_108], %gather3A_105 {add = true} : memref<81920xf32, #tpu.memory_space<vmem>>[vector<16xi32>], vector<16xf32>,
    }
    %scan3A_36 = arith.constant 5 : i32
    "tpu.region"() ({
      %run_scoped3A = tpu.sem_alloc : memref<!tpu.dma_semaphore, #tpu.memory_space<semaphore_mem>>
      %dma_start3A_37 = arith.constant 0 : i32
      %dma_start3A_38 = tpu.memref_slice %arg5[%add3A, %dma_start3A_37] : memref<32x81920xf32, #tpu.memory_space<hbm>> -> memref<1x81920xf32, #tpu.memory_space<hbm>>
      %dma_start3A_39 = tpu.memref_squeeze %dma_start3A_38 : memref<1x81920xf32, #tpu.memory_space<hbm>> -> memref<81920xf32, #tpu.memory_space<hbm>>
      %dma_start3A_40 = arith.constant 0 : i32
      %dma_start3A_41 = tpu.memref_slice %arg5[%add3A, %dma_start3A_40] : memref<32x81920xf32, #tpu.memory_space<hbm>> -> memref<1x81920xf32, #tpu.memory_space<hbm>>
      %dma_start3A_42 = tpu.memref_squeeze %dma_start3A_41 : memref<1x81920xf32, #tpu.memory_space<hbm>> -> memref<81920xf32, #tpu.memory_space<hbm>>
      tpu.enqueue_dma source(%arg10 : memref<81920xf32, #tpu.memory_space<vmem>>) target(%dma_start3A_42 : memref<81920xf32, #tpu.memory_space<hbm>>) target_semaphore(%run_scoped3A : memref<!tpu.dma_semaphore, #tpu.memory_space<semaphore_mem>>)
      %dma_wait3A_43 = arith.constant 0 : i32
      %dma_wait3A_44 = tpu.memref_slice %arg5[%add3A, %dma_wait3A_43] : memref<32x81920xf32, #tpu.memory_space<hbm>> -> memref<1x81920xf32, #tpu.memory_space<hbm>>
      %dma_wait3A_45 = tpu.memref_squeeze %dma_wait3A_44 : memref<1x81920xf32, #tpu.memory_space<hbm>> -> memref<81920xf32, #tpu.memory_space<hbm>>
      %dma_wait3A_46 = arith.constant 0 : i32
      %dma_wait3A_47 = tpu.memref_slice %arg5[%add3A, %dma_wait3A_46] : memref<32x81920xf32, #tpu.memory_space<hbm>> -> memref<1x81920xf32, #tpu.memory_space<hbm>>
      %dma_wait3A_48 = tpu.memref_squeeze %dma_wait3A_47 : memref<1x81920xf32, #tpu.memory_space<hbm>> -> memref<81920xf32, #tpu.memory_space<hbm>>
      tpu.wait_dma2 semaphore(%run_scoped3A : memref<!tpu.dma_semaphore, #tpu.memory_space<semaphore_mem>>) src(%arg10 : memref<81920xf32, #tpu.memory_space<vmem>>) dst(%dma_wait3A_48 : memref<81920xf32, #tpu.memory_space<hbm>>)
      tpu.yield
    }) : () -> ()
    return
  }
}

#map = affine_map<(d0, d1) -> (0)>
#map1 = affine_map<(d0, d1) -> (0, 0)>
module attributes {stable_mosaic.version = 14 : i64} {
  func.func @_sc_gather_body(%arg0: i32, %arg1: i32, %arg2: memref<320000xi32, #tpu.memory_space<hbm>>, %arg3: memref<320000xi32, #tpu.memory_space<hbm>>, %arg4: memref<10000x128xf32, #tpu.memory_space<hbm>>, %arg5: memref<10000x128xi32, #tpu.memory_space<hbm>>, %arg6: memref<320000x128xf32, #tpu.memory_space<hbm>>, %arg7: memref<320000x128xi32, #tpu.memory_space<hbm>>, %arg8: memref<80xi32, #tpu.memory_space<vmem>>, %arg9: memref<80xi32, #tpu.memory_space<vmem>>, %arg10: memref<80xi32, #tpu.memory_space<vmem>>, %arg11: memref<80xi32, #tpu.memory_space<vmem>>, %arg12: memref<80x128xf32, #tpu.memory_space<vmem>>, %arg13: memref<80x128xi32, #tpu.memory_space<vmem>>, %arg14: memref<80x128xf32, #tpu.memory_space<vmem>>, %arg15: memref<80x128xi32, #tpu.memory_space<vmem>>, %arg16: memref<!tpu.dma_semaphore, #tpu.memory_space<semaphore_mem>>, %arg17: memref<!tpu.dma_semaphore, #tpu.memory_space<semaphore_mem>>, %arg18: memref<!tpu.dma_semaphore, #tpu.memory_space<semaphore_mem>>, %arg19: memref<!tpu.dma_semaphore, #tpu.memory_space<semaphore_mem>>, %arg20: memref<!tpu.dma_semaphore, #tpu.memory_space<semaphore_mem>>, %arg21: memref<!tpu.dma_semaphore, #tpu.memory_space<semaphore_mem>>) attributes {dimension_semantics = [#tpu.dimension_semantics<core_parallel>, #tpu.dimension_semantics<subcore_parallel>], iteration_bounds = array<i64: 2, 16>, scalar_prefetch = 0 : i64, scratch_operands = 14 : i64, tpu.core_type = #tpu.core_type<sc_vector_subcore>, window_params = [{transform_indices = #map}, {transform_indices = #map}, {transform_indices = #map1}, {transform_indices = #map1}, {transform_indices = #map1}, {transform_indices = #map1}]} {
    %mul3A = arith.constant 2 : i32
    %mul3A_0 = arith.muli %arg1, %mul3A : i32
    %add3A = arith.addi %mul3A_0, %arg0 : i32
    %mul3A_1 = arith.constant 10000 : i32
    %mul3A_2 = arith.muli %add3A, %mul3A_1 : i32
    %add3A_3 = arith.constant 0 : i32
    %add3A_4 = arith.addi %mul3A_2, %add3A_3 : i32
    %dma_start3A = tpu.memref_slice %arg2[%add3A_4] : memref<320000xi32, #tpu.memory_space<hbm>> -> memref<80xi32, #tpu.memory_space<hbm>>
    %dma_start3A_5 = tpu.memref_slice %arg2[%add3A_4] : memref<320000xi32, #tpu.memory_space<hbm>> -> memref<80xi32, #tpu.memory_space<hbm>>
    tpu.enqueue_dma source(%dma_start3A_5 : memref<80xi32, #tpu.memory_space<hbm>>) target(%arg8 : memref<80xi32, #tpu.memory_space<vmem>>) target_semaphore(%arg16 : memref<!tpu.dma_semaphore, #tpu.memory_space<semaphore_mem>>)
    %dma_start3A_6 = tpu.memref_slice %arg3[%add3A_4] : memref<320000xi32, #tpu.memory_space<hbm>> -> memref<80xi32, #tpu.memory_space<hbm>>
    %dma_start3A_7 = tpu.memref_slice %arg3[%add3A_4] : memref<320000xi32, #tpu.memory_space<hbm>> -> memref<80xi32, #tpu.memory_space<hbm>>
    tpu.enqueue_dma source(%dma_start3A_7 : memref<80xi32, #tpu.memory_space<hbm>>) target(%arg9 : memref<80xi32, #tpu.memory_space<vmem>>) target_semaphore(%arg16 : memref<!tpu.dma_semaphore, #tpu.memory_space<semaphore_mem>>)
    %add3A_8 = arith.constant 80 : i32
    %add3A_9 = arith.addi %mul3A_2, %add3A_8 : i32
    %dma_start3A_10 = tpu.memref_slice %arg2[%add3A_9] : memref<320000xi32, #tpu.memory_space<hbm>> -> memref<80xi32, #tpu.memory_space<hbm>>
    %dma_start3A_11 = tpu.memref_slice %arg2[%add3A_9] : memref<320000xi32, #tpu.memory_space<hbm>> -> memref<80xi32, #tpu.memory_space<hbm>>
    tpu.enqueue_dma source(%dma_start3A_11 : memref<80xi32, #tpu.memory_space<hbm>>) target(%arg10 : memref<80xi32, #tpu.memory_space<vmem>>) target_semaphore(%arg17 : memref<!tpu.dma_semaphore, #tpu.memory_space<semaphore_mem>>)
    %dma_start3A_12 = tpu.memref_slice %arg3[%add3A_9] : memref<320000xi32, #tpu.memory_space<hbm>> -> memref<80xi32, #tpu.memory_space<hbm>>
    %dma_start3A_13 = tpu.memref_slice %arg3[%add3A_9] : memref<320000xi32, #tpu.memory_space<hbm>> -> memref<80xi32, #tpu.memory_space<hbm>>
    tpu.enqueue_dma source(%dma_start3A_13 : memref<80xi32, #tpu.memory_space<hbm>>) target(%arg11 : memref<80xi32, #tpu.memory_space<vmem>>) target_semaphore(%arg17 : memref<!tpu.dma_semaphore, #tpu.memory_space<semaphore_mem>>)
    %add3A_14 = arith.constant 0 : i32
    %add3A_15 = arith.addi %mul3A_2, %add3A_14 : i32
    %dma_wait3A = tpu.memref_slice %arg2[%add3A_15] : memref<320000xi32, #tpu.memory_space<hbm>> -> memref<80xi32, #tpu.memory_space<hbm>>
    %dma_wait3A_16 = tpu.memref_slice %arg2[%add3A_15] : memref<320000xi32, #tpu.memory_space<hbm>> -> memref<80xi32, #tpu.memory_space<hbm>>
    tpu.wait_dma2 semaphore(%arg16 : memref<!tpu.dma_semaphore, #tpu.memory_space<semaphore_mem>>) src(%dma_wait3A_16 : memref<80xi32, #tpu.memory_space<hbm>>) dst(%arg8 : memref<80xi32, #tpu.memory_space<vmem>>)
    %dma_wait3A_17 = tpu.memref_slice %arg3[%add3A_15] : memref<320000xi32, #tpu.memory_space<hbm>> -> memref<80xi32, #tpu.memory_space<hbm>>
    %dma_wait3A_18 = tpu.memref_slice %arg3[%add3A_15] : memref<320000xi32, #tpu.memory_space<hbm>> -> memref<80xi32, #tpu.memory_space<hbm>>
    tpu.wait_dma2 semaphore(%arg16 : memref<!tpu.dma_semaphore, #tpu.memory_space<semaphore_mem>>) src(%dma_wait3A_18 : memref<80xi32, #tpu.memory_space<hbm>>) dst(%arg9 : memref<80xi32, #tpu.memory_space<vmem>>)
    %dma_start3A_19 = arith.constant 0 : i32
    %dma_start3A_20 = arith.constant 0 : i32
    %dma_start3A_21 = tpu.memref_slice %arg4[%dma_start3A_19, %dma_start3A_20] : memref<10000x128xf32, #tpu.memory_space<hbm>> -> memref<10000x128xf32, #tpu.memory_space<hbm>>
    tpu.enqueue_indirect_dma source(%dma_start3A_21 : memref<10000x128xf32, #tpu.memory_space<hbm>>) target(%arg12 : memref<80x128xf32, #tpu.memory_space<vmem>>) offsets(%arg8 : memref<80xi32, #tpu.memory_space<vmem>>) semaphore(%arg18 : memref<!tpu.dma_semaphore, #tpu.memory_space<semaphore_mem>>)
    %dma_start3A_22 = arith.constant 0 : i32
    %dma_start3A_23 = arith.constant 0 : i32
    %dma_start3A_24 = tpu.memref_slice %arg5[%dma_start3A_22, %dma_start3A_23] : memref<10000x128xi32, #tpu.memory_space<hbm>> -> memref<10000x128xi32, #tpu.memory_space<hbm>>
    tpu.enqueue_indirect_dma source(%dma_start3A_24 : memref<10000x128xi32, #tpu.memory_space<hbm>>) target(%arg13 : memref<80x128xi32, #tpu.memory_space<vmem>>) offsets(%arg9 : memref<80xi32, #tpu.memory_space<vmem>>) semaphore(%arg18 : memref<!tpu.dma_semaphore, #tpu.memory_space<semaphore_mem>>)
    %scan3A = arith.constant 0 : i32
    %scan3A_25 = arith.constant 62 : i32
    %scan3A_26 = arith.addi %scan3A, %scan3A_25 : i32
    %scan3A_27 = arith.constant 1 : i32
    scf.for %scan3A_65 = %scan3A to %scan3A_26 step %scan3A_27  : i32 {
      %mul3A_66 = arith.constant 1 : i32
      %mul3A_67 = arith.muli %scan3A_65, %mul3A_66 : i32
      %add3A_68 = arith.constant 0 : i32
      %add3A_69 = arith.addi %add3A_68, %mul3A_67 : i32
      %mul3A_70 = arith.constant 2 : i32
      %mul3A_71 = arith.muli %add3A_69, %mul3A_70 : i32
      %add3A_72 = arith.constant 0 : i32
      %add3A_73 = arith.addi %mul3A_71, %add3A_72 : i32
      %add3A_74 = arith.constant 1 : i32
      %add3A_75 = arith.addi %add3A_73, %add3A_74 : i32
      %mul3A_76 = arith.constant 80 : i32
      %mul3A_77 = arith.muli %add3A_75, %mul3A_76 : i32
      %add3A_78 = arith.addi %mul3A_2, %mul3A_77 : i32
      %dma_wait3A_79 = tpu.memref_slice %arg2[%add3A_78] : memref<320000xi32, #tpu.memory_space<hbm>> -> memref<80xi32, #tpu.memory_space<hbm>>
      %dma_wait3A_80 = tpu.memref_slice %arg2[%add3A_78] : memref<320000xi32, #tpu.memory_space<hbm>> -> memref<80xi32, #tpu.memory_space<hbm>>
      tpu.wait_dma2 semaphore(%arg17 : memref<!tpu.dma_semaphore, #tpu.memory_space<semaphore_mem>>) src(%dma_wait3A_80 : memref<80xi32, #tpu.memory_space<hbm>>) dst(%arg10 : memref<80xi32, #tpu.memory_space<vmem>>)
      %dma_wait3A_81 = tpu.memref_slice %arg3[%add3A_78] : memref<320000xi32, #tpu.memory_space<hbm>> -> memref<80xi32, #tpu.memory_space<hbm>>
      %dma_wait3A_82 = tpu.memref_slice %arg3[%add3A_78] : memref<320000xi32, #tpu.memory_space<hbm>> -> memref<80xi32, #tpu.memory_space<hbm>>
      tpu.wait_dma2 semaphore(%arg17 : memref<!tpu.dma_semaphore, #tpu.memory_space<semaphore_mem>>) src(%dma_wait3A_82 : memref<80xi32, #tpu.memory_space<hbm>>) dst(%arg11 : memref<80xi32, #tpu.memory_space<vmem>>)
      %ge3A = arith.constant 1 : i32
      %ge3A_83 = arith.cmpi sge, %add3A_73, %ge3A : i32
      %convert_element_type3A = arith.extui %ge3A_83 : i1 to i32
      %cond3A = arith.constant 0 : i32
      %cond3A_84 = arith.cmpi ne, %convert_element_type3A, %cond3A : i32
      scf.if %cond3A_84 {
        %sub3A = arith.constant 1 : i32
        %sub3A_162 = arith.subi %add3A_73, %sub3A : i32
        %mul3A_163 = arith.constant 80 : i32
        %mul3A_164 = arith.muli %sub3A_162, %mul3A_163 : i32
        %add3A_165 = arith.addi %mul3A_2, %mul3A_164 : i32
        %dma_wait3A_166 = arith.constant 0 : i32
        %dma_wait3A_167 = tpu.memref_slice %arg6[%add3A_165, %dma_wait3A_166] : memref<320000x128xf32, #tpu.memory_space<hbm>> -> memref<80x128xf32, #tpu.memory_space<hbm>>
        %dma_wait3A_168 = arith.constant 0 : i32
        %dma_wait3A_169 = tpu.memref_slice %arg6[%add3A_165, %dma_wait3A_168] : memref<320000x128xf32, #tpu.memory_space<hbm>> -> memref<80x128xf32, #tpu.memory_space<hbm>>
        tpu.wait_dma2 semaphore(%arg21 : memref<!tpu.dma_semaphore, #tpu.memory_space<semaphore_mem>>) src(%arg14 : memref<80x128xf32, #tpu.memory_space<vmem>>) dst(%dma_wait3A_169 : memref<80x128xf32, #tpu.memory_space<hbm>>)
        %dma_wait3A_170 = arith.constant 0 : i32
        %dma_wait3A_171 = tpu.memref_slice %arg7[%add3A_165, %dma_wait3A_170] : memref<320000x128xi32, #tpu.memory_space<hbm>> -> memref<80x128xi32, #tpu.memory_space<hbm>>
        %dma_wait3A_172 = arith.constant 0 : i32
        %dma_wait3A_173 = tpu.memref_slice %arg7[%add3A_165, %dma_wait3A_172] : memref<320000x128xi32, #tpu.memory_space<hbm>> -> memref<80x128xi32, #tpu.memory_space<hbm>>
        tpu.wait_dma2 semaphore(%arg21 : memref<!tpu.dma_semaphore, #tpu.memory_space<semaphore_mem>>) src(%arg15 : memref<80x128xi32, #tpu.memory_space<vmem>>) dst(%dma_wait3A_173 : memref<80x128xi32, #tpu.memory_space<hbm>>)
      } else {
      }
      %dma_start3A_85 = arith.constant 0 : i32
      %dma_start3A_86 = arith.constant 0 : i32
      %dma_start3A_87 = tpu.memref_slice %arg4[%dma_start3A_85, %dma_start3A_86] : memref<10000x128xf32, #tpu.memory_space<hbm>> -> memref<10000x128xf32, #tpu.memory_space<hbm>>
      tpu.enqueue_indirect_dma source(%dma_start3A_87 : memref<10000x128xf32, #tpu.memory_space<hbm>>) target(%arg14 : memref<80x128xf32, #tpu.memory_space<vmem>>) offsets(%arg10 : memref<80xi32, #tpu.memory_space<vmem>>) semaphore(%arg19 : memref<!tpu.dma_semaphore, #tpu.memory_space<semaphore_mem>>)
      %dma_start3A_88 = arith.constant 0 : i32
      %dma_start3A_89 = arith.constant 0 : i32
      %dma_start3A_90 = tpu.memref_slice %arg5[%dma_start3A_88, %dma_start3A_89] : memref<10000x128xi32, #tpu.memory_space<hbm>> -> memref<10000x128xi32, #tpu.memory_space<hbm>>
      tpu.enqueue_indirect_dma source(%dma_start3A_90 : memref<10000x128xi32, #tpu.memory_space<hbm>>) target(%arg15 : memref<80x128xi32, #tpu.memory_space<vmem>>) offsets(%arg11 : memref<80xi32, #tpu.memory_space<vmem>>) semaphore(%arg19 : memref<!tpu.dma_semaphore, #tpu.memory_space<semaphore_mem>>)
      %dma_wait3A_91 = arith.constant 0 : i32
      %dma_wait3A_92 = arith.constant 0 : i32
      %dma_wait3A_93 = tpu.memref_slice %arg4[%dma_wait3A_91, %dma_wait3A_92] : memref<10000x128xf32, #tpu.memory_space<hbm>> -> memref<10000x128xf32, #tpu.memory_space<hbm>>
      tpu.wait_indirect_dma semaphore(%arg18 : memref<!tpu.dma_semaphore, #tpu.memory_space<semaphore_mem>>) src(%dma_wait3A_93 : memref<10000x128xf32, #tpu.memory_space<hbm>>) dst(%arg12 : memref<80x128xf32, #tpu.memory_space<vmem>>)
      %dma_wait3A_94 = arith.constant 0 : i32
      %dma_wait3A_95 = arith.constant 0 : i32
      %dma_wait3A_96 = tpu.memref_slice %arg5[%dma_wait3A_94, %dma_wait3A_95] : memref<10000x128xi32, #tpu.memory_space<hbm>> -> memref<10000x128xi32, #tpu.memory_space<hbm>>
      tpu.wait_indirect_dma semaphore(%arg18 : memref<!tpu.dma_semaphore, #tpu.memory_space<semaphore_mem>>) src(%dma_wait3A_96 : memref<10000x128xi32, #tpu.memory_space<hbm>>) dst(%arg13 : memref<80x128xi32, #tpu.memory_space<vmem>>)
      %mul3A_97 = arith.constant 80 : i32
      %mul3A_98 = arith.muli %add3A_73, %mul3A_97 : i32
      %add3A_99 = arith.addi %mul3A_2, %mul3A_98 : i32
      %dma_start3A_100 = arith.constant 0 : i32
      %dma_start3A_101 = tpu.memref_slice %arg6[%add3A_99, %dma_start3A_100] : memref<320000x128xf32, #tpu.memory_space<hbm>> -> memref<80x128xf32, #tpu.memory_space<hbm>>
      %dma_start3A_102 = arith.constant 0 : i32
      %dma_start3A_103 = tpu.memref_slice %arg6[%add3A_99, %dma_start3A_102] : memref<320000x128xf32, #tpu.memory_space<hbm>> -> memref<80x128xf32, #tpu.memory_space<hbm>>
      tpu.enqueue_dma source(%arg12 : memref<80x128xf32, #tpu.memory_space<vmem>>) target(%dma_start3A_103 : memref<80x128xf32, #tpu.memory_space<hbm>>) target_semaphore(%arg20 : memref<!tpu.dma_semaphore, #tpu.memory_space<semaphore_mem>>)
      %dma_start3A_104 = arith.constant 0 : i32
      %dma_start3A_105 = tpu.memref_slice %arg7[%add3A_99, %dma_start3A_104] : memref<320000x128xi32, #tpu.memory_space<hbm>> -> memref<80x128xi32, #tpu.memory_space<hbm>>
      %dma_start3A_106 = arith.constant 0 : i32
      %dma_start3A_107 = tpu.memref_slice %arg7[%add3A_99, %dma_start3A_106] : memref<320000x128xi32, #tpu.memory_space<hbm>> -> memref<80x128xi32, #tpu.memory_space<hbm>>
      tpu.enqueue_dma source(%arg13 : memref<80x128xi32, #tpu.memory_space<vmem>>) target(%dma_start3A_107 : memref<80x128xi32, #tpu.memory_space<hbm>>) target_semaphore(%arg20 : memref<!tpu.dma_semaphore, #tpu.memory_space<semaphore_mem>>)
      %add3A_108 = arith.constant 2 : i32
      %add3A_109 = arith.addi %add3A_73, %add3A_108 : i32
      %lt3A = arith.constant 125 : i32
      %lt3A_110 = arith.cmpi slt, %add3A_109, %lt3A : i32
      %convert_element_type3A_111 = arith.extui %lt3A_110 : i1 to i32
      %cond3A_112 = arith.constant 0 : i32
      %cond3A_113 = arith.cmpi ne, %convert_element_type3A_111, %cond3A_112 : i32
      scf.if %cond3A_113 {
        %add3A_162 = arith.constant 2 : i32
        %add3A_163 = arith.addi %add3A_73, %add3A_162 : i32
        %mul3A_164 = arith.constant 80 : i32
        %mul3A_165 = arith.muli %add3A_163, %mul3A_164 : i32
        %add3A_166 = arith.addi %mul3A_2, %mul3A_165 : i32
        %dma_start3A_167 = tpu.memref_slice %arg2[%add3A_166] : memref<320000xi32, #tpu.memory_space<hbm>> -> memref<80xi32, #tpu.memory_space<hbm>>
        %dma_start3A_168 = tpu.memref_slice %arg2[%add3A_166] : memref<320000xi32, #tpu.memory_space<hbm>> -> memref<80xi32, #tpu.memory_space<hbm>>
        tpu.enqueue_dma source(%dma_start3A_168 : memref<80xi32, #tpu.memory_space<hbm>>) target(%arg8 : memref<80xi32, #tpu.memory_space<vmem>>) target_semaphore(%arg16 : memref<!tpu.dma_semaphore, #tpu.memory_space<semaphore_mem>>)
        %dma_start3A_169 = tpu.memref_slice %arg3[%add3A_166] : memref<320000xi32, #tpu.memory_space<hbm>> -> memref<80xi32, #tpu.memory_space<hbm>>
        %dma_start3A_170 = tpu.memref_slice %arg3[%add3A_166] : memref<320000xi32, #tpu.memory_space<hbm>> -> memref<80xi32, #tpu.memory_space<hbm>>
        tpu.enqueue_dma source(%dma_start3A_170 : memref<80xi32, #tpu.memory_space<hbm>>) target(%arg9 : memref<80xi32, #tpu.memory_space<vmem>>) target_semaphore(%arg16 : memref<!tpu.dma_semaphore, #tpu.memory_space<semaphore_mem>>)
      } else {
      }
      %mul3A_114 = arith.constant 2 : i32
      %mul3A_115 = arith.muli %add3A_69, %mul3A_114 : i32
      %add3A_116 = arith.constant 1 : i32
      %add3A_117 = arith.addi %mul3A_115, %add3A_116 : i32
      %add3A_118 = arith.constant 1 : i32
      %add3A_119 = arith.addi %add3A_117, %add3A_118 : i32
      %mul3A_120 = arith.constant 80 : i32
      %mul3A_121 = arith.muli %add3A_119, %mul3A_120 : i32
      %add3A_122 = arith.addi %mul3A_2, %mul3A_121 : i32
      %dma_wait3A_123 = tpu.memref_slice %arg2[%add3A_122] : memref<320000xi32, #tpu.memory_space<hbm>> -> memref<80xi32, #tpu.memory_space<hbm>>
      %dma_wait3A_124 = tpu.memref_slice %arg2[%add3A_122] : memref<320000xi32, #tpu.memory_space<hbm>> -> memref<80xi32, #tpu.memory_space<hbm>>
      tpu.wait_dma2 semaphore(%arg16 : memref<!tpu.dma_semaphore, #tpu.memory_space<semaphore_mem>>) src(%dma_wait3A_124 : memref<80xi32, #tpu.memory_space<hbm>>) dst(%arg8 : memref<80xi32, #tpu.memory_space<vmem>>)
      %dma_wait3A_125 = tpu.memref_slice %arg3[%add3A_122] : memref<320000xi32, #tpu.memory_space<hbm>> -> memref<80xi32, #tpu.memory_space<hbm>>
      %dma_wait3A_126 = tpu.memref_slice %arg3[%add3A_122] : memref<320000xi32, #tpu.memory_space<hbm>> -> memref<80xi32, #tpu.memory_space<hbm>>
      tpu.wait_dma2 semaphore(%arg16 : memref<!tpu.dma_semaphore, #tpu.memory_space<semaphore_mem>>) src(%dma_wait3A_126 : memref<80xi32, #tpu.memory_space<hbm>>) dst(%arg9 : memref<80xi32, #tpu.memory_space<vmem>>)
      %ge3A_127 = arith.constant 1 : i32
      %ge3A_128 = arith.cmpi sge, %add3A_117, %ge3A_127 : i32
      %convert_element_type3A_129 = arith.extui %ge3A_128 : i1 to i32
      %cond3A_130 = arith.constant 0 : i32
      %cond3A_131 = arith.cmpi ne, %convert_element_type3A_129, %cond3A_130 : i32
      scf.if %cond3A_131 {
        %sub3A = arith.constant 1 : i32
        %sub3A_162 = arith.subi %add3A_117, %sub3A : i32
        %mul3A_163 = arith.constant 80 : i32
        %mul3A_164 = arith.muli %sub3A_162, %mul3A_163 : i32
        %add3A_165 = arith.addi %mul3A_2, %mul3A_164 : i32
        %dma_wait3A_166 = arith.constant 0 : i32
        %dma_wait3A_167 = tpu.memref_slice %arg6[%add3A_165, %dma_wait3A_166] : memref<320000x128xf32, #tpu.memory_space<hbm>> -> memref<80x128xf32, #tpu.memory_space<hbm>>
        %dma_wait3A_168 = arith.constant 0 : i32
        %dma_wait3A_169 = tpu.memref_slice %arg6[%add3A_165, %dma_wait3A_168] : memref<320000x128xf32, #tpu.memory_space<hbm>> -> memref<80x128xf32, #tpu.memory_space<hbm>>
        tpu.wait_dma2 semaphore(%arg20 : memref<!tpu.dma_semaphore, #tpu.memory_space<semaphore_mem>>) src(%arg12 : memref<80x128xf32, #tpu.memory_space<vmem>>) dst(%dma_wait3A_169 : memref<80x128xf32, #tpu.memory_space<hbm>>)
        %dma_wait3A_170 = arith.constant 0 : i32
        %dma_wait3A_171 = tpu.memref_slice %arg7[%add3A_165, %dma_wait3A_170] : memref<320000x128xi32, #tpu.memory_space<hbm>> -> memref<80x128xi32, #tpu.memory_space<hbm>>
        %dma_wait3A_172 = arith.constant 0 : i32
        %dma_wait3A_173 = tpu.memref_slice %arg7[%add3A_165, %dma_wait3A_172] : memref<320000x128xi32, #tpu.memory_space<hbm>> -> memref<80x128xi32, #tpu.memory_space<hbm>>
        tpu.wait_dma2 semaphore(%arg20 : memref<!tpu.dma_semaphore, #tpu.memory_space<semaphore_mem>>) src(%arg13 : memref<80x128xi32, #tpu.memory_space<vmem>>) dst(%dma_wait3A_173 : memref<80x128xi32, #tpu.memory_space<hbm>>)
      } else {
      }
      %dma_start3A_132 = arith.constant 0 : i32
      %dma_start3A_133 = arith.constant 0 : i32
      %dma_start3A_134 = tpu.memref_slice %arg4[%dma_start3A_132, %dma_start3A_133] : memref<10000x128xf32, #tpu.memory_space<hbm>> -> memref<10000x128xf32, #tpu.memory_space<hbm>>
      tpu.enqueue_indirect_dma source(%dma_start3A_134 : memref<10000x128xf32, #tpu.memory_space<hbm>>) target(%arg12 : memref<80x128xf32, #tpu.memory_space<vmem>>) offsets(%arg8 : memref<80xi32, #tpu.memory_space<vmem>>) semaphore(%arg18 : memref<!tpu.dma_semaphore, #tpu.memory_space<semaphore_mem>>)
      %dma_start3A_135 = arith.constant 0 : i32
      %dma_start3A_136 = arith.constant 0 : i32
      %dma_start3A_137 = tpu.memref_slice %arg5[%dma_start3A_135, %dma_start3A_136] : memref<10000x128xi32, #tpu.memory_space<hbm>> -> memref<10000x128xi32, #tpu.memory_space<hbm>>
      tpu.enqueue_indirect_dma source(%dma_start3A_137 : memref<10000x128xi32, #tpu.memory_space<hbm>>) target(%arg13 : memref<80x128xi32, #tpu.memory_space<vmem>>) offsets(%arg9 : memref<80xi32, #tpu.memory_space<vmem>>) semaphore(%arg18 : memref<!tpu.dma_semaphore, #tpu.memory_space<semaphore_mem>>)
      %dma_wait3A_138 = arith.constant 0 : i32
      %dma_wait3A_139 = arith.constant 0 : i32
      %dma_wait3A_140 = tpu.memref_slice %arg4[%dma_wait3A_138, %dma_wait3A_139] : memref<10000x128xf32, #tpu.memory_space<hbm>> -> memref<10000x128xf32, #tpu.memory_space<hbm>>
      tpu.wait_indirect_dma semaphore(%arg19 : memref<!tpu.dma_semaphore, #tpu.memory_space<semaphore_mem>>) src(%dma_wait3A_140 : memref<10000x128xf32, #tpu.memory_space<hbm>>) dst(%arg14 : memref<80x128xf32, #tpu.memory_space<vmem>>)
      %dma_wait3A_141 = arith.constant 0 : i32
      %dma_wait3A_142 = arith.constant 0 : i32
      %dma_wait3A_143 = tpu.memref_slice %arg5[%dma_wait3A_141, %dma_wait3A_142] : memref<10000x128xi32, #tpu.memory_space<hbm>> -> memref<10000x128xi32, #tpu.memory_space<hbm>>
      tpu.wait_indirect_dma semaphore(%arg19 : memref<!tpu.dma_semaphore, #tpu.memory_space<semaphore_mem>>) src(%dma_wait3A_143 : memref<10000x128xi32, #tpu.memory_space<hbm>>) dst(%arg15 : memref<80x128xi32, #tpu.memory_space<vmem>>)
      %mul3A_144 = arith.constant 80 : i32
      %mul3A_145 = arith.muli %add3A_117, %mul3A_144 : i32
      %add3A_146 = arith.addi %mul3A_2, %mul3A_145 : i32
      %dma_start3A_147 = arith.constant 0 : i32
      %dma_start3A_148 = tpu.memref_slice %arg6[%add3A_146, %dma_start3A_147] : memref<320000x128xf32, #tpu.memory_space<hbm>> -> memref<80x128xf32, #tpu.memory_space<hbm>>
      %dma_start3A_149 = arith.constant 0 : i32
      %dma_start3A_150 = tpu.memref_slice %arg6[%add3A_146, %dma_start3A_149] : memref<320000x128xf32, #tpu.memory_space<hbm>> -> memref<80x128xf32, #tpu.memory_space<hbm>>
      tpu.enqueue_dma source(%arg14 : memref<80x128xf32, #tpu.memory_space<vmem>>) target(%dma_start3A_150 : memref<80x128xf32, #tpu.memory_space<hbm>>) target_semaphore(%arg21 : memref<!tpu.dma_semaphore, #tpu.memory_space<semaphore_mem>>)
      %dma_start3A_151 = arith.constant 0 : i32
      %dma_start3A_152 = tpu.memref_slice %arg7[%add3A_146, %dma_start3A_151] : memref<320000x128xi32, #tpu.memory_space<hbm>> -> memref<80x128xi32, #tpu.memory_space<hbm>>
      %dma_start3A_153 = arith.constant 0 : i32
      %dma_start3A_154 = tpu.memref_slice %arg7[%add3A_146, %dma_start3A_153] : memref<320000x128xi32, #tpu.memory_space<hbm>> -> memref<80x128xi32, #tpu.memory_space<hbm>>
      tpu.enqueue_dma source(%arg15 : memref<80x128xi32, #tpu.memory_space<vmem>>) target(%dma_start3A_154 : memref<80x128xi32, #tpu.memory_space<hbm>>) target_semaphore(%arg21 : memref<!tpu.dma_semaphore, #tpu.memory_space<semaphore_mem>>)
      %add3A_155 = arith.constant 2 : i32
      %add3A_156 = arith.addi %add3A_117, %add3A_155 : i32
      %lt3A_157 = arith.constant 125 : i32
      %lt3A_158 = arith.cmpi slt, %add3A_156, %lt3A_157 : i32
      %convert_element_type3A_159 = arith.extui %lt3A_158 : i1 to i32
      %cond3A_160 = arith.constant 0 : i32
      %cond3A_161 = arith.cmpi ne, %convert_element_type3A_159, %cond3A_160 : i32
      scf.if %cond3A_161 {
        %add3A_162 = arith.constant 2 : i32
        %add3A_163 = arith.addi %add3A_117, %add3A_162 : i32
        %mul3A_164 = arith.constant 80 : i32
        %mul3A_165 = arith.muli %add3A_163, %mul3A_164 : i32
        %add3A_166 = arith.addi %mul3A_2, %mul3A_165 : i32
        %dma_start3A_167 = tpu.memref_slice %arg2[%add3A_166] : memref<320000xi32, #tpu.memory_space<hbm>> -> memref<80xi32, #tpu.memory_space<hbm>>
        %dma_start3A_168 = tpu.memref_slice %arg2[%add3A_166] : memref<320000xi32, #tpu.memory_space<hbm>> -> memref<80xi32, #tpu.memory_space<hbm>>
        tpu.enqueue_dma source(%dma_start3A_168 : memref<80xi32, #tpu.memory_space<hbm>>) target(%arg10 : memref<80xi32, #tpu.memory_space<vmem>>) target_semaphore(%arg17 : memref<!tpu.dma_semaphore, #tpu.memory_space<semaphore_mem>>)
        %dma_start3A_169 = tpu.memref_slice %arg3[%add3A_166] : memref<320000xi32, #tpu.memory_space<hbm>> -> memref<80xi32, #tpu.memory_space<hbm>>
        %dma_start3A_170 = tpu.memref_slice %arg3[%add3A_166] : memref<320000xi32, #tpu.memory_space<hbm>> -> memref<80xi32, #tpu.memory_space<hbm>>
        tpu.enqueue_dma source(%dma_start3A_170 : memref<80xi32, #tpu.memory_space<hbm>>) target(%arg11 : memref<80xi32, #tpu.memory_space<vmem>>) target_semaphore(%arg17 : memref<!tpu.dma_semaphore, #tpu.memory_space<semaphore_mem>>)
      } else {
      }
    }
    %scan3A_28 = arith.constant 62 : i32
    %dma_wait3A_29 = arith.constant 0 : i32
    %dma_wait3A_30 = arith.constant 0 : i32
    %dma_wait3A_31 = tpu.memref_slice %arg4[%dma_wait3A_29, %dma_wait3A_30] : memref<10000x128xf32, #tpu.memory_space<hbm>> -> memref<10000x128xf32, #tpu.memory_space<hbm>>
    tpu.wait_indirect_dma semaphore(%arg18 : memref<!tpu.dma_semaphore, #tpu.memory_space<semaphore_mem>>) src(%dma_wait3A_31 : memref<10000x128xf32, #tpu.memory_space<hbm>>) dst(%arg12 : memref<80x128xf32, #tpu.memory_space<vmem>>)
    %dma_wait3A_32 = arith.constant 0 : i32
    %dma_wait3A_33 = arith.constant 0 : i32
    %dma_wait3A_34 = tpu.memref_slice %arg5[%dma_wait3A_32, %dma_wait3A_33] : memref<10000x128xi32, #tpu.memory_space<hbm>> -> memref<10000x128xi32, #tpu.memory_space<hbm>>
    tpu.wait_indirect_dma semaphore(%arg18 : memref<!tpu.dma_semaphore, #tpu.memory_space<semaphore_mem>>) src(%dma_wait3A_34 : memref<10000x128xi32, #tpu.memory_space<hbm>>) dst(%arg13 : memref<80x128xi32, #tpu.memory_space<vmem>>)
    %add3A_35 = arith.constant 9920 : i32
    %add3A_36 = arith.addi %mul3A_2, %add3A_35 : i32
    %dma_start3A_37 = arith.constant 0 : i32
    %dma_start3A_38 = tpu.memref_slice %arg6[%add3A_36, %dma_start3A_37] : memref<320000x128xf32, #tpu.memory_space<hbm>> -> memref<80x128xf32, #tpu.memory_space<hbm>>
    %dma_start3A_39 = arith.constant 0 : i32
    %dma_start3A_40 = tpu.memref_slice %arg6[%add3A_36, %dma_start3A_39] : memref<320000x128xf32, #tpu.memory_space<hbm>> -> memref<80x128xf32, #tpu.memory_space<hbm>>
    tpu.enqueue_dma source(%arg12 : memref<80x128xf32, #tpu.memory_space<vmem>>) target(%dma_start3A_40 : memref<80x128xf32, #tpu.memory_space<hbm>>) target_semaphore(%arg20 : memref<!tpu.dma_semaphore, #tpu.memory_space<semaphore_mem>>)
    %dma_start3A_41 = arith.constant 0 : i32
    %dma_start3A_42 = tpu.memref_slice %arg7[%add3A_36, %dma_start3A_41] : memref<320000x128xi32, #tpu.memory_space<hbm>> -> memref<80x128xi32, #tpu.memory_space<hbm>>
    %dma_start3A_43 = arith.constant 0 : i32
    %dma_start3A_44 = tpu.memref_slice %arg7[%add3A_36, %dma_start3A_43] : memref<320000x128xi32, #tpu.memory_space<hbm>> -> memref<80x128xi32, #tpu.memory_space<hbm>>
    tpu.enqueue_dma source(%arg13 : memref<80x128xi32, #tpu.memory_space<vmem>>) target(%dma_start3A_44 : memref<80x128xi32, #tpu.memory_space<hbm>>) target_semaphore(%arg20 : memref<!tpu.dma_semaphore, #tpu.memory_space<semaphore_mem>>)
    %add3A_45 = arith.constant 9840 : i32
    %add3A_46 = arith.addi %mul3A_2, %add3A_45 : i32
    %dma_wait3A_47 = arith.constant 0 : i32
    %dma_wait3A_48 = tpu.memref_slice %arg6[%add3A_46, %dma_wait3A_47] : memref<320000x128xf32, #tpu.memory_space<hbm>> -> memref<80x128xf32, #tpu.memory_space<hbm>>
    %dma_wait3A_49 = arith.constant 0 : i32
    %dma_wait3A_50 = tpu.memref_slice %arg6[%add3A_46, %dma_wait3A_49] : memref<320000x128xf32, #tpu.memory_space<hbm>> -> memref<80x128xf32, #tpu.memory_space<hbm>>
    tpu.wait_dma2 semaphore(%arg21 : memref<!tpu.dma_semaphore, #tpu.memory_space<semaphore_mem>>) src(%arg14 : memref<80x128xf32, #tpu.memory_space<vmem>>) dst(%dma_wait3A_50 : memref<80x128xf32, #tpu.memory_space<hbm>>)
    %dma_wait3A_51 = arith.constant 0 : i32
    %dma_wait3A_52 = tpu.memref_slice %arg7[%add3A_46, %dma_wait3A_51] : memref<320000x128xi32, #tpu.memory_space<hbm>> -> memref<80x128xi32, #tpu.memory_space<hbm>>
    %dma_wait3A_53 = arith.constant 0 : i32
    %dma_wait3A_54 = tpu.memref_slice %arg7[%add3A_46, %dma_wait3A_53] : memref<320000x128xi32, #tpu.memory_space<hbm>> -> memref<80x128xi32, #tpu.memory_space<hbm>>
    tpu.wait_dma2 semaphore(%arg21 : memref<!tpu.dma_semaphore, #tpu.memory_space<semaphore_mem>>) src(%arg15 : memref<80x128xi32, #tpu.memory_space<vmem>>) dst(%dma_wait3A_54 : memref<80x128xi32, #tpu.memory_space<hbm>>)
    %add3A_55 = arith.constant 9920 : i32
    %add3A_56 = arith.addi %mul3A_2, %add3A_55 : i32
    %dma_wait3A_57 = arith.constant 0 : i32
    %dma_wait3A_58 = tpu.memref_slice %arg6[%add3A_56, %dma_wait3A_57] : memref<320000x128xf32, #tpu.memory_space<hbm>> -> memref<80x128xf32, #tpu.memory_space<hbm>>
    %dma_wait3A_59 = arith.constant 0 : i32
    %dma_wait3A_60 = tpu.memref_slice %arg6[%add3A_56, %dma_wait3A_59] : memref<320000x128xf32, #tpu.memory_space<hbm>> -> memref<80x128xf32, #tpu.memory_space<hbm>>
    tpu.wait_dma2 semaphore(%arg20 : memref<!tpu.dma_semaphore, #tpu.memory_space<semaphore_mem>>) src(%arg12 : memref<80x128xf32, #tpu.memory_space<vmem>>) dst(%dma_wait3A_60 : memref<80x128xf32, #tpu.memory_space<hbm>>)
    %dma_wait3A_61 = arith.constant 0 : i32
    %dma_wait3A_62 = tpu.memref_slice %arg7[%add3A_56, %dma_wait3A_61] : memref<320000x128xi32, #tpu.memory_space<hbm>> -> memref<80x128xi32, #tpu.memory_space<hbm>>
    %dma_wait3A_63 = arith.constant 0 : i32
    %dma_wait3A_64 = tpu.memref_slice %arg7[%add3A_56, %dma_wait3A_63] : memref<320000x128xi32, #tpu.memory_space<hbm>> -> memref<80x128xi32, #tpu.memory_space<hbm>>
    tpu.wait_dma2 semaphore(%arg20 : memref<!tpu.dma_semaphore, #tpu.memory_space<semaphore_mem>>) src(%arg13 : memref<80x128xi32, #tpu.memory_space<vmem>>) dst(%dma_wait3A_64 : memref<80x128xi32, #tpu.memory_space<hbm>>)
    return
  }
}

#map = affine_map<(d0, d1) -> (0)>
#map1 = affine_map<(d0, d1) -> (0, 0)>
#map2 = affine_map<(d0, d1) -> (0, 0, 0)>
module attributes {stable_mosaic.version = 14 : i64} {
  func.func @_sc_scat_body(%arg0: i32, %arg1: i32, %arg2: memref<320000xi32, #tpu.memory_space<hbm>>, %arg3: memref<320000x128xf32, #tpu.memory_space<hbm>>, %arg4: memref<10240x128xf32, #tpu.memory_space<hbm>>, %arg5: memref<2x10240x128xf32, #tpu.memory_space<hbm>>, %arg6: memref<80xi32, #tpu.memory_space<vmem>>, %arg7: memref<80xi32, #tpu.memory_space<vmem>>, %arg8: memref<80x128xf32, #tpu.memory_space<vmem>>, %arg9: memref<80x128xf32, #tpu.memory_space<vmem>>, %arg10: memref<80xi32, #tpu.memory_space<vmem>>, %arg11: memref<10240x128xf32, #tpu.memory_space<vmem_shared>>, %arg12: memref<!tpu.dma_semaphore, #tpu.memory_space<semaphore_mem>>, %arg13: memref<!tpu.dma_semaphore, #tpu.memory_space<semaphore_mem>>, %arg14: memref<!tpu.dma_semaphore, #tpu.memory_space<semaphore_mem>>) attributes {dimension_semantics = [#tpu.dimension_semantics<core_parallel>, #tpu.dimension_semantics<subcore_parallel>], iteration_bounds = array<i64: 2, 16>, scalar_prefetch = 0 : i64, scratch_operands = 9 : i64, tpu.core_type = #tpu.core_type<sc_vector_subcore>, window_params = [{transform_indices = #map}, {transform_indices = #map1}, {transform_indices = #map1}, {transform_indices = #map2}]} {
    %mul3A = arith.constant 2 : i32
    %mul3A_0 = arith.muli %arg1, %mul3A : i32
    %add3A = arith.addi %mul3A_0, %arg0 : i32
    %mul3A_1 = arith.constant 640 : i32
    %mul3A_2 = arith.muli %arg1, %mul3A_1 : i32
    %mul3A_3 = arith.constant 640 : i32
    %mul3A_4 = arith.muli %arg1, %mul3A_3 : i32
    "tpu.region"() ({
      %run_scoped3A = tpu.sem_alloc : memref<!tpu.dma_semaphore, #tpu.memory_space<semaphore_mem>>
      %dma_start3A_65 = arith.constant 0 : i32
      %dma_start3A_66 = tpu.memref_slice %arg11[%mul3A_4, %dma_start3A_65] : memref<10240x128xf32, #tpu.memory_space<vmem_shared>> -> memref<640x128xf32, #tpu.memory_space<vmem_shared>>
      %dma_start3A_67 = arith.constant 0 : i32
      %dma_start3A_68 = tpu.memref_slice %arg4[%mul3A_2, %dma_start3A_67] : memref<10240x128xf32, #tpu.memory_space<hbm>> -> memref<640x128xf32, #tpu.memory_space<hbm>>
      tpu.enqueue_dma source(%dma_start3A_68 : memref<640x128xf32, #tpu.memory_space<hbm>>) target(%dma_start3A_66 : memref<640x128xf32, #tpu.memory_space<vmem_shared>>) target_semaphore(%run_scoped3A : memref<!tpu.dma_semaphore, #tpu.memory_space<semaphore_mem>>)
      %dma_wait3A_69 = arith.constant 0 : i32
      %dma_wait3A_70 = tpu.memref_slice %arg11[%mul3A_4, %dma_wait3A_69] : memref<10240x128xf32, #tpu.memory_space<vmem_shared>> -> memref<640x128xf32, #tpu.memory_space<vmem_shared>>
      %dma_wait3A_71 = arith.constant 0 : i32
      %dma_wait3A_72 = tpu.memref_slice %arg4[%mul3A_2, %dma_wait3A_71] : memref<10240x128xf32, #tpu.memory_space<hbm>> -> memref<640x128xf32, #tpu.memory_space<hbm>>
      tpu.wait_dma2 semaphore(%run_scoped3A : memref<!tpu.dma_semaphore, #tpu.memory_space<semaphore_mem>>) src(%dma_wait3A_72 : memref<640x128xf32, #tpu.memory_space<hbm>>) dst(%dma_wait3A_70 : memref<640x128xf32, #tpu.memory_space<vmem_shared>>)
      tpu.yield
    }) : () -> ()
    %barrier3A = arith.constant 0 : index
    tpu.barrier barrier_id(%barrier3A)
    %mul3A_5 = arith.constant 10000 : i32
    %mul3A_6 = arith.muli %add3A, %mul3A_5 : i32
    %add3A_7 = arith.constant 0 : i32
    %add3A_8 = arith.addi %mul3A_6, %add3A_7 : i32
    %dma_start3A = tpu.memref_slice %arg2[%add3A_8] : memref<320000xi32, #tpu.memory_space<hbm>> -> memref<80xi32, #tpu.memory_space<hbm>>
    %dma_start3A_9 = tpu.memref_slice %arg2[%add3A_8] : memref<320000xi32, #tpu.memory_space<hbm>> -> memref<80xi32, #tpu.memory_space<hbm>>
    tpu.enqueue_dma source(%dma_start3A_9 : memref<80xi32, #tpu.memory_space<hbm>>) target(%arg6 : memref<80xi32, #tpu.memory_space<vmem>>) target_semaphore(%arg12 : memref<!tpu.dma_semaphore, #tpu.memory_space<semaphore_mem>>)
    %dma_start3A_10 = arith.constant 0 : i32
    %dma_start3A_11 = tpu.memref_slice %arg3[%add3A_8, %dma_start3A_10] : memref<320000x128xf32, #tpu.memory_space<hbm>> -> memref<80x128xf32, #tpu.memory_space<hbm>>
    %dma_start3A_12 = arith.constant 0 : i32
    %dma_start3A_13 = tpu.memref_slice %arg3[%add3A_8, %dma_start3A_12] : memref<320000x128xf32, #tpu.memory_space<hbm>> -> memref<80x128xf32, #tpu.memory_space<hbm>>
    tpu.enqueue_dma source(%dma_start3A_13 : memref<80x128xf32, #tpu.memory_space<hbm>>) target(%arg8 : memref<80x128xf32, #tpu.memory_space<vmem>>) target_semaphore(%arg12 : memref<!tpu.dma_semaphore, #tpu.memory_space<semaphore_mem>>)
    %add3A_14 = arith.constant 80 : i32
    %add3A_15 = arith.addi %mul3A_6, %add3A_14 : i32
    %dma_start3A_16 = tpu.memref_slice %arg2[%add3A_15] : memref<320000xi32, #tpu.memory_space<hbm>> -> memref<80xi32, #tpu.memory_space<hbm>>
    %dma_start3A_17 = tpu.memref_slice %arg2[%add3A_15] : memref<320000xi32, #tpu.memory_space<hbm>> -> memref<80xi32, #tpu.memory_space<hbm>>
    tpu.enqueue_dma source(%dma_start3A_17 : memref<80xi32, #tpu.memory_space<hbm>>) target(%arg7 : memref<80xi32, #tpu.memory_space<vmem>>) target_semaphore(%arg13 : memref<!tpu.dma_semaphore, #tpu.memory_space<semaphore_mem>>)
    %dma_start3A_18 = arith.constant 0 : i32
    %dma_start3A_19 = tpu.memref_slice %arg3[%add3A_15, %dma_start3A_18] : memref<320000x128xf32, #tpu.memory_space<hbm>> -> memref<80x128xf32, #tpu.memory_space<hbm>>
    %dma_start3A_20 = arith.constant 0 : i32
    %dma_start3A_21 = tpu.memref_slice %arg3[%add3A_15, %dma_start3A_20] : memref<320000x128xf32, #tpu.memory_space<hbm>> -> memref<80x128xf32, #tpu.memory_space<hbm>>
    tpu.enqueue_dma source(%dma_start3A_21 : memref<80x128xf32, #tpu.memory_space<hbm>>) target(%arg9 : memref<80x128xf32, #tpu.memory_space<vmem>>) target_semaphore(%arg13 : memref<!tpu.dma_semaphore, #tpu.memory_space<semaphore_mem>>)
    %scan3A = arith.constant 0 : i32
    %scan3A_22 = arith.constant 62 : i32
    %scan3A_23 = arith.addi %scan3A, %scan3A_22 : i32
    %scan3A_24 = arith.constant 1 : i32
    scf.for %scan3A_65 = %scan3A to %scan3A_23 step %scan3A_24  : i32 {
      %mul3A_66 = arith.constant 1 : i32
      %mul3A_67 = arith.muli %scan3A_65, %mul3A_66 : i32
      %add3A_68 = arith.constant 0 : i32
      %add3A_69 = arith.addi %add3A_68, %mul3A_67 : i32
      %mul3A_70 = arith.constant 2 : i32
      %mul3A_71 = arith.muli %add3A_69, %mul3A_70 : i32
      %add3A_72 = arith.constant 0 : i32
      %add3A_73 = arith.addi %mul3A_71, %add3A_72 : i32
      %mul3A_74 = arith.constant 80 : i32
      %mul3A_75 = arith.muli %add3A_73, %mul3A_74 : i32
      %add3A_76 = arith.addi %mul3A_6, %mul3A_75 : i32
      %dma_wait3A_77 = tpu.memref_slice %arg2[%add3A_76] : memref<320000xi32, #tpu.memory_space<hbm>> -> memref<80xi32, #tpu.memory_space<hbm>>
      %dma_wait3A_78 = tpu.memref_slice %arg2[%add3A_76] : memref<320000xi32, #tpu.memory_space<hbm>> -> memref<80xi32, #tpu.memory_space<hbm>>
      tpu.wait_dma2 semaphore(%arg12 : memref<!tpu.dma_semaphore, #tpu.memory_space<semaphore_mem>>) src(%dma_wait3A_78 : memref<80xi32, #tpu.memory_space<hbm>>) dst(%arg6 : memref<80xi32, #tpu.memory_space<vmem>>)
      %dma_wait3A_79 = arith.constant 0 : i32
      %dma_wait3A_80 = tpu.memref_slice %arg3[%add3A_76, %dma_wait3A_79] : memref<320000x128xf32, #tpu.memory_space<hbm>> -> memref<80x128xf32, #tpu.memory_space<hbm>>
      %dma_wait3A_81 = arith.constant 0 : i32
      %dma_wait3A_82 = tpu.memref_slice %arg3[%add3A_76, %dma_wait3A_81] : memref<320000x128xf32, #tpu.memory_space<hbm>> -> memref<80x128xf32, #tpu.memory_space<hbm>>
      tpu.wait_dma2 semaphore(%arg12 : memref<!tpu.dma_semaphore, #tpu.memory_space<semaphore_mem>>) src(%dma_wait3A_82 : memref<80x128xf32, #tpu.memory_space<hbm>>) dst(%arg8 : memref<80x128xf32, #tpu.memory_space<vmem>>)
      %ge3A = arith.constant 1 : i32
      %ge3A_83 = arith.cmpi sge, %add3A_73, %ge3A : i32
      %convert_element_type3A = arith.extui %ge3A_83 : i1 to i32
      %cond3A = arith.constant 0 : i32
      %cond3A_84 = arith.cmpi ne, %convert_element_type3A, %cond3A : i32
      scf.if %cond3A_84 {
        %dma_wait3A_162 = arith.constant 0 : i32
        %dma_wait3A_163 = arith.constant 0 : i32
        %dma_wait3A_164 = tpu.memref_slice %arg11[%dma_wait3A_162, %dma_wait3A_163] : memref<10240x128xf32, #tpu.memory_space<vmem_shared>> -> memref<10240x128xf32, #tpu.memory_space<vmem_shared>>
        tpu.wait_indirect_dma semaphore(%arg14 : memref<!tpu.dma_semaphore, #tpu.memory_space<semaphore_mem>>) src(%arg9 : memref<80x128xf32, #tpu.memory_space<vmem>>) dst(%dma_wait3A_164 : memref<10240x128xf32, #tpu.memory_space<vmem_shared>>)
      } else {
      }
      %get3A_85 = arith.constant 0 : index
      %get3A_86 = tpu.vector_load %arg6[%get3A_85] {strides = array<i32>} : memref<80xi32, #tpu.memory_space<vmem>>, vector<16xi32>,
      %swap3A_87 = arith.constant 0 : index
      %swap3A_88 = tpu.vector_load %arg10[%swap3A_87] {strides = array<i32>} : memref<80xi32, #tpu.memory_space<vmem>>, vector<16xi32>,
      tpu.vector_store %arg10[%swap3A_87], %get3A_86 {strides = array<i32>} : memref<80xi32, #tpu.memory_space<vmem>>, vector<16xi32>,
      %get3A_89 = arith.constant 16 : index
      %get3A_90 = tpu.vector_load %arg6[%get3A_89] {strides = array<i32>} : memref<80xi32, #tpu.memory_space<vmem>>, vector<16xi32>,
      %swap3A_91 = arith.constant 16 : index
      %swap3A_92 = tpu.vector_load %arg10[%swap3A_91] {strides = array<i32>} : memref<80xi32, #tpu.memory_space<vmem>>, vector<16xi32>,
      tpu.vector_store %arg10[%swap3A_91], %get3A_90 {strides = array<i32>} : memref<80xi32, #tpu.memory_space<vmem>>, vector<16xi32>,
      %get3A_93 = arith.constant 32 : index
      %get3A_94 = tpu.vector_load %arg6[%get3A_93] {strides = array<i32>} : memref<80xi32, #tpu.memory_space<vmem>>, vector<16xi32>,
      %swap3A_95 = arith.constant 32 : index
      %swap3A_96 = tpu.vector_load %arg10[%swap3A_95] {strides = array<i32>} : memref<80xi32, #tpu.memory_space<vmem>>, vector<16xi32>,
      tpu.vector_store %arg10[%swap3A_95], %get3A_94 {strides = array<i32>} : memref<80xi32, #tpu.memory_space<vmem>>, vector<16xi32>,
      %get3A_97 = arith.constant 48 : index
      %get3A_98 = tpu.vector_load %arg6[%get3A_97] {strides = array<i32>} : memref<80xi32, #tpu.memory_space<vmem>>, vector<16xi32>,
      %swap3A_99 = arith.constant 48 : index
      %swap3A_100 = tpu.vector_load %arg10[%swap3A_99] {strides = array<i32>} : memref<80xi32, #tpu.memory_space<vmem>>, vector<16xi32>,
      tpu.vector_store %arg10[%swap3A_99], %get3A_98 {strides = array<i32>} : memref<80xi32, #tpu.memory_space<vmem>>, vector<16xi32>,
      %get3A_101 = arith.constant 64 : index
      %get3A_102 = tpu.vector_load %arg6[%get3A_101] {strides = array<i32>} : memref<80xi32, #tpu.memory_space<vmem>>, vector<16xi32>,
      %swap3A_103 = arith.constant 64 : index
      %swap3A_104 = tpu.vector_load %arg10[%swap3A_103] {strides = array<i32>} : memref<80xi32, #tpu.memory_space<vmem>>, vector<16xi32>,
      tpu.vector_store %arg10[%swap3A_103], %get3A_102 {strides = array<i32>} : memref<80xi32, #tpu.memory_space<vmem>>, vector<16xi32>,
      %dma_start3A_105 = arith.constant 0 : i32
      %dma_start3A_106 = arith.constant 0 : i32
      %dma_start3A_107 = tpu.memref_slice %arg11[%dma_start3A_105, %dma_start3A_106] : memref<10240x128xf32, #tpu.memory_space<vmem_shared>> -> memref<10240x128xf32, #tpu.memory_space<vmem_shared>>
      tpu.enqueue_indirect_dma source(%arg8 : memref<80x128xf32, #tpu.memory_space<vmem>>) target(%dma_start3A_107 : memref<10240x128xf32, #tpu.memory_space<vmem_shared>>) offsets(%arg10 : memref<80xi32, #tpu.memory_space<vmem>>) semaphore(%arg14 : memref<!tpu.dma_semaphore, #tpu.memory_space<semaphore_mem>>) {add = true}
      %add3A_108 = arith.constant 2 : i32
      %add3A_109 = arith.addi %add3A_73, %add3A_108 : i32
      %lt3A = arith.constant 125 : i32
      %lt3A_110 = arith.cmpi slt, %add3A_109, %lt3A : i32
      %convert_element_type3A_111 = arith.extui %lt3A_110 : i1 to i32
      %cond3A_112 = arith.constant 0 : i32
      %cond3A_113 = arith.cmpi ne, %convert_element_type3A_111, %cond3A_112 : i32
      scf.if %cond3A_113 {
        %add3A_162 = arith.constant 2 : i32
        %add3A_163 = arith.addi %add3A_73, %add3A_162 : i32
        %mul3A_164 = arith.constant 80 : i32
        %mul3A_165 = arith.muli %add3A_163, %mul3A_164 : i32
        %add3A_166 = arith.addi %mul3A_6, %mul3A_165 : i32
        %dma_start3A_167 = tpu.memref_slice %arg2[%add3A_166] : memref<320000xi32, #tpu.memory_space<hbm>> -> memref<80xi32, #tpu.memory_space<hbm>>
        %dma_start3A_168 = tpu.memref_slice %arg2[%add3A_166] : memref<320000xi32, #tpu.memory_space<hbm>> -> memref<80xi32, #tpu.memory_space<hbm>>
        tpu.enqueue_dma source(%dma_start3A_168 : memref<80xi32, #tpu.memory_space<hbm>>) target(%arg6 : memref<80xi32, #tpu.memory_space<vmem>>) target_semaphore(%arg12 : memref<!tpu.dma_semaphore, #tpu.memory_space<semaphore_mem>>)
        %dma_start3A_169 = arith.constant 0 : i32
        %dma_start3A_170 = tpu.memref_slice %arg3[%add3A_166, %dma_start3A_169] : memref<320000x128xf32, #tpu.memory_space<hbm>> -> memref<80x128xf32, #tpu.memory_space<hbm>>
        %dma_start3A_171 = arith.constant 0 : i32
        %dma_start3A_172 = tpu.memref_slice %arg3[%add3A_166, %dma_start3A_171] : memref<320000x128xf32, #tpu.memory_space<hbm>> -> memref<80x128xf32, #tpu.memory_space<hbm>>
        tpu.enqueue_dma source(%dma_start3A_172 : memref<80x128xf32, #tpu.memory_space<hbm>>) target(%arg8 : memref<80x128xf32, #tpu.memory_space<vmem>>) target_semaphore(%arg12 : memref<!tpu.dma_semaphore, #tpu.memory_space<semaphore_mem>>)
      } else {
      }
      %mul3A_114 = arith.constant 2 : i32
      %mul3A_115 = arith.muli %add3A_69, %mul3A_114 : i32
      %add3A_116 = arith.constant 1 : i32
      %add3A_117 = arith.addi %mul3A_115, %add3A_116 : i32
      %mul3A_118 = arith.constant 80 : i32
      %mul3A_119 = arith.muli %add3A_117, %mul3A_118 : i32
      %add3A_120 = arith.addi %mul3A_6, %mul3A_119 : i32
      %dma_wait3A_121 = tpu.memref_slice %arg2[%add3A_120] : memref<320000xi32, #tpu.memory_space<hbm>> -> memref<80xi32, #tpu.memory_space<hbm>>
      %dma_wait3A_122 = tpu.memref_slice %arg2[%add3A_120] : memref<320000xi32, #tpu.memory_space<hbm>> -> memref<80xi32, #tpu.memory_space<hbm>>
      tpu.wait_dma2 semaphore(%arg13 : memref<!tpu.dma_semaphore, #tpu.memory_space<semaphore_mem>>) src(%dma_wait3A_122 : memref<80xi32, #tpu.memory_space<hbm>>) dst(%arg7 : memref<80xi32, #tpu.memory_space<vmem>>)
      %dma_wait3A_123 = arith.constant 0 : i32
      %dma_wait3A_124 = tpu.memref_slice %arg3[%add3A_120, %dma_wait3A_123] : memref<320000x128xf32, #tpu.memory_space<hbm>> -> memref<80x128xf32, #tpu.memory_space<hbm>>
      %dma_wait3A_125 = arith.constant 0 : i32
      %dma_wait3A_126 = tpu.memref_slice %arg3[%add3A_120, %dma_wait3A_125] : memref<320000x128xf32, #tpu.memory_space<hbm>> -> memref<80x128xf32, #tpu.memory_space<hbm>>
      tpu.wait_dma2 semaphore(%arg13 : memref<!tpu.dma_semaphore, #tpu.memory_space<semaphore_mem>>) src(%dma_wait3A_126 : memref<80x128xf32, #tpu.memory_space<hbm>>) dst(%arg9 : memref<80x128xf32, #tpu.memory_space<vmem>>)
      %ge3A_127 = arith.constant 1 : i32
      %ge3A_128 = arith.cmpi sge, %add3A_117, %ge3A_127 : i32
      %convert_element_type3A_129 = arith.extui %ge3A_128 : i1 to i32
      %cond3A_130 = arith.constant 0 : i32
      %cond3A_131 = arith.cmpi ne, %convert_element_type3A_129, %cond3A_130 : i32
      scf.if %cond3A_131 {
        %dma_wait3A_162 = arith.constant 0 : i32
        %dma_wait3A_163 = arith.constant 0 : i32
        %dma_wait3A_164 = tpu.memref_slice %arg11[%dma_wait3A_162, %dma_wait3A_163] : memref<10240x128xf32, #tpu.memory_space<vmem_shared>> -> memref<10240x128xf32, #tpu.memory_space<vmem_shared>>
        tpu.wait_indirect_dma semaphore(%arg14 : memref<!tpu.dma_semaphore, #tpu.memory_space<semaphore_mem>>) src(%arg8 : memref<80x128xf32, #tpu.memory_space<vmem>>) dst(%dma_wait3A_164 : memref<10240x128xf32, #tpu.memory_space<vmem_shared>>)
      } else {
      }
      %get3A_132 = arith.constant 0 : index
      %get3A_133 = tpu.vector_load %arg7[%get3A_132] {strides = array<i32>} : memref<80xi32, #tpu.memory_space<vmem>>, vector<16xi32>,
      %swap3A_134 = arith.constant 0 : index
      %swap3A_135 = tpu.vector_load %arg10[%swap3A_134] {strides = array<i32>} : memref<80xi32, #tpu.memory_space<vmem>>, vector<16xi32>,
      tpu.vector_store %arg10[%swap3A_134], %get3A_133 {strides = array<i32>} : memref<80xi32, #tpu.memory_space<vmem>>, vector<16xi32>,
      %get3A_136 = arith.constant 16 : index
      %get3A_137 = tpu.vector_load %arg7[%get3A_136] {strides = array<i32>} : memref<80xi32, #tpu.memory_space<vmem>>, vector<16xi32>,
      %swap3A_138 = arith.constant 16 : index
      %swap3A_139 = tpu.vector_load %arg10[%swap3A_138] {strides = array<i32>} : memref<80xi32, #tpu.memory_space<vmem>>, vector<16xi32>,
      tpu.vector_store %arg10[%swap3A_138], %get3A_137 {strides = array<i32>} : memref<80xi32, #tpu.memory_space<vmem>>, vector<16xi32>,
      %get3A_140 = arith.constant 32 : index
      %get3A_141 = tpu.vector_load %arg7[%get3A_140] {strides = array<i32>} : memref<80xi32, #tpu.memory_space<vmem>>, vector<16xi32>,
      %swap3A_142 = arith.constant 32 : index
      %swap3A_143 = tpu.vector_load %arg10[%swap3A_142] {strides = array<i32>} : memref<80xi32, #tpu.memory_space<vmem>>, vector<16xi32>,
      tpu.vector_store %arg10[%swap3A_142], %get3A_141 {strides = array<i32>} : memref<80xi32, #tpu.memory_space<vmem>>, vector<16xi32>,
      %get3A_144 = arith.constant 48 : index
      %get3A_145 = tpu.vector_load %arg7[%get3A_144] {strides = array<i32>} : memref<80xi32, #tpu.memory_space<vmem>>, vector<16xi32>,
      %swap3A_146 = arith.constant 48 : index
      %swap3A_147 = tpu.vector_load %arg10[%swap3A_146] {strides = array<i32>} : memref<80xi32, #tpu.memory_space<vmem>>, vector<16xi32>,
      tpu.vector_store %arg10[%swap3A_146], %get3A_145 {strides = array<i32>} : memref<80xi32, #tpu.memory_space<vmem>>, vector<16xi32>,
      %get3A_148 = arith.constant 64 : index
      %get3A_149 = tpu.vector_load %arg7[%get3A_148] {strides = array<i32>} : memref<80xi32, #tpu.memory_space<vmem>>, vector<16xi32>,
      %swap3A_150 = arith.constant 64 : index
      %swap3A_151 = tpu.vector_load %arg10[%swap3A_150] {strides = array<i32>} : memref<80xi32, #tpu.memory_space<vmem>>, vector<16xi32>,
      tpu.vector_store %arg10[%swap3A_150], %get3A_149 {strides = array<i32>} : memref<80xi32, #tpu.memory_space<vmem>>, vector<16xi32>,
      %dma_start3A_152 = arith.constant 0 : i32
      %dma_start3A_153 = arith.constant 0 : i32
      %dma_start3A_154 = tpu.memref_slice %arg11[%dma_start3A_152, %dma_start3A_153] : memref<10240x128xf32, #tpu.memory_space<vmem_shared>> -> memref<10240x128xf32, #tpu.memory_space<vmem_shared>>
      tpu.enqueue_indirect_dma source(%arg9 : memref<80x128xf32, #tpu.memory_space<vmem>>) target(%dma_start3A_154 : memref<10240x128xf32, #tpu.memory_space<vmem_shared>>) offsets(%arg10 : memref<80xi32, #tpu.memory_space<vmem>>) semaphore(%arg14 : memref<!tpu.dma_semaphore, #tpu.memory_space<semaphore_mem>>) {add = true}
      %add3A_155 = arith.constant 2 : i32
      %add3A_156 = arith.addi %add3A_117, %add3A_155 : i32
      %lt3A_157 = arith.constant 125 : i32
      %lt3A_158 = arith.cmpi slt, %add3A_156, %lt3A_157 : i32
      %convert_element_type3A_159 = arith.extui %lt3A_158 : i1 to i32
      %cond3A_160 = arith.constant 0 : i32
      %cond3A_161 = arith.cmpi ne, %convert_element_type3A_159, %cond3A_160 : i32
      scf.if %cond3A_161 {
        %add3A_162 = arith.constant 2 : i32
        %add3A_163 = arith.addi %add3A_117, %add3A_162 : i32
        %mul3A_164 = arith.constant 80 : i32
        %mul3A_165 = arith.muli %add3A_163, %mul3A_164 : i32
        %add3A_166 = arith.addi %mul3A_6, %mul3A_165 : i32
        %dma_start3A_167 = tpu.memref_slice %arg2[%add3A_166] : memref<320000xi32, #tpu.memory_space<hbm>> -> memref<80xi32, #tpu.memory_space<hbm>>
        %dma_start3A_168 = tpu.memref_slice %arg2[%add3A_166] : memref<320000xi32, #tpu.memory_space<hbm>> -> memref<80xi32, #tpu.memory_space<hbm>>
        tpu.enqueue_dma source(%dma_start3A_168 : memref<80xi32, #tpu.memory_space<hbm>>) target(%arg7 : memref<80xi32, #tpu.memory_space<vmem>>) target_semaphore(%arg13 : memref<!tpu.dma_semaphore, #tpu.memory_space<semaphore_mem>>)
        %dma_start3A_169 = arith.constant 0 : i32
        %dma_start3A_170 = tpu.memref_slice %arg3[%add3A_166, %dma_start3A_169] : memref<320000x128xf32, #tpu.memory_space<hbm>> -> memref<80x128xf32, #tpu.memory_space<hbm>>
        %dma_start3A_171 = arith.constant 0 : i32
        %dma_start3A_172 = tpu.memref_slice %arg3[%add3A_166, %dma_start3A_171] : memref<320000x128xf32, #tpu.memory_space<hbm>> -> memref<80x128xf32, #tpu.memory_space<hbm>>
        tpu.enqueue_dma source(%dma_start3A_172 : memref<80x128xf32, #tpu.memory_space<hbm>>) target(%arg9 : memref<80x128xf32, #tpu.memory_space<vmem>>) target_semaphore(%arg13 : memref<!tpu.dma_semaphore, #tpu.memory_space<semaphore_mem>>)
      } else {
      }
    }
    %scan3A_25 = arith.constant 62 : i32
    %add3A_26 = arith.constant 9920 : i32
    %add3A_27 = arith.addi %mul3A_6, %add3A_26 : i32
    %dma_wait3A = tpu.memref_slice %arg2[%add3A_27] : memref<320000xi32, #tpu.memory_space<hbm>> -> memref<80xi32, #tpu.memory_space<hbm>>
    %dma_wait3A_28 = tpu.memref_slice %arg2[%add3A_27] : memref<320000xi32, #tpu.memory_space<hbm>> -> memref<80xi32, #tpu.memory_space<hbm>>
    tpu.wait_dma2 semaphore(%arg12 : memref<!tpu.dma_semaphore, #tpu.memory_space<semaphore_mem>>) src(%dma_wait3A_28 : memref<80xi32, #tpu.memory_space<hbm>>) dst(%arg6 : memref<80xi32, #tpu.memory_space<vmem>>)
    %dma_wait3A_29 = arith.constant 0 : i32
    %dma_wait3A_30 = tpu.memref_slice %arg3[%add3A_27, %dma_wait3A_29] : memref<320000x128xf32, #tpu.memory_space<hbm>> -> memref<80x128xf32, #tpu.memory_space<hbm>>
    %dma_wait3A_31 = arith.constant 0 : i32
    %dma_wait3A_32 = tpu.memref_slice %arg3[%add3A_27, %dma_wait3A_31] : memref<320000x128xf32, #tpu.memory_space<hbm>> -> memref<80x128xf32, #tpu.memory_space<hbm>>
    tpu.wait_dma2 semaphore(%arg12 : memref<!tpu.dma_semaphore, #tpu.memory_space<semaphore_mem>>) src(%dma_wait3A_32 : memref<80x128xf32, #tpu.memory_space<hbm>>) dst(%arg8 : memref<80x128xf32, #tpu.memory_space<vmem>>)
    %dma_wait3A_33 = arith.constant 0 : i32
    %dma_wait3A_34 = arith.constant 0 : i32
    %dma_wait3A_35 = tpu.memref_slice %arg11[%dma_wait3A_33, %dma_wait3A_34] : memref<10240x128xf32, #tpu.memory_space<vmem_shared>> -> memref<10240x128xf32, #tpu.memory_space<vmem_shared>>
    tpu.wait_indirect_dma semaphore(%arg14 : memref<!tpu.dma_semaphore, #tpu.memory_space<semaphore_mem>>) src(%arg9 : memref<80x128xf32, #tpu.memory_space<vmem>>) dst(%dma_wait3A_35 : memref<10240x128xf32, #tpu.memory_space<vmem_shared>>)
    %get3A = arith.constant 0 : index
    %get3A_36 = tpu.vector_load %arg6[%get3A] {strides = array<i32>} : memref<80xi32, #tpu.memory_space<vmem>>, vector<16xi32>,
    %swap3A = arith.constant 0 : index
    %swap3A_37 = tpu.vector_load %arg10[%swap3A] {strides = array<i32>} : memref<80xi32, #tpu.memory_space<vmem>>, vector<16xi32>,
    tpu.vector_store %arg10[%swap3A], %get3A_36 {strides = array<i32>} : memref<80xi32, #tpu.memory_space<vmem>>, vector<16xi32>,
    %get3A_38 = arith.constant 16 : index
    %get3A_39 = tpu.vector_load %arg6[%get3A_38] {strides = array<i32>} : memref<80xi32, #tpu.memory_space<vmem>>, vector<16xi32>,
    %swap3A_40 = arith.constant 16 : index
    %swap3A_41 = tpu.vector_load %arg10[%swap3A_40] {strides = array<i32>} : memref<80xi32, #tpu.memory_space<vmem>>, vector<16xi32>,
    tpu.vector_store %arg10[%swap3A_40], %get3A_39 {strides = array<i32>} : memref<80xi32, #tpu.memory_space<vmem>>, vector<16xi32>,
    %get3A_42 = arith.constant 32 : index
    %get3A_43 = tpu.vector_load %arg6[%get3A_42] {strides = array<i32>} : memref<80xi32, #tpu.memory_space<vmem>>, vector<16xi32>,
    %swap3A_44 = arith.constant 32 : index
    %swap3A_45 = tpu.vector_load %arg10[%swap3A_44] {strides = array<i32>} : memref<80xi32, #tpu.memory_space<vmem>>, vector<16xi32>,
    tpu.vector_store %arg10[%swap3A_44], %get3A_43 {strides = array<i32>} : memref<80xi32, #tpu.memory_space<vmem>>, vector<16xi32>,
    %get3A_46 = arith.constant 48 : index
    %get3A_47 = tpu.vector_load %arg6[%get3A_46] {strides = array<i32>} : memref<80xi32, #tpu.memory_space<vmem>>, vector<16xi32>,
    %swap3A_48 = arith.constant 48 : index
    %swap3A_49 = tpu.vector_load %arg10[%swap3A_48] {strides = array<i32>} : memref<80xi32, #tpu.memory_space<vmem>>, vector<16xi32>,
    tpu.vector_store %arg10[%swap3A_48], %get3A_47 {strides = array<i32>} : memref<80xi32, #tpu.memory_space<vmem>>, vector<16xi32>,
    %get3A_50 = arith.constant 64 : index
    %get3A_51 = tpu.vector_load %arg6[%get3A_50] {strides = array<i32>} : memref<80xi32, #tpu.memory_space<vmem>>, vector<16xi32>,
    %swap3A_52 = arith.constant 64 : index
    %swap3A_53 = tpu.vector_load %arg10[%swap3A_52] {strides = array<i32>} : memref<80xi32, #tpu.memory_space<vmem>>, vector<16xi32>,
    tpu.vector_store %arg10[%swap3A_52], %get3A_51 {strides = array<i32>} : memref<80xi32, #tpu.memory_space<vmem>>, vector<16xi32>,
    %dma_start3A_54 = arith.constant 0 : i32
    %dma_start3A_55 = arith.constant 0 : i32
    %dma_start3A_56 = tpu.memref_slice %arg11[%dma_start3A_54, %dma_start3A_55] : memref<10240x128xf32, #tpu.memory_space<vmem_shared>> -> memref<10240x128xf32, #tpu.memory_space<vmem_shared>>
    tpu.enqueue_indirect_dma source(%arg8 : memref<80x128xf32, #tpu.memory_space<vmem>>) target(%dma_start3A_56 : memref<10240x128xf32, #tpu.memory_space<vmem_shared>>) offsets(%arg10 : memref<80xi32, #tpu.memory_space<vmem>>) semaphore(%arg14 : memref<!tpu.dma_semaphore, #tpu.memory_space<semaphore_mem>>) {add = true}
    %dma_wait3A_57 = arith.constant 0 : i32
    %dma_wait3A_58 = arith.constant 0 : i32
    %dma_wait3A_59 = tpu.memref_slice %arg11[%dma_wait3A_57, %dma_wait3A_58] : memref<10240x128xf32, #tpu.memory_space<vmem_shared>> -> memref<10240x128xf32, #tpu.memory_space<vmem_shared>>
    tpu.wait_indirect_dma semaphore(%arg14 : memref<!tpu.dma_semaphore, #tpu.memory_space<semaphore_mem>>) src(%arg8 : memref<80x128xf32, #tpu.memory_space<vmem>>) dst(%dma_wait3A_59 : memref<10240x128xf32, #tpu.memory_space<vmem_shared>>)
    %barrier3A_60 = arith.constant 0 : index
    tpu.barrier barrier_id(%barrier3A_60)
    %mul3A_61 = arith.constant 640 : i32
    %mul3A_62 = arith.muli %arg1, %mul3A_61 : i32
    %mul3A_63 = arith.constant 640 : i32
    %mul3A_64 = arith.muli %arg1, %mul3A_63 : i32
    "tpu.region"() ({
      %run_scoped3A = tpu.sem_alloc : memref<!tpu.dma_semaphore, #tpu.memory_space<semaphore_mem>>
      %dma_start3A_65 = arith.constant 0 : i32
      %dma_start3A_66 = tpu.memref_slice %arg5[%arg0, %mul3A_64, %dma_start3A_65] : memref<2x10240x128xf32, #tpu.memory_space<hbm>> -> memref<1x640x128xf32, #tpu.memory_space<hbm>>
      %dma_start3A_67 = tpu.memref_squeeze %dma_start3A_66 : memref<1x640x128xf32, #tpu.memory_space<hbm>> -> memref<640x128xf32, #tpu.memory_space<hbm>>
      %dma_start3A_68 = arith.constant 0 : i32
      %dma_start3A_69 = tpu.memref_slice %arg11[%mul3A_62, %dma_start3A_68] : memref<10240x128xf32, #tpu.memory_space<vmem_shared>> -> memref<640x128xf32, #tpu.memory_space<vmem_shared>>
      tpu.enqueue_dma source(%dma_start3A_69 : memref<640x128xf32, #tpu.memory_space<vmem_shared>>) target(%dma_start3A_67 : memref<640x128xf32, #tpu.memory_space<hbm>>) target_semaphore(%run_scoped3A : memref<!tpu.dma_semaphore, #tpu.memory_space<semaphore_mem>>)
      %dma_wait3A_70 = arith.constant 0 : i32
      %dma_wait3A_71 = tpu.memref_slice %arg5[%arg0, %mul3A_64, %dma_wait3A_70] : memref<2x10240x128xf32, #tpu.memory_space<hbm>> -> memref<1x640x128xf32, #tpu.memory_space<hbm>>
      %dma_wait3A_72 = tpu.memref_squeeze %dma_wait3A_71 : memref<1x640x128xf32, #tpu.memory_space<hbm>> -> memref<640x128xf32, #tpu.memory_space<hbm>>
      %dma_wait3A_73 = arith.constant 0 : i32
      %dma_wait3A_74 = tpu.memref_slice %arg11[%mul3A_62, %dma_wait3A_73] : memref<10240x128xf32, #tpu.memory_space<vmem_shared>> -> memref<640x128xf32, #tpu.memory_space<vmem_shared>>
      tpu.wait_dma2 semaphore(%run_scoped3A : memref<!tpu.dma_semaphore, #tpu.memory_space<semaphore_mem>>) src(%dma_wait3A_74 : memref<640x128xf32, #tpu.memory_space<vmem_shared>>) dst(%dma_wait3A_72 : memref<640x128xf32, #tpu.memory_space<hbm>>)
      tpu.yield
    }) : () -> ()
    return
  }
}

module attributes {stable_mosaic.version = 14 : i64} {
  func.func @_proj_body(%arg0: i32, %arg1: memref<1000x128xf32, #tpu.memory_space<vmem>>, %arg2: memref<128x384xf32, #tpu.memory_space<vmem>>, %arg3: memref<1x384xf32, #tpu.memory_space<vmem>>, %arg4: memref<1000x128xf32, #tpu.memory_space<vmem>>, %arg5: memref<1000x128xbf16, #tpu.memory_space<vmem>>, %arg6: memref<1000x128xbf16, #tpu.memory_space<vmem>>) attributes {dimension_semantics = [#tpu.dimension_semantics<arbitrary>], iteration_bounds = array<i64: 10>, scalar_prefetch = 0 : i64, scratch_operands = 0 : i64, tpu.core_type = #tpu.core_type<tc>, window_params = [{transform_indices = @transform_0, window_bounds = array<i64: 1000, 128>}, {pipeline_mode = #tpu.pipeline_mode<synchronous>, transform_indices = @transform_1, window_bounds = array<i64: 128, 384>}, {pipeline_mode = #tpu.pipeline_mode<synchronous>, transform_indices = @transform_2, window_bounds = array<i64: 1, 384>}, {transform_indices = @transform_3, window_bounds = array<i64: 1000, 128>}, {transform_indices = @transform_4, window_bounds = array<i64: 1000, 128>}, {transform_indices = @transform_5, window_bounds = array<i64: 1000, 128>}]} {
    %get3A = arith.constant 0 : index
    %get3A_0 = arith.constant 0 : index
    %get3A_1 = vector.load %arg1[%get3A, %get3A_0] : memref<1000x128xf32, #tpu.memory_space<vmem>>, vector<1000x128xf32>
    %get3A_2 = arith.constant 0 : index
    %get3A_3 = arith.constant 0 : index
    %get3A_4 = vector.load %arg2[%get3A_2, %get3A_3] : memref<128x384xf32, #tpu.memory_space<vmem>>, vector<128x384xf32>
    %dot_general3A = arith.constant dense<0.000000e+00> : vector<1000x384xf32>
    %dot_general3A_5 = tpu.matmul %get3A_1, %get3A_4, %dot_general3A {dimension_numbers = #tpu.dot_dimension_numbers<[1], [0], [0], [1], [0, 0, 1, 1], [], []>, transpose_lhs_hint = false} : vector<1000x128xf32>, vector<128x384xf32>, vector<1000x384xf32> -> vector<1000x384xf32>
    %get3A_6 = arith.constant 0 : index
    %get3A_7 = arith.constant 0 : index
    %get3A_8 = vector.load %arg3[%get3A_6, %get3A_7] : memref<1x384xf32, #tpu.memory_space<vmem>>, vector<1x384xf32>
    %add3A = vector.broadcast %get3A_8 : vector<1x384xf32> to vector<1000x384xf32>
    %add3A_9 = arith.addf %dot_general3A_5, %add3A : vector<1000x384xf32>
    %slice3A = vector.extract_strided_slice %add3A_9 {offsets = [0, 0], sizes = [1000, 128], strides = [1, 1]} : vector<1000x384xf32> to vector<1000x128xf32>
    %swap3A = arith.constant 0 : index
    %swap3A_10 = arith.constant 0 : index
    %swap3A_11 = vector.load %arg4[%swap3A, %swap3A_10] : memref<1000x128xf32, #tpu.memory_space<vmem>>, vector<1000x128xf32>
    tpu.vector_store %arg4[%swap3A, %swap3A_10], %slice3A {strides = array<i32>} : memref<1000x128xf32, #tpu.memory_space<vmem>>, vector<1000x128xf32>,
    %slice3A_12 = vector.extract_strided_slice %add3A_9 {offsets = [0, 128], sizes = [1000, 128], strides = [1, 1]} : vector<1000x384xf32> to vector<1000x128xf32>
    %convert_element_type3A = arith.truncf %slice3A_12 : vector<1000x128xf32> to vector<1000x128xbf16>
    %swap3A_13 = arith.constant 0 : index
    %swap3A_14 = arith.constant 0 : index
    %swap3A_15 = vector.load %arg5[%swap3A_13, %swap3A_14] : memref<1000x128xbf16, #tpu.memory_space<vmem>>, vector<1000x128xbf16>
    tpu.vector_store %arg5[%swap3A_13, %swap3A_14], %convert_element_type3A {strides = array<i32>} : memref<1000x128xbf16, #tpu.memory_space<vmem>>, vector<1000x128xbf16>,
    %slice3A_16 = vector.extract_strided_slice %add3A_9 {offsets = [0, 256], sizes = [1000, 128], strides = [1, 1]} : vector<1000x384xf32> to vector<1000x128xf32>
    %convert_element_type3A_17 = arith.truncf %slice3A_16 : vector<1000x128xf32> to vector<1000x128xbf16>
    %swap3A_18 = arith.constant 0 : index
    %swap3A_19 = arith.constant 0 : index
    %swap3A_20 = vector.load %arg6[%swap3A_18, %swap3A_19] : memref<1000x128xbf16, #tpu.memory_space<vmem>>, vector<1000x128xbf16>
    tpu.vector_store %arg6[%swap3A_18, %swap3A_19], %convert_element_type3A_17 {strides = array<i32>} : memref<1000x128xbf16, #tpu.memory_space<vmem>>, vector<1000x128xbf16>,
    return
  }
  func.func @transform_0(%arg0: i32) -> (i32, i32) {
    %c0_i32 = arith.constant 0 : i32
    %c0_i32_0 = arith.constant 0 : i32
    return %arg0, %c0_i32 : i32, i32
  }
  func.func @transform_1(%arg0: i32) -> (i32, i32) {
    %c0_i32 = arith.constant 0 : i32
    %c0_i32_0 = arith.constant 0 : i32
    %c0_i32_1 = arith.constant 0 : i32
    return %c0_i32, %c0_i32_0 : i32, i32
  }
  func.func @transform_2(%arg0: i32) -> (i32, i32) {
    %c0_i32 = arith.constant 0 : i32
    %c0_i32_0 = arith.constant 0 : i32
    %c0_i32_1 = arith.constant 0 : i32
    return %c0_i32, %c0_i32_0 : i32, i32
  }
  func.func @transform_3(%arg0: i32) -> (i32, i32) {
    %c0_i32 = arith.constant 0 : i32
    %c0_i32_0 = arith.constant 0 : i32
    return %arg0, %c0_i32 : i32, i32
  }
  func.func @transform_4(%arg0: i32) -> (i32, i32) {
    %c0_i32 = arith.constant 0 : i32
    %c0_i32_0 = arith.constant 0 : i32
    return %arg0, %c0_i32 : i32, i32
  }
  func.func @transform_5(%arg0: i32) -> (i32, i32) {
    %c0_i32 = arith.constant 0 : i32
    %c0_i32_0 = arith.constant 0 : i32
    return %arg0, %c0_i32 : i32, i32
  }
}

module attributes {stable_mosaic.version = 14 : i64} {
  func.func @_mid_body(%arg0: i32, %arg1: memref<2000x128xf32, #tpu.memory_space<vmem>>, %arg2: memref<2000x128xi32, #tpu.memory_space<vmem>>, %arg3: memref<8x128xf32, #tpu.memory_space<vmem>>, %arg4: memref<128x8xf32, #tpu.memory_space<vmem>>, %arg5: memref<2000x8xf32, #tpu.memory_space<vmem>>, %arg6: memref<2000x128xf32, #tpu.memory_space<vmem>>) attributes {dimension_semantics = [#tpu.dimension_semantics<arbitrary>], iteration_bounds = array<i64: 160>, scalar_prefetch = 0 : i64, scratch_operands = 0 : i64, tpu.core_type = #tpu.core_type<tc>, window_params = [{transform_indices = @transform_0, window_bounds = array<i64: 2000, 128>}, {transform_indices = @transform_1, window_bounds = array<i64: 2000, 128>}, {pipeline_mode = #tpu.pipeline_mode<synchronous>, transform_indices = @transform_2, window_bounds = array<i64: 8, 128>}, {pipeline_mode = #tpu.pipeline_mode<synchronous>, transform_indices = @transform_3, window_bounds = array<i64: 128, 8>}, {transform_indices = @transform_4, window_bounds = array<i64: 2000, 8>}, {transform_indices = @transform_5, window_bounds = array<i64: 2000, 128>}]} {
    %get3A = arith.constant 0 : index
    %get3A_0 = arith.constant 0 : index
    %get3A_1 = vector.load %arg2[%get3A, %get3A_0] : memref<2000x128xi32, #tpu.memory_space<vmem>>, vector<2000x128xi32>
    %slice3A = vector.extract_strided_slice %get3A_1 {offsets = [0, 0], sizes = [2000, 64], strides = [1, 1]} : vector<2000x128xi32> to vector<2000x64xi32>
    %shift_left3A = arith.constant 16 : i32
    %shift_left3A_2 = vector.broadcast %shift_left3A : i32 to vector<2000x64xi32>
    %shift_left3A_3 = arith.shli %slice3A, %shift_left3A_2 : vector<2000x64xi32>
    %bitcast_convert_type3A = tpu.bitcast %shift_left3A_3 : vector<2000x64xi32> -> vector<2000x64xf32>
    %and3A = arith.constant -65536 : i32
    %and3A_4 = vector.broadcast %and3A : i32 to vector<2000x64xi32>
    %and3A_5 = arith.andi %slice3A, %and3A_4 : vector<2000x64xi32>
    %bitcast_convert_type3A_6 = tpu.bitcast %and3A_5 : vector<2000x64xi32> -> vector<2000x64xf32>
    %concatenate3A = tpu.concatenate %bitcast_convert_type3A, %bitcast_convert_type3A_6 in 1 : vector<2000x64xf32>, vector<2000x64xf32> -> vector<2000x128xf32>
    %slice3A_7 = vector.extract_strided_slice %get3A_1 {offsets = [0, 64], sizes = [2000, 64], strides = [1, 1]} : vector<2000x128xi32> to vector<2000x64xi32>
    %shift_left3A_8 = arith.constant 16 : i32
    %shift_left3A_9 = vector.broadcast %shift_left3A_8 : i32 to vector<2000x64xi32>
    %shift_left3A_10 = arith.shli %slice3A_7, %shift_left3A_9 : vector<2000x64xi32>
    %bitcast_convert_type3A_11 = tpu.bitcast %shift_left3A_10 : vector<2000x64xi32> -> vector<2000x64xf32>
    %and3A_12 = arith.constant -65536 : i32
    %and3A_13 = vector.broadcast %and3A_12 : i32 to vector<2000x64xi32>
    %and3A_14 = arith.andi %slice3A_7, %and3A_13 : vector<2000x64xi32>
    %bitcast_convert_type3A_15 = tpu.bitcast %and3A_14 : vector<2000x64xi32> -> vector<2000x64xf32>
    %concatenate3A_16 = tpu.concatenate %bitcast_convert_type3A_11, %bitcast_convert_type3A_15 in 1 : vector<2000x64xf32>, vector<2000x64xf32> -> vector<2000x128xf32>
    %get3A_17 = arith.constant 0 : index
    %get3A_18 = arith.constant 0 : index
    %get3A_19 = vector.load %arg1[%get3A_17, %get3A_18] : memref<2000x128xf32, #tpu.memory_space<vmem>>, vector<2000x128xf32>
    %mul3A = arith.mulf %get3A_19, %concatenate3A : vector<2000x128xf32>
    %get3A_20 = arith.constant 0 : index
    %get3A_21 = arith.constant 0 : index
    %get3A_22 = vector.load %arg4[%get3A_20, %get3A_21] : memref<128x8xf32, #tpu.memory_space<vmem>>, vector<128x8xf32>
    %dot_general3A = arith.constant dense<0.000000e+00> : vector<2000x8xf32>
    %dot_general3A_23 = tpu.matmul %mul3A, %get3A_22, %dot_general3A {dimension_numbers = #tpu.dot_dimension_numbers<[1], [0], [0], [1], [0, 0, 1, 1], [], []>, transpose_lhs_hint = false} : vector<2000x128xf32>, vector<128x8xf32>, vector<2000x8xf32> -> vector<2000x8xf32>
    %exp3A = math.exp %dot_general3A_23 : vector<2000x8xf32>
    %swap3A = arith.constant 0 : index
    %swap3A_24 = arith.constant 0 : index
    %swap3A_25 = vector.load %arg5[%swap3A, %swap3A_24] : memref<2000x8xf32, #tpu.memory_space<vmem>>, vector<2000x8xf32>
    tpu.vector_store %arg5[%swap3A, %swap3A_24], %exp3A {strides = array<i32>} : memref<2000x8xf32, #tpu.memory_space<vmem>>, vector<2000x8xf32>,
    %get3A_26 = arith.constant 0 : index
    %get3A_27 = arith.constant 0 : index
    %get3A_28 = vector.load %arg3[%get3A_26, %get3A_27] : memref<8x128xf32, #tpu.memory_space<vmem>>, vector<8x128xf32>
    %dot_general3A_29 = arith.constant dense<0.000000e+00> : vector<2000x128xf32>
    %dot_general3A_30 = tpu.matmul %exp3A, %get3A_28, %dot_general3A_29 {dimension_numbers = #tpu.dot_dimension_numbers<[1], [0], [0], [1], [0, 0, 1, 1], [], []>, transpose_lhs_hint = false} : vector<2000x8xf32>, vector<8x128xf32>, vector<2000x128xf32> -> vector<2000x128xf32>
    %mul3A_31 = arith.mulf %concatenate3A_16, %dot_general3A_30 : vector<2000x128xf32>
    %swap3A_32 = arith.constant 0 : index
    %swap3A_33 = arith.constant 0 : index
    %swap3A_34 = vector.load %arg6[%swap3A_32, %swap3A_33] : memref<2000x128xf32, #tpu.memory_space<vmem>>, vector<2000x128xf32>
    tpu.vector_store %arg6[%swap3A_32, %swap3A_33], %mul3A_31 {strides = array<i32>} : memref<2000x128xf32, #tpu.memory_space<vmem>>, vector<2000x128xf32>,
    return
  }
  func.func @transform_0(%arg0: i32) -> (i32, i32) {
    %c0_i32 = arith.constant 0 : i32
    %c0_i32_0 = arith.constant 0 : i32
    return %arg0, %c0_i32 : i32, i32
  }
  func.func @transform_1(%arg0: i32) -> (i32, i32) {
    %c0_i32 = arith.constant 0 : i32
    %c0_i32_0 = arith.constant 0 : i32
    return %arg0, %c0_i32 : i32, i32
  }
  func.func @transform_2(%arg0: i32) -> (i32, i32) {
    %c0_i32 = arith.constant 0 : i32
    %c0_i32_0 = arith.constant 0 : i32
    %c0_i32_1 = arith.constant 0 : i32
    return %c0_i32, %c0_i32_0 : i32, i32
  }
  func.func @transform_3(%arg0: i32) -> (i32, i32) {
    %c0_i32 = arith.constant 0 : i32
    %c0_i32_0 = arith.constant 0 : i32
    %c0_i32_1 = arith.constant 0 : i32
    return %c0_i32, %c0_i32_0 : i32, i32
  }
  func.func @transform_4(%arg0: i32) -> (i32, i32) {
    %c0_i32 = arith.constant 0 : i32
    %c0_i32_0 = arith.constant 0 : i32
    return %arg0, %c0_i32 : i32, i32
  }
  func.func @transform_5(%arg0: i32) -> (i32, i32) {
    %c0_i32 = arith.constant 0 : i32
    %c0_i32_0 = arith.constant 0 : i32
    return %arg0, %c0_i32 : i32, i32
  }
}

module attributes {stable_mosaic.version = 14 : i64} {
  func.func @_rs_body(%arg0: memref<32x640x128xf32, #tpu.memory_space<vmem>>, %arg1: memref<640x128xf32, #tpu.memory_space<vmem>>) attributes {dimension_semantics = [], scalar_prefetch = 0 : i64, scratch_operands = 0 : i64, tpu.core_type = #tpu.core_type<tc>} {
    %get3A = arith.constant 0 : index
    %get3A_0 = arith.constant 0 : index
    %get3A_1 = arith.constant 0 : index
    %get3A_2 = vector.load %arg0[%get3A, %get3A_0, %get3A_1] : memref<32x640x128xf32, #tpu.memory_space<vmem>>, vector<32x640x128xf32>
    %reduce_sum3A = arith.constant dense<0.000000e+00> : vector<640x128xf32>
    %reduce_sum3A_3 = vector.multi_reduction <add>, %get3A_2, %reduce_sum3A [0] : vector<32x640x128xf32> to vector<640x128xf32>
    %gt3A = arith.constant 0.000000e+00 : f32
    %gt3A_4 = vector.broadcast %gt3A : f32 to vector<640x128xf32>
    %gt3A_5 = arith.cmpf ogt, %reduce_sum3A_3, %gt3A_4 : vector<640x128xf32>
    %div3A = arith.constant 1.000000e+00 : f32
    %div3A_6 = vector.broadcast %div3A : f32 to vector<640x128xf32>
    %div3A_7 = arith.divf %div3A_6, %reduce_sum3A_3 : vector<640x128xf32>
    %jit3A = arith.constant 0.000000e+00 : f32
    %broadcast_in_dim3A = vector.broadcast %jit3A : f32 to vector<640x128xf32>
    %select_n3A = arith.select %gt3A_5, %div3A_7, %broadcast_in_dim3A : vector<640x128xi1>, vector<640x128xf32>
    %swap3A = arith.constant 0 : index
    %swap3A_8 = arith.constant 0 : index
    %swap3A_9 = vector.load %arg1[%swap3A, %swap3A_8] : memref<640x128xf32, #tpu.memory_space<vmem>>, vector<640x128xf32>
    tpu.vector_store %arg1[%swap3A, %swap3A_8], %select_n3A {strides = array<i32>} : memref<640x128xf32, #tpu.memory_space<vmem>>, vector<640x128xf32>,
    return
  }
}

module attributes {stable_mosaic.version = 14 : i64} {
  func.func @_out_body(%arg0: i32, %arg1: memref<2x1000x128xf32, #tpu.memory_space<vmem>>, %arg2: memref<1000x8xf32, #tpu.memory_space<vmem>>, %arg3: memref<8x128xf32, #tpu.memory_space<vmem>>, %arg4: memref<128x128xf32, #tpu.memory_space<vmem>>, %arg5: memref<1x128xf32, #tpu.memory_space<vmem>>, %arg6: memref<1000x128xf32, #tpu.memory_space<vmem>>) attributes {dimension_semantics = [#tpu.dimension_semantics<arbitrary>], iteration_bounds = array<i64: 10>, scalar_prefetch = 0 : i64, scratch_operands = 0 : i64, tpu.core_type = #tpu.core_type<tc>, window_params = [{transform_indices = @transform_0, window_bounds = array<i64: 2, 1000, 128>}, {transform_indices = @transform_1, window_bounds = array<i64: 1000, 8>}, {pipeline_mode = #tpu.pipeline_mode<synchronous>, transform_indices = @transform_2, window_bounds = array<i64: 8, 128>}, {pipeline_mode = #tpu.pipeline_mode<synchronous>, transform_indices = @transform_3, window_bounds = array<i64: 128, 128>}, {pipeline_mode = #tpu.pipeline_mode<synchronous>, transform_indices = @transform_4, window_bounds = array<i64: 1, 128>}, {transform_indices = @transform_5, window_bounds = array<i64: 1000, 128>}]} {
    %get3A = arith.constant 0 : index
    %get3A_0 = arith.constant 0 : index
    %get3A_1 = vector.load %arg2[%get3A, %get3A_0] : memref<1000x8xf32, #tpu.memory_space<vmem>>, vector<1000x8xf32>
    %get3A_2 = arith.constant 0 : index
    %get3A_3 = arith.constant 0 : index
    %get3A_4 = vector.load %arg3[%get3A_2, %get3A_3] : memref<8x128xf32, #tpu.memory_space<vmem>>, vector<8x128xf32>
    %dot_general3A = arith.constant dense<0.000000e+00> : vector<1000x128xf32>
    %dot_general3A_5 = tpu.matmul %get3A_1, %get3A_4, %dot_general3A {dimension_numbers = #tpu.dot_dimension_numbers<[1], [0], [0], [1], [0, 0, 1, 1], [], []>, transpose_lhs_hint = false} : vector<1000x8xf32>, vector<8x128xf32>, vector<1000x128xf32> -> vector<1000x128xf32>
    %get3A_6 = arith.constant 0 : index
    %get3A_7 = arith.constant 0 : index
    %get3A_8 = arith.constant 0 : index
    %get3A_9 = vector.load %arg1[%get3A_6, %get3A_7, %get3A_8] : memref<2x1000x128xf32, #tpu.memory_space<vmem>>, vector<1x1000x128xf32>
    %get3A_10 = vector.shape_cast %get3A_9 : vector<1x1000x128xf32> to vector<1000x128xf32>
    %get3A_11 = arith.constant 1 : index
    %get3A_12 = arith.constant 0 : index
    %get3A_13 = arith.constant 0 : index
    %get3A_14 = vector.load %arg1[%get3A_11, %get3A_12, %get3A_13] : memref<2x1000x128xf32, #tpu.memory_space<vmem>>, vector<1x1000x128xf32>
    %get3A_15 = vector.shape_cast %get3A_14 : vector<1x1000x128xf32> to vector<1000x128xf32>
    %add3A = arith.addf %get3A_10, %get3A_15 : vector<1000x128xf32>
    %mul3A = arith.mulf %add3A, %dot_general3A_5 : vector<1000x128xf32>
    %get3A_16 = arith.constant 0 : index
    %get3A_17 = arith.constant 0 : index
    %get3A_18 = vector.load %arg4[%get3A_16, %get3A_17] : memref<128x128xf32, #tpu.memory_space<vmem>>, vector<128x128xf32>
    %dot_general3A_19 = arith.constant dense<0.000000e+00> : vector<1000x128xf32>
    %dot_general3A_20 = tpu.matmul %mul3A, %get3A_18, %dot_general3A_19 {dimension_numbers = #tpu.dot_dimension_numbers<[1], [0], [0], [1], [0, 0, 1, 1], [], []>, transpose_lhs_hint = false} : vector<1000x128xf32>, vector<128x128xf32>, vector<1000x128xf32> -> vector<1000x128xf32>
    %get3A_21 = arith.constant 0 : index
    %get3A_22 = arith.constant 0 : index
    %get3A_23 = vector.load %arg5[%get3A_21, %get3A_22] : memref<1x128xf32, #tpu.memory_space<vmem>>, vector<1x128xf32>
    %add3A_24 = vector.broadcast %get3A_23 : vector<1x128xf32> to vector<1000x128xf32>
    %add3A_25 = arith.addf %dot_general3A_20, %add3A_24 : vector<1000x128xf32>
    %swap3A = arith.constant 0 : index
    %swap3A_26 = arith.constant 0 : index
    %swap3A_27 = vector.load %arg6[%swap3A, %swap3A_26] : memref<1000x128xf32, #tpu.memory_space<vmem>>, vector<1000x128xf32>
    tpu.vector_store %arg6[%swap3A, %swap3A_26], %add3A_25 {strides = array<i32>} : memref<1000x128xf32, #tpu.memory_space<vmem>>, vector<1000x128xf32>,
    return
  }
  func.func @transform_0(%arg0: i32) -> (i32, i32, i32) {
    %c0_i32 = arith.constant 0 : i32
    %c0_i32_0 = arith.constant 0 : i32
    %c0_i32_1 = arith.constant 0 : i32
    return %c0_i32, %arg0, %c0_i32_0 : i32, i32, i32
  }
  func.func @transform_1(%arg0: i32) -> (i32, i32) {
    %c0_i32 = arith.constant 0 : i32
    %c0_i32_0 = arith.constant 0 : i32
    return %arg0, %c0_i32 : i32, i32
  }
  func.func @transform_2(%arg0: i32) -> (i32, i32) {
    %c0_i32 = arith.constant 0 : i32
    %c0_i32_0 = arith.constant 0 : i32
    %c0_i32_1 = arith.constant 0 : i32
    return %c0_i32, %c0_i32_0 : i32, i32
  }
  func.func @transform_3(%arg0: i32) -> (i32, i32) {
    %c0_i32 = arith.constant 0 : i32
    %c0_i32_0 = arith.constant 0 : i32
    %c0_i32_1 = arith.constant 0 : i32
    return %c0_i32, %c0_i32_0 : i32, i32
  }
  func.func @transform_4(%arg0: i32) -> (i32, i32) {
    %c0_i32 = arith.constant 0 : i32
    %c0_i32_0 = arith.constant 0 : i32
    %c0_i32_1 = arith.constant 0 : i32
    return %c0_i32, %c0_i32_0 : i32, i32
  }
  func.func @transform_5(%arg0: i32) -> (i32, i32) {
    %c0_i32 = arith.constant 0 : i32
    %c0_i32_0 = arith.constant 0 : i32
    return %arg0, %c0_i32 : i32, i32
  }
}

</mosaic_0001>

<sc_bundles>
// kernel: kernel.12.cloned.1.call-start
scs
__scs_entry_jumppad:
0x0: {  	(pc) =	sbr.rel $0x88, $3  }
0x1: {  	(tag) =	ssettag $0x0;
	lr =	simm.s32 $0x1  }
0x2: {  	[smem:$0x3F97] =	sst lr;
	_ =	strace $0xD0000000  }
0x3: {  	_ = 	snop  }
0x4: {  	_ = 	snop  }
0x5: {  	_ = 	snop  }
0x6: {  	_ = 	snop  }
0x7: {  	_ = 	snop  }
__scs_overlays_trampoline_lowered:
0x8: {  	[smem:$0x3FA6] =	sst s0  }
0x9: {  	[smem:$0x3FA7] =	sst s1  }
0xa: {  	[smem:$0x3FA8] =	sst s2  }
0xb: {  	[smem:$0x3FA9] =	sst s3  }
0xc: {  	[smem:$0x3FAA] =	sst s4  }
0xd: {  	[smem:$0x3FAB] =	sst s5  }
0xe: {  	[smem:$0x3FAC] =	sst s6  }
0xf: {  	[smem:$0x3FAD] =	sst s7  }
0x10: {  	[smem:$0x3FAE] =	sst s8  }
0x11: {  	[smem:$0x3FAF] =	sst s9;
	s0 =	simm.s32 @!p0 $0x0  }
0x12: {  	s1 =	sld [smem:$0x3F95];
	s0 =	simm.s32 @p0 $0x1  }
0x13: {  	[smem:$0x3FB0] =	sst s0;
	s0 =	simm.s32 @!p1 $0x0  }
0x14: {  	s2 =	sld [smem:$0x3F94];
	s0 =	simm.s32 @p1 $0x1  }
0x15: {  	[smem:$0x3FB1] =	sst s0;
	s0 =	simm.s32 @!p2 $0x0  }
0x16: {  	s3 =	sld [smem:$0x3FDB];
	s0 =	simm.s32 @p2 $0x1  }
0x17: {  	s4 =	simm.s32 $0x1BF5;
	[smem:$0x3FB3] =	sst s0  }
0x18: {  	s0 =	sld [smem:$0x3F96];
	_ =	swait.ge [sflag:s4], $0x0  }
0x19: {  	s7 =	sld [smem:$0x3F97]  }
0x1a: {  	s8 =	sadd.s32 $0xFFFFE003, lr  }
0x1b: {  	s9 =	sadd.s32 $0xFFFFFEF7, lr;
	s5 =	simm.s32 $0xFFFFFFFF;
	p2 =	slt.u32 s8, $0xFFFFF086  }
0x1c: {  	p1 =	slt.u32 s9, $0xF7A;
	s5 =	simm.s32 @!p2 $0x0  }
0x1d: {  	s5 =	simm.s32 @p1 $0x1;
	p0 =	seq.s32 s7, s2  }
0x1e: {  	s7 =	smul.u32 @!p0 $0xF7A, s2;
	p2 =	seq.s32 @!p0 s5, $0x0  }
0x1f: {  	s9 =	smul.u32 $0xF7A, s1;
	s8 =	simm.s32 @!p0 $0x1BF5;
	p2 =	por !p2, p0  }
0x20: {  	[sflag:s8] =	ssyncset.s32 @!p0 $0xFFFFF086;
	s6 =	sadd.s32 @!p0 s3, s7;
	s7 =	simm.s32 @!p0 $0x108  }
0x21: {  	s3 =	sadd.s32 s3, s9;
	s6 =	sadd.s32 @!p0 $0x88, s6;
	s7 =	simm.s32 @p2 $0x1082  }
0x22: {  	[simem:s7], [sflag:s8] =	dma.local @!p0 [hbm:s6], $0xF7A  }
0x23: {  	s9 =	sor.u32 $0xD0000000, s2;
	s6 =	simm.s32 $0x108;
	_ =	swait.ge @!p0 [sflag:s8], $0x0  }
0x24: {  	s3 =	sadd.s32 $0x88, s3;
	s6 =	simm.s32 @!p1 $0x1082;
	[sflag:s4] =	ssyncset.s32 $0xFFFFF086  }
0x25: {  	[simem:s6], [sflag:s4] =	dma.local [hbm:s3], $0xF7A  }
0x26: {  	[smem:$0x3F97] =	sst s1;
	(tag) =	ssettag s2;
	_ =	strace s9  }
0x27: {  	s1 =	sld [smem:$0x3FA7]  }
0x28: {  	s2 =	sld [smem:$0x3FA8]  }
0x29: {  	s4 =	sld [smem:$0x3FAA]  }
0x2a: {  	p0 =	seq.s32 s5, $0x0;
	s5 =	sld [smem:$0x3FAB]  }
0x2b: {  	s6 =	sld [smem:$0x3FAC]  }
0x2c: {  	s7 =	sld [smem:$0x3FAD]  }
0x2d: {  	s3 =	simm.s32 $0x108;
	s8 =	sld [smem:$0x3FAE]  }
0x2e: {  	s3 =	simm.s32 @!p0 $0x1082;
	s9 =	sld [smem:$0x3FAF]  }
0x2f: {  	lr =	sadd.s32 s0, s3;
	s0 =	sld [smem:$0x3FA6]  }
0x30: {  	s3 =	sld [smem:$0x3FA9]  }
0x31: {  	[smem:$0x3FB2] =	sst s10  }
0x32: {  	s10 =	sld [smem:$0x3FB0];
	_ =	sdelay $0x3  }
0x33: {  	p0 =	seq.s32 s10, $0x1;
	s10 =	sld [smem:$0x3FB2];
	_ =	sdelay $0x3  }
0x34: {  	[smem:$0x3FB2] =	sst s10  }
0x35: {  	s10 =	sld [smem:$0x3FB1];
	_ =	sdelay $0x3  }
0x36: {  	p1 =	seq.s32 s10, $0x1;
	s10 =	sld [smem:$0x3FB2];
	_ =	sdelay $0x3  }
0x37: {  	[smem:$0x3FB2] =	sst s10  }
0x38: {  	s10 =	sld [smem:$0x3FB3]  }
0x39: {  	_ = 	snop;
	(pc) =	sbr.ind lr, $3  }
0x3a: {  	_ = 	snop  }
0x3b: {  	_ = 	snop  }
0x3c: {  	p2 =	seq.s32 s10, $0x1;
	s10 =	sld [smem:$0x3FB2]  }
0x3d: {  	_ =	shalt  }
0x3e: {  	_ =	shalt  }
0x3f: {  	_ =	shalt  }
0x40: {  	_ =	shalt  }
0x41: {  	_ =	shalt  }
0x42: {  	_ =	shalt  }
0x43: {  	_ =	shalt  }
0x44: {  	_ =	shalt  }
0x45: {  	_ =	shalt  }
0x46: {  	_ =	shalt  }
0x47: {  	_ =	shalt  }
0x48: {  	_ =	shalt  }
0x49: {  	_ =	shalt  }
0x4a: {  	_ =	shalt  }
0x4b: {  	_ =	shalt  }
0x4c: {  	_ =	shalt  }
0x4d: {  	_ =	shalt  }
0x4e: {  	_ =	shalt  }
0x4f: {  	_ =	shalt  }
0x50: {  	_ =	shalt  }
0x51: {  	_ =	shalt  }
0x52: {  	_ =	shalt  }
0x53: {  	_ =	shalt  }
0x54: {  	_ =	shalt  }
0x55: {  	_ =	shalt  }
0x56: {  	_ =	shalt  }
0x57: {  	_ =	shalt  }
0x58: {  	_ =	shalt  }
0x59: {  	_ =	shalt  }
0x5a: {  	_ =	shalt  }
0x5b: {  	_ =	shalt  }
0x5c: {  	_ =	shalt  }
0x5d: {  	_ =	shalt  }
0x5e: {  	_ =	shalt  }
0x5f: {  	_ =	shalt  }
0x60: {  	_ =	shalt  }
0x61: {  	_ =	shalt  }
0x62: {  	_ =	shalt  }
0x63: {  	_ =	shalt  }
0x64: {  	_ =	shalt  }
0x65: {  	_ =	shalt  }
0x66: {  	_ =	shalt  }
0x67: {  	_ =	shalt  }
0x68: {  	_ =	shalt  }
0x69: {  	_ =	shalt  }
0x6a: {  	_ =	shalt  }
0x6b: {  	_ =	shalt  }
0x6c: {  	_ =	shalt  }
0x6d: {  	_ =	shalt  }
0x6e: {  	_ =	shalt  }
0x6f: {  	_ =	shalt  }
0x70: {  	_ =	shalt  }
0x71: {  	_ =	shalt  }
0x72: {  	_ =	shalt  }
0x73: {  	_ =	shalt  }
0x74: {  	_ =	shalt  }
0x75: {  	_ =	shalt  }
0x76: {  	_ =	shalt  }
0x77: {  	_ =	shalt  }
0x78: {  	_ =	shalt  }
0x79: {  	_ =	shalt  }
0x7a: {  	_ =	shalt  }
0x7b: {  	_ =	shalt  }
0x7c: {  	_ =	shalt  }
0x7d: {  	_ =	shalt  }
0x7e: {  	_ =	shalt  }
0x7f: {  	_ =	shalt  }
0x80: {  	_ =	shalt  }
0x81: {  	_ =	shalt  }
0x82: {  	_ =	shalt  }
0x83: {  	_ =	shalt  }
0x84: {  	_ =	shalt  }
0x85: {  	_ =	shalt  }
0x86: {  	_ =	shalt  }
0x87: {  	_ =	shalt  }
.Lfunc_end0:
.L_simem_size_0:
called_computation.1_lowered:
.L_overlay_start_0:
0x88: {  	s2 =	sld [smem:$0x3FD9]  }
0x89: {  	s3 =	sld [smem:$0x3FFE];
	_ =	sdelay $0x1  }
0x8a: {  	s1 =	srdreg.scid  }
0x8b: {  	s0 =	sand.u32 $0x1, s1  }
0x8c: {  	s17 =	sshll.u32 s0, $0xA;
	s2 =	sadd.s32 s3, s2  }
0x8d: {  	s2 =	sadd.s32 s2, s17  }
0x8e: {  	[smem:$0x3FBE] =	sst s2  }
0x8f: {  	_ = 	snop  }
0x90: {  	s2 =	sld [smem:$0x3FD0];
	(tm) =	ssettm $0x1  }
0x91: {  	s18 =	sld [smem:$0x3FFB];
	_ =	sdelay $0x3  }
0x92: {  	_ =	strace s18  }
0x93: {  	s3 =	sld [smem:$0x3FFC];
	_ =	sdelay $0x3  }
0x94: {  	_ =	strace s3  }
0x95: {  	s3 =	sld [smem:$0x3FFD];
	_ =	sdelay $0x3  }
0x96: {  	_ =	strace s3  }
0x97: {  	_ =	strace $0x8FFFFFFF  }
0x98: {  	s19 =	sld [smem:$0x3FDB];
	_ =	sdelay $0x1  }
0x99: {  	s4 =	simm.s32 $_scs_section_size  }
0x9a: {  	s5 =	simm.s32 $_size__tile_overlayer_lowered;
	s6 =	simm.s32 $_tile_overlayer_lowered  }
0x9b: {  	s22 =	simm.s32 $0x1BFF;
	s21 =	sshll.u32 s6, $0x1;
	s3 =	sadd.s32 s4, s19  }
0x9c: {  	s7 =	simm.s32 $0x0;
	s20 =	sshll.u32 s5, $0x1;
	s5 =	sadd.s32 s21, s3  }
0x9d: {  	[timem:s7], [sflag:s22] =	dma.local [hbm:s5], s20  }
0x9e: {  	_ =	swait.ge [sflag:s22], s20  }
0x9f: {  	s4 =	ssub.s32 $0x0, s20;
	[sflag:s22] =	ssyncset.done $0x0  }
0xa0: {  	[sflag:s22] =	ssyncadd.s32 s4;
	_ =	sdelay $0x1  }
0xa1: {  	s23 =	simm.s32 $0x1B8B  }
0xa2: {  	_ =	swait.ge [sflag:s23], $0x1  }
0xa3: {  	[sflag:s23] =	ssyncset.done $0x0  }
0xa4: {  	s25 =	simm.s32 $0x1B8E;
	s24 =	sld [smem:$0x3FFE];
	[sflag:s23] =	ssyncadd.s32 $0xFFFFFFFF  }
0xa5: {  	s26 =	simm.s32 $execute0_lowered;
	[smem:$0x3FD2] =	sst s25  }
0xa6: {  	s5 =	sshll.u32 s26, $0x1;
	_ =	strace $0x80000049;
	[dreg:$0x1] =	wrdreg $0xFFFFFFFF  }
0xa7: {  	s28 =	simm.s32 $_size_execute0_lowered;
	s3 =	sadd.s32 s3, s5;
	[dreg:$0x0] =	wrdreg $0x0  }
0xa8: {  	s5 =	sshll.u32 s28, $0x1;
	[dreg:$0x2] =	wrdreg s3  }
0xa9: {  	[dreg:$0x3] =	wrdreg s5  }
0xaa: {  	[dreg:$0x4] =	wrdreg $0xC0  }
0xab: {  	_ =	task [dreg:s7], $0x5FFFF  }
0xac: {  	[dreg:$0x1] =	wrdreg $0xFFFFFFFF  }
0xad: {  	[dreg:$0x0] =	wrdreg $0x60  }
0xae: {  	[dreg:$0x2] =	wrdreg s24  }
0xaf: {  	[dreg:$0x3] =	wrdreg s2  }
0xb0: {  	[dreg:$0x4] =	wrdreg $0x9  }
0xb1: {  	_ =	task.clear_ibuf [dreg:s7], $0x5FFFF;
	_ =	strace $0x90000049  }
0xb2: {  	s29 =	simm.s32 $0x9;
	_ =	strace $0x8000004B  }
0xb3: {  	_ =	swait.ge [sflag:s29], $0x1  }
0xb4: {  	[sflag:s29] =	ssyncadd.s32 $0xFFFFFFFF  }
0xb5: {  	_ =	strace $0x9000004B  }
0xb6: {  	_ =	sfence  }
0xb7: {  	s30 =	sld [smem:$0x0];
	_ =	sdelay $0x2  }
0xb8: {  	s31 =	sshll.u32 s1, $0xD;
	s1 =	sshrl.u32 s1, $0x2  }
0xb9: {  	s3 =	sand.u32 $0x4000, s31;
	s1 =	sadd.s32 s1, s30  }
0xba: {  	s0 =	sor.u32 s3, s0;
	s1 =	sshll.u32 s1, $0x11  }
0xbb: {  	s0 =	sor.u32 s1, s0  }
0xbc: {  	s0 =	sadd.s32 $0x8F2B, s0  }
0xbd: {  	[sflag:s0] =	ssyncadd.remote.s32 $0x1  }
0xbe: {  	_ =	sfence.sel $0xFFFF  }
0xbf: {  	[dreg:$0x0] =	wrdreg $0xFFFFFFFF;
	(pc) =	sbr.abs _section_cstart, $3  }
0xc0: {  	[dreg:$0x1] =	wrdreg $0xFFFFFFFF  }
0xc1: {  	_ =	task.clear_ibuf [dreg:s7], $0x2FFFF;
	_ =	strace $0x9FFFFFFF  }
0xc2: {  	(tm) =	ssettm $0x7FFFFFFF  }
0xc3: {  	_ =	shalt  }
tec
execute0_lowered:
.L_overlay_start_1:
0x0: {  	(tag) =	ssettag $0x1  }
0x1: {  	s6 =	rddreg [dreg:$0x0];
	s1 =	srdreg.scid  }
0x2: {  	s0 =	stileid.u32;
	s2 =	rddreg [dreg:$0x1];
	s14 =	simm.s32 $0x600  }
0x3: {  	s15 =	simm.s32 $0x3;
	s16 =	simm.s32 $0x100;
	s17 =	simm.s32 $0x80  }
0x4: {  	s18 =	simm.s32 $0x380;
	s19 =	simm.s32 $0x1;
	s20 =	simm.s32 $0x2  }
0x5: {  	s21 =	simm.s32 $0x400;
	s22 =	simm.s32 $0x0;
	s5 =	sand.u32 $0x1, s1  }
0x6: {  	s3 =	sshll.u32 s0, $0x1;
	s1 =	rddreg [dreg:$0x2];
	s4 =	sshrl.u32 s0, $0x2  }
0x7: {  	s7 =	sor.u32 s5, s3;
	s3 =	simm.s32 $0x0;
	s8 =	smul.u32 $0xA0000, s4  }
0x8: {  	s4 =	sadd.s32 $0xBA00, s6;
	s26 =	ssub.s32 $0x2, s5;
	s5 =	sadd.s32 $0x15800, s6  }
0x9: {  	s25 =	sshll.u32 s7, $0x7;
	[smem:$0x7FF] =	sst s3;
	s11 =	smul.u32 $0x2710, s7  }
0xa: {  	v0 =	vlaneseq.u32;
	s28 =	sshrl.u32 s26, $0x1;
	s9 =	sand.u32 $0x380, s25;
	_ =	strace $0x8000004A  }
0xb: {  	v0 =	vmul.u32 $0x8, v0;
	s13 =	ssub.s32 s26, s28;
	s8 =	sor.u32 s8, s9;
	s29 =	sshrl.u32 s11, $0x3  }
0xc: {  	s30 =	sadd.s32 $0x50, s11;
	s7 =	sadd.s32 s5, s11;
	s10 =	sadd.s32 $0xA0, s11  }
0xd: {  	v1 =	vor.u32 $0x1, v0;
	s11 =	sadd.s32 $0xF0, s11;
	s13 =	smax.u32 s13, $0x1;
	s8 =	sshrl.u32 s8, $0x3  }
0xe: {  	v2 =	vor.u32 $0x2, v0;
	v3 =	vor.u32 $0x3, v0;
	v4 =	vor.u32 $0x4, v0;
	s31 =	sshrl.u32 s30, $0x3;
	s9 =	sadd.s32 s5, s30;
	s12 =	sadd.s32 s8, s6  }
0xf: {  	v5 =	vor.u32 $0x5, v0;
	v6 =	vor.u32 $0x6, v0;
	v7 =	vor.u32 $0x7, v0;
	s6 =	sadd.s32 s4, s29;
	s8 =	sadd.s32 s4, s31;
	s12 =	sadd.s32 $0x63A00, s12  }
.LBB2_1:
0x10: {  	[tilespmem:s14], [sflag:$0x3] =	stream.linear.gather [hbm4b:s2+s3], $0x14000, $0x38;
	[tilespmem:$0x14600] =	vst v63  }
0x11: {  	_ =	swait.ge [sflag:s15], $0x14000  }
0x12: {  	[sflag:s15] =	ssyncset.done $0x0  }
0x13: {  	[sflag:s15] =	ssyncadd.s32 $0xFFFEC000  }
0x14: {  	[tilespmem:s3], [sflag:$0x1] =	stream.linear.gather [hbm4b:s6+s3], $0x50, $0x38;
	[tilespmem:$0x14600] =	vst v63  }
0x15: {  	_ = 	snop  }
0x16: {  	[tilespmem:s16], [sflag:$0x1] =	stream.linear.gather [hbm4b:s7+s3], $0x280, $0x38;
	[tilespmem:$0x14600] =	vst v63  }
0x17: {  	_ = 	snop  }
0x18: {  	[tilespmem:s17], [sflag:$0x2] =	stream.linear.gather [hbm4b:s8+s3], $0x50, $0x38;
	[tilespmem:$0x14600] =	vst v63  }
0x19: {  	s23 =	simm.s32 $0x0  }
0x1a: {  	[tilespmem:s18], [sflag:$0x2] =	stream.linear.gather [hbm4b:s9+s3], $0x280, $0x38;
	[tilespmem:$0x14600] =	vst v63  }
.LBB2_2:
0x1b: {  	_ =	swait.ge [sflag:s19], $0x50  }
0x1c: {  	[sflag:s19] =	ssyncset.done $0x0  }
0x1d: {  	[sflag:s19] =	ssyncadd.s32 $0xFFFFFFB0  }
0x1e: {  	_ =	swait.ge [sflag:s19], $0x280  }
0x1f: {  	[sflag:s19] =	ssyncset.done $0x0  }
0x20: {  	s24 =	simm.s32 $0x0;
	[sflag:s19] =	ssyncadd.s32 $0xFFFFFD80  }
0x21: {  	v8 =	vor.u32 s24, v0;
	v9 =	vld [tilespmem:s24+$0x0];
	_ =	sdelay $0x4  }
0x22: {  	v8 =	vld.idx.msk [tilespmem:v8+s16+$0x0], $0xffff;
	v9 =	vshll.u32 v9, $0x3  }
0x23: {  	v10 =	vor.u32 s24, v1;
	_ =	sdelay $0x3  }
0x24: {  	[tilespmem:v9+s14+$0x0] =	vst.idx.add.f32.msk $0xffff, v8  }
0x25: {  	v8 =	vld.idx.msk [tilespmem:v10+s16+$0x0], $0xffff;
	v10 =	vor.u32 $0x1, v9  }
0x26: {  	v11 =	vor.u32 s24, v2;
	_ =	sdelay $0x3  }
0x27: {  	[tilespmem:v10+s14+$0x0] =	vst.idx.add.f32.msk $0xffff, v8  }
0x28: {  	v10 =	vor.u32 $0x2, v9;
	v8 =	vld.idx.msk [tilespmem:v11+s16+$0x0], $0xffff  }
0x29: {  	v11 =	vor.u32 s24, v3;
	_ =	sdelay $0x3  }
0x2a: {  	[tilespmem:v10+s14+$0x0] =	vst.idx.add.f32.msk $0xffff, v8  }
0x2b: {  	v10 =	vor.u32 $0x3, v9;
	v8 =	vld.idx.msk [tilespmem:v11+s16+$0x0], $0xffff  }
0x2c: {  	v11 =	vor.u32 s24, v4;
	_ =	sdelay $0x3  }
0x2d: {  	[tilespmem:v10+s14+$0x0] =	vst.idx.add.f32.msk $0xffff, v8  }
0x2e: {  	v10 =	vor.u32 $0x4, v9;
	v8 =	vld.idx.msk [tilespmem:v11+s16+$0x0], $0xffff  }
0x2f: {  	v11 =	vor.u32 s24, v5;
	_ =	sdelay $0x3  }
0x30: {  	[tilespmem:v10+s14+$0x0] =	vst.idx.add.f32.msk $0xffff, v8  }
0x31: {  	v10 =	vor.u32 $0x5, v9;
	v8 =	vld.idx.msk [tilespmem:v11+s16+$0x0], $0xffff  }
0x32: {  	v11 =	vor.u32 s24, v6;
	_ =	sdelay $0x3  }
0x33: {  	[tilespmem:v10+s14+$0x0] =	vst.idx.add.f32.msk $0xffff, v8  }
0x34: {  	v10 =	vor.u32 $0x6, v9;
	v8 =	vld.idx.msk [tilespmem:v11+s16+$0x0], $0xffff  }
0x35: {  	v11 =	vor.u32 s24, v7;
	_ =	sdelay $0x3  }
0x36: {  	[tilespmem:v10+s14+$0x0] =	vst.idx.add.f32.msk $0xffff, v8  }
0x37: {  	s25 =	simm.s32 $0x80;
	s26 =	simm.s32 $0x100;
	v9 =	vor.u32 $0x7, v9;
	v8 =	vld.idx.msk [tilespmem:v11+s16+$0x0], $0xffff  }
.LBB2_3:
0x38: {  	_ =	sdelay $0x2  }
0x39: {  	p0 =	sne.s32 s26, $0x200  }
0x3a: {  	v10 =	vor.u32 s25, v0;
	s24 =	sadd.s32 $0x10, s24;
	s28 =	smov.u32 s26;
	s26 =	sadd.s32 $0x80, s26;
	[tilespmem:v9+s14+$0x0] =	vst.idx.add.f32.msk $0xffff, v8  }
0x3b: {  	v8 =	vld [tilespmem:s24+$0x0];
	_ =	sdelay $0x3  }
0x3c: {  	v9 =	vld.idx.msk [tilespmem:v10+s16+$0x0], $0xffff  }
0x3d: {  	v10 =	vshll.u32 v8, $0x3  }
0x3e: {  	v8 =	vor.u32 s25, v1;
	_ =	sdelay $0x3  }
0x3f: {  	[tilespmem:v10+s14+$0x0] =	vst.idx.add.f32.msk $0xffff, v9  }
0x40: {  	v8 =	vld.idx.msk [tilespmem:v8+s16+$0x0], $0xffff  }
0x41: {  	v9 =	vor.u32 $0x1, v10  }
0x42: {  	v11 =	vor.u32 s25, v2;
	_ =	sdelay $0x3  }
0x43: {  	[tilespmem:v9+s14+$0x0] =	vst.idx.add.f32.msk $0xffff, v8  }
0x44: {  	v8 =	vld.idx.msk [tilespmem:v11+s16+$0x0], $0xffff  }
0x45: {  	v9 =	vor.u32 $0x2, v10  }
0x46: {  	v11 =	vor.u32 s25, v3;
	_ =	sdelay $0x3  }
0x47: {  	[tilespmem:v9+s14+$0x0] =	vst.idx.add.f32.msk $0xffff, v8  }
0x48: {  	v8 =	vld.idx.msk [tilespmem:v11+s16+$0x0], $0xffff  }
0x49: {  	v9 =	vor.u32 $0x3, v10  }
0x4a: {  	v11 =	vor.u32 s25, v4;
	_ =	sdelay $0x3  }
0x4b: {  	[tilespmem:v9+s14+$0x0] =	vst.idx.add.f32.msk $0xffff, v8  }
0x4c: {  	v8 =	vld.idx.msk [tilespmem:v11+s16+$0x0], $0xffff  }
0x4d: {  	v9 =	vor.u32 $0x4, v10  }
0x4e: {  	v11 =	vor.u32 s25, v5;
	_ =	sdelay $0x3  }
0x4f: {  	[tilespmem:v9+s14+$0x0] =	vst.idx.add.f32.msk $0xffff, v8  }
0x50: {  	v8 =	vld.idx.msk [tilespmem:v11+s16+$0x0], $0xffff  }
0x51: {  	v9 =	vor.u32 $0x5, v10  }
0x52: {  	v11 =	vor.u32 s25, v6;
	_ =	sdelay $0x3  }
0x53: {  	[tilespmem:v9+s14+$0x0] =	vst.idx.add.f32.msk $0xffff, v8  }
0x54: {  	v8 =	vld.idx.msk [tilespmem:v11+s16+$0x0], $0xffff  }
0x55: {  	v9 =	vor.u32 $0x6, v10  }
0x56: {  	v11 =	vor.u32 s25, v7;
	s25 =	smov.u32 s28;
	_ =	sdelay $0x1  }
.Ltmp0:
0x57: {  	(pc) =	sbr.rel @p0 .LBB2_3-.Ltmp0, $4  }
0x58: {  	_ = 	snop  }
0x59: {  	[tilespmem:v9+s14+$0x0] =	vst.idx.add.f32.msk $0xffff, v8  }
0x5a: {  	v8 =	vld.idx.msk [tilespmem:v11+s16+$0x0], $0xffff  }
0x5b: {  	v9 =	vor.u32 $0x7, v10  }
0x5c: {  	_ =	sdelay $0x3  }
0x5d: {  	s24 =	sadd.s32 $0x10, s24;
	[tilespmem:v9+s14+$0x0] =	vst.idx.add.f32.msk $0xffff, v8  }
0x5e: {  	v8 =	vor.u32 s25, v0;
	v9 =	vld [tilespmem:s24+$0x0];
	_ =	sdelay $0x4  }
0x5f: {  	v8 =	vld.idx.msk [tilespmem:v8+s16+$0x0], $0xffff;
	v9 =	vshll.u32 v9, $0x3  }
0x60: {  	v10 =	vor.u32 s25, v1;
	_ =	sdelay $0x3  }
0x61: {  	[tilespmem:v9+s14+$0x0] =	vst.idx.add.f32.msk $0xffff, v8  }
0x62: {  	v8 =	vld.idx.msk [tilespmem:v10+s16+$0x0], $0xffff;
	v10 =	vor.u32 $0x1, v9  }
0x63: {  	v11 =	vor.u32 s25, v2;
	_ =	sdelay $0x3  }
0x64: {  	[tilespmem:v10+s14+$0x0] =	vst.idx.add.f32.msk $0xffff, v8  }
0x65: {  	v10 =	vor.u32 $0x2, v9;
	v8 =	vld.idx.msk [tilespmem:v11+s16+$0x0], $0xffff  }
0x66: {  	v11 =	vor.u32 s25, v3;
	_ =	sdelay $0x3  }
0x67: {  	[tilespmem:v10+s14+$0x0] =	vst.idx.add.f32.msk $0xffff, v8  }
0x68: {  	v10 =	vor.u32 $0x3, v9;
	v8 =	vld.idx.msk [tilespmem:v11+s16+$0x0], $0xffff  }
0x69: {  	v11 =	vor.u32 s25, v4;
	_ =	sdelay $0x3  }
0x6a: {  	[tilespmem:v10+s14+$0x0] =	vst.idx.add.f32.msk $0xffff, v8  }
0x6b: {  	v10 =	vor.u32 $0x4, v9;
	v8 =	vld.idx.msk [tilespmem:v11+s16+$0x0], $0xffff  }
0x6c: {  	v11 =	vor.u32 s25, v5;
	_ =	sdelay $0x3  }
0x6d: {  	[tilespmem:v10+s14+$0x0] =	vst.idx.add.f32.msk $0xffff, v8  }
0x6e: {  	v10 =	vor.u32 $0x5, v9;
	v8 =	vld.idx.msk [tilespmem:v11+s16+$0x0], $0xffff  }
0x6f: {  	v11 =	vor.u32 s25, v6;
	_ =	sdelay $0x3  }
0x70: {  	[tilespmem:v10+s14+$0x0] =	vst.idx.add.f32.msk $0xffff, v8  }
0x71: {  	v10 =	vor.u32 $0x6, v9;
	v8 =	vld.idx.msk [tilespmem:v11+s16+$0x0], $0xffff  }
0x72: {  	v11 =	vor.u32 s25, v7;
	_ =	sdelay $0x3  }
0x73: {  	[tilespmem:v10+s14+$0x0] =	vst.idx.add.f32.msk $0xffff, v8  }
0x74: {  	v9 =	vor.u32 $0x7, v9;
	v8 =	vld.idx.msk [tilespmem:v11+s16+$0x0], $0xffff  }
0x75: {  	s24 =	smul.u32 $0xA0, s23;
	_ =	sdelay $0x1  }
0x76: {  	s31 =	sadd.s32 s24, s10  }
0x77: {  	s26 =	sshrl.u32 s31, $0x3  }
0x78: {  	s28 =	simm.s32 $0x0;
	s26 =	sadd.s32 s4, s26;
	[tilespmem:v9+s14+$0x0] =	vst.idx.add.f32.msk $0xffff, v8  }
0x79: {  	[tilespmem:s28], [sflag:$0x1] =	stream.linear.gather [hbm4b:s26+s28], $0x50, $0x38;
	[tilespmem:$0x14600] =	vst v63  }
0x7a: {  	s25 =	sadd.s32 s5, s31  }
0x7b: {  	[tilespmem:s16], [sflag:$0x1] =	stream.linear.gather [hbm4b:s25+s28], $0x280, $0x38;
	[tilespmem:$0x14600] =	vst v63  }
0x7c: {  	_ =	swait.ge [sflag:s20], $0x50  }
0x7d: {  	[sflag:s20] =	ssyncset.done $0x0  }
0x7e: {  	[sflag:s20] =	ssyncadd.s32 $0xFFFFFFB0  }
0x7f: {  	_ =	swait.ge [sflag:s20], $0x280  }
0x80: {  	[sflag:s20] =	ssyncset.done $0x0  }
0x81: {  	s25 =	simm.s32 $0x80;
	[sflag:s20] =	ssyncadd.s32 $0xFFFFFD80  }
0x82: {  	v8 =	vor.u32 s28, v0;
	v9 =	vld [tilespmem:s25+$0x0];
	_ =	sdelay $0x4  }
0x83: {  	v8 =	vld.idx.msk [tilespmem:v8+s18+$0x0], $0xffff;
	v9 =	vshll.u32 v9, $0x3  }
0x84: {  	v10 =	vor.u32 s28, v1;
	_ =	sdelay $0x3  }
0x85: {  	[tilespmem:v9+s14+$0x0] =	vst.idx.add.f32.msk $0xffff, v8  }
0x86: {  	v8 =	vld.idx.msk [tilespmem:v10+s18+$0x0], $0xffff;
	v10 =	vor.u32 $0x1, v9  }
0x87: {  	v11 =	vor.u32 s28, v2;
	_ =	sdelay $0x3  }
0x88: {  	[tilespmem:v10+s14+$0x0] =	vst.idx.add.f32.msk $0xffff, v8  }
0x89: {  	v10 =	vor.u32 $0x2, v9;
	v8 =	vld.idx.msk [tilespmem:v11+s18+$0x0], $0xffff  }
0x8a: {  	v11 =	vor.u32 s28, v3;
	_ =	sdelay $0x3  }
0x8b: {  	[tilespmem:v10+s14+$0x0] =	vst.idx.add.f32.msk $0xffff, v8  }
0x8c: {  	v10 =	vor.u32 $0x3, v9;
	v8 =	vld.idx.msk [tilespmem:v11+s18+$0x0], $0xffff  }
0x8d: {  	v11 =	vor.u32 s28, v4;
	_ =	sdelay $0x3  }
0x8e: {  	[tilespmem:v10+s14+$0x0] =	vst.idx.add.f32.msk $0xffff, v8  }
0x8f: {  	v10 =	vor.u32 $0x4, v9;
	v8 =	vld.idx.msk [tilespmem:v11+s18+$0x0], $0xffff  }
0x90: {  	v11 =	vor.u32 s28, v5;
	_ =	sdelay $0x3  }
0x91: {  	[tilespmem:v10+s14+$0x0] =	vst.idx.add.f32.msk $0xffff, v8  }
0x92: {  	v10 =	vor.u32 $0x5, v9;
	v8 =	vld.idx.msk [tilespmem:v11+s18+$0x0], $0xffff  }
0x93: {  	v11 =	vor.u32 s28, v6;
	_ =	sdelay $0x3  }
0x94: {  	[tilespmem:v10+s14+$0x0] =	vst.idx.add.f32.msk $0xffff, v8  }
0x95: {  	v10 =	vor.u32 $0x6, v9;
	v8 =	vld.idx.msk [tilespmem:v11+s18+$0x0], $0xffff  }
0x96: {  	v11 =	vor.u32 s28, v7;
	_ =	sdelay $0x3  }
0x97: {  	[tilespmem:v10+s14+$0x0] =	vst.idx.add.f32.msk $0xffff, v8  }
0x98: {  	s26 =	simm.s32 $0x80;
	v9 =	vor.u32 $0x7, v9;
	s28 =	simm.s32 $0x100;
	v8 =	vld.idx.msk [tilespmem:v11+s18+$0x0], $0xffff  }
.LBB2_5:
0x99: {  	_ =	sdelay $0x2  }
0x9a: {  	p0 =	sne.s32 s28, $0x200  }
0x9b: {  	v10 =	vor.u32 s26, v0;
	s25 =	sadd.s32 $0x10, s25;
	s29 =	smov.u32 s28;
	s28 =	sadd.s32 $0x80, s28;
	[tilespmem:v9+s14+$0x0] =	vst.idx.add.f32.msk $0xffff, v8  }
0x9c: {  	v8 =	vld [tilespmem:s25+$0x0];
	_ =	sdelay $0x3  }
0x9d: {  	v9 =	vld.idx.msk [tilespmem:v10+s18+$0x0], $0xffff  }
0x9e: {  	v10 =	vshll.u32 v8, $0x3  }
0x9f: {  	v8 =	vor.u32 s26, v1;
	_ =	sdelay $0x3  }
0xa0: {  	[tilespmem:v10+s14+$0x0] =	vst.idx.add.f32.msk $0xffff, v9  }
0xa1: {  	v8 =	vld.idx.msk [tilespmem:v8+s18+$0x0], $0xffff  }
0xa2: {  	v9 =	vor.u32 $0x1, v10  }
0xa3: {  	v11 =	vor.u32 s26, v2;
	_ =	sdelay $0x3  }
0xa4: {  	[tilespmem:v9+s14+$0x0] =	vst.idx.add.f32.msk $0xffff, v8  }
0xa5: {  	v8 =	vld.idx.msk [tilespmem:v11+s18+$0x0], $0xffff  }
0xa6: {  	v9 =	vor.u32 $0x2, v10  }
0xa7: {  	v11 =	vor.u32 s26, v3;
	_ =	sdelay $0x3  }
0xa8: {  	[tilespmem:v9+s14+$0x0] =	vst.idx.add.f32.msk $0xffff, v8  }
0xa9: {  	v8 =	vld.idx.msk [tilespmem:v11+s18+$0x0], $0xffff  }
0xaa: {  	v9 =	vor.u32 $0x3, v10  }
0xab: {  	v11 =	vor.u32 s26, v4;
	_ =	sdelay $0x3  }
0xac: {  	[tilespmem:v9+s14+$0x0] =	vst.idx.add.f32.msk $0xffff, v8  }
0xad: {  	v8 =	vld.idx.msk [tilespmem:v11+s18+$0x0], $0xffff  }
0xae: {  	v9 =	vor.u32 $0x4, v10  }
0xaf: {  	v11 =	vor.u32 s26, v5;
	_ =	sdelay $0x3  }
0xb0: {  	[tilespmem:v9+s14+$0x0] =	vst.idx.add.f32.msk $0xffff, v8  }
0xb1: {  	v8 =	vld.idx.msk [tilespmem:v11+s18+$0x0], $0xffff  }
0xb2: {  	v9 =	vor.u32 $0x5, v10  }
0xb3: {  	v11 =	vor.u32 s26, v6;
	_ =	sdelay $0x3  }
0xb4: {  	[tilespmem:v9+s14+$0x0] =	vst.idx.add.f32.msk $0xffff, v8  }
0xb5: {  	v8 =	vld.idx.msk [tilespmem:v11+s18+$0x0], $0xffff  }
0xb6: {  	v9 =	vor.u32 $0x6, v10  }
0xb7: {  	v11 =	vor.u32 s26, v7;
	s26 =	smov.u32 s29;
	_ =	sdelay $0x1  }
.Ltmp1:
0xb8: {  	(pc) =	sbr.rel @p0 .LBB2_5-.Ltmp1, $4  }
0xb9: {  	_ = 	snop  }
0xba: {  	[tilespmem:v9+s14+$0x0] =	vst.idx.add.f32.msk $0xffff, v8  }
0xbb: {  	v8 =	vld.idx.msk [tilespmem:v11+s18+$0x0], $0xffff  }
0xbc: {  	v9 =	vor.u32 $0x7, v10  }
0xbd: {  	_ =	sdelay $0x3  }
0xbe: {  	s25 =	sadd.s32 $0x10, s25;
	[tilespmem:v9+s14+$0x0] =	vst.idx.add.f32.msk $0xffff, v8  }
0xbf: {  	v8 =	vor.u32 s26, v0;
	v9 =	vld [tilespmem:s25+$0x0];
	_ =	sdelay $0x4  }
0xc0: {  	v8 =	vld.idx.msk [tilespmem:v8+s18+$0x0], $0xffff;
	v9 =	vshll.u32 v9, $0x3  }
0xc1: {  	v10 =	vor.u32 s26, v1;
	_ =	sdelay $0x3  }
0xc2: {  	[tilespmem:v9+s14+$0x0] =	vst.idx.add.f32.msk $0xffff, v8  }
0xc3: {  	v53 =	vor.u32 $0x1, v9;
	v8 =	vld.idx.msk [tilespmem:v10+s18+$0x0], $0xffff  }
0xc4: {  	v11 =	vor.u32 s26, v2;
	_ =	sdelay $0x3  }
0xc5: {  	[tilespmem:v53+s14+$0x0] =	vst.idx.add.f32.msk $0xffff, v8  }
0xc6: {  	v54 =	vor.u32 $0x2, v9;
	v8 =	vld.idx.msk [tilespmem:v11+s18+$0x0], $0xffff  }
0xc7: {  	v55 =	vor.u32 s26, v3;
	_ =	sdelay $0x3  }
0xc8: {  	[tilespmem:v54+s14+$0x0] =	vst.idx.add.f32.msk $0xffff, v8  }
0xc9: {  	v56 =	vor.u32 $0x3, v9;
	v8 =	vld.idx.msk [tilespmem:v55+s18+$0x0], $0xffff  }
0xca: {  	v57 =	vor.u32 s26, v4;
	_ =	sdelay $0x3  }
0xcb: {  	[tilespmem:v56+s14+$0x0] =	vst.idx.add.f32.msk $0xffff, v8  }
0xcc: {  	v58 =	vor.u32 $0x4, v9;
	v8 =	vld.idx.msk [tilespmem:v57+s18+$0x0], $0xffff  }
0xcd: {  	v59 =	vor.u32 s26, v5;
	_ =	sdelay $0x3  }
0xce: {  	[tilespmem:v58+s14+$0x0] =	vst.idx.add.f32.msk $0xffff, v8  }
0xcf: {  	v60 =	vor.u32 $0x5, v9;
	v8 =	vld.idx.msk [tilespmem:v59+s18+$0x0], $0xffff  }
0xd0: {  	v61 =	vor.u32 s26, v6;
	_ =	sdelay $0x3  }
0xd1: {  	[tilespmem:v60+s14+$0x0] =	vst.idx.add.f32.msk $0xffff, v8  }
0xd2: {  	v62 =	vor.u32 $0x6, v9;
	v8 =	vld.idx.msk [tilespmem:v61+s18+$0x0], $0xffff  }
0xd3: {  	v63 =	vor.u32 s26, v7;
	_ =	sdelay $0x3  }
0xd4: {  	[tilespmem:v62+s14+$0x0] =	vst.idx.add.f32.msk $0xffff, v8  }
0xd5: {  	p0 =	seq.s32 s23, $0x3D;
	v9 =	vor.u32 $0x7, v9;
	v8 =	vld.idx.msk [tilespmem:v63+s18+$0x0], $0xffff  }
.Ltmp2:
0xd6: {  	_ = 	snop;
	(pc) =	sbr.rel @p0 .LBB2_8-.Ltmp2, $2  }
0xd7: {  	_ =	sdelay $0x2  }
0xd8: {  	[tilespmem:v9+s14+$0x0] =	vst.idx.add.f32.msk $0xffff, v8  }
0xd9: {  	s24 =	sadd.s32 s24, s11  }
.Ltmp3:
0xda: {  	s25 =	sshrl.u32 s24, $0x3;
	(pc) =	sbr.rel .LBB2_2-.Ltmp3, $4  }
0xdb: {  	s25 =	sadd.s32 s4, s25  }
0xdc: {  	[tilespmem:s17], [sflag:$0x2] =	stream.linear.gather [hbm4b:s25+s3], $0x50, $0x38;
	[tilespmem:$0x14600] =	vst v63  }
0xdd: {  	s23 =	sadd.s32 $0x1, s23;
	s24 =	sadd.s32 s5, s24  }
0xde: {  	[tilespmem:s18], [sflag:$0x2] =	stream.linear.gather [hbm4b:s24+s3], $0x280, $0x38;
	[tilespmem:$0x14600] =	vst v63  }
.LBB2_8:
0xdf: {  	_ =	swait.ge [sflag:s19], $0x50  }
0xe0: {  	[sflag:s19] =	ssyncset.done $0x0  }
0xe1: {  	[sflag:s19] =	ssyncadd.s32 $0xFFFFFFB0  }
0xe2: {  	_ =	swait.ge [sflag:s19], $0x280  }
0xe3: {  	[sflag:s19] =	ssyncset.done $0x0  }
0xe4: {  	s23 =	simm.s32 $0x0;
	[sflag:s19] =	ssyncadd.s32 $0xFFFFFD80  }
0xe5: {  	v8 =	vor.u32 s23, v0;
	v9 =	vld [tilespmem:s23+$0x0];
	_ =	sdelay $0x4  }
0xe6: {  	v8 =	vld.idx.msk [tilespmem:v8+s16+$0x0], $0xffff;
	v9 =	vshll.u32 v9, $0x3  }
0xe7: {  	v10 =	vor.u32 s23, v1;
	_ =	sdelay $0x3  }
0xe8: {  	[tilespmem:v9+s14+$0x0] =	vst.idx.add.f32.msk $0xffff, v8  }
0xe9: {  	v8 =	vld.idx.msk [tilespmem:v10+s16+$0x0], $0xffff;
	v10 =	vor.u32 $0x1, v9  }
0xea: {  	v11 =	vor.u32 s23, v2;
	_ =	sdelay $0x3  }
0xeb: {  	[tilespmem:v10+s14+$0x0] =	vst.idx.add.f32.msk $0xffff, v8  }
0xec: {  	v10 =	vor.u32 $0x2, v9;
	v8 =	vld.idx.msk [tilespmem:v11+s16+$0x0], $0xffff  }
0xed: {  	v11 =	vor.u32 s23, v3;
	_ =	sdelay $0x3  }
0xee: {  	[tilespmem:v10+s14+$0x0] =	vst.idx.add.f32.msk $0xffff, v8  }
0xef: {  	v10 =	vor.u32 $0x3, v9;
	v8 =	vld.idx.msk [tilespmem:v11+s16+$0x0], $0xffff  }
0xf0: {  	v11 =	vor.u32 s23, v4;
	_ =	sdelay $0x3  }
0xf1: {  	[tilespmem:v10+s14+$0x0] =	vst.idx.add.f32.msk $0xffff, v8  }
0xf2: {  	v10 =	vor.u32 $0x4, v9;
	v8 =	vld.idx.msk [tilespmem:v11+s16+$0x0], $0xffff  }
0xf3: {  	v11 =	vor.u32 s23, v5;
	_ =	sdelay $0x3  }
0xf4: {  	[tilespmem:v10+s14+$0x0] =	vst.idx.add.f32.msk $0xffff, v8  }
0xf5: {  	v10 =	vor.u32 $0x5, v9;
	v8 =	vld.idx.msk [tilespmem:v11+s16+$0x0], $0xffff  }
0xf6: {  	v11 =	vor.u32 s23, v6;
	_ =	sdelay $0x3  }
0xf7: {  	[tilespmem:v10+s14+$0x0] =	vst.idx.add.f32.msk $0xffff, v8  }
0xf8: {  	v10 =	vor.u32 $0x6, v9;
	v8 =	vld.idx.msk [tilespmem:v11+s16+$0x0], $0xffff  }
0xf9: {  	v11 =	vor.u32 s23, v7;
	_ =	sdelay $0x3  }
0xfa: {  	[tilespmem:v10+s14+$0x0] =	vst.idx.add.f32.msk $0xffff, v8  }
0xfb: {  	s24 =	simm.s32 $0x80;
	s25 =	simm.s32 $0x100;
	v9 =	vor.u32 $0x7, v9;
	v8 =	vld.idx.msk [tilespmem:v11+s16+$0x0], $0xffff  }
.LBB2_9:
0xfc: {  	_ =	sdelay $0x2  }
0xfd: {  	p0 =	sne.s32 s25, $0x200  }
0xfe: {  	v10 =	vor.u32 s24, v0;
	s23 =	sadd.s32 $0x10, s23;
	s26 =	smov.u32 s25;
	s25 =	sadd.s32 $0x80, s25;
	[tilespmem:v9+s14+$0x0] =	vst.idx.add.f32.msk $0xffff, v8  }
0xff: {  	v8 =	vld [tilespmem:s23+$0x0];
	_ =	sdelay $0x3  }
0x100: {  	v9 =	vld.idx.msk [tilespmem:v10+s16+$0x0], $0xffff  }
0x101: {  	v10 =	vshll.u32 v8, $0x3  }
0x102: {  	v8 =	vor.u32 s24, v1;
	_ =	sdelay $0x3  }
0x103: {  	[tilespmem:v10+s14+$0x0] =	vst.idx.add.f32.msk $0xffff, v9  }
0x104: {  	v8 =	vld.idx.msk [tilespmem:v8+s16+$0x0], $0xffff  }
0x105: {  	v9 =	vor.u32 $0x1, v10  }
0x106: {  	v11 =	vor.u32 s24, v2;
	_ =	sdelay $0x3  }
0x107: {  	[tilespmem:v9+s14+$0x0] =	vst.idx.add.f32.msk $0xffff, v8  }
0x108: {  	v8 =	vld.idx.msk [tilespmem:v11+s16+$0x0], $0xffff  }
0x109: {  	v9 =	vor.u32 $0x2, v10  }
0x10a: {  	v11 =	vor.u32 s24, v3;
	_ =	sdelay $0x3  }
0x10b: {  	[tilespmem:v9+s14+$0x0] =	vst.idx.add.f32.msk $0xffff, v8  }
0x10c: {  	v8 =	vld.idx.msk [tilespmem:v11+s16+$0x0], $0xffff  }
0x10d: {  	v9 =	vor.u32 $0x3, v10  }
0x10e: {  	v11 =	vor.u32 s24, v4;
	_ =	sdelay $0x3  }
0x10f: {  	[tilespmem:v9+s14+$0x0] =	vst.idx.add.f32.msk $0xffff, v8  }
0x110: {  	v8 =	vld.idx.msk [tilespmem:v11+s16+$0x0], $0xffff  }
0x111: {  	v9 =	vor.u32 $0x4, v10  }
0x112: {  	v11 =	vor.u32 s24, v5;
	_ =	sdelay $0x3  }
0x113: {  	[tilespmem:v9+s14+$0x0] =	vst.idx.add.f32.msk $0xffff, v8  }
0x114: {  	v8 =	vld.idx.msk [tilespmem:v11+s16+$0x0], $0xffff  }
0x115: {  	v9 =	vor.u32 $0x5, v10  }
0x116: {  	v11 =	vor.u32 s24, v6;
	_ =	sdelay $0x3  }
0x117: {  	[tilespmem:v9+s14+$0x0] =	vst.idx.add.f32.msk $0xffff, v8  }
0x118: {  	v8 =	vld.idx.msk [tilespmem:v11+s16+$0x0], $0xffff  }
0x119: {  	v9 =	vor.u32 $0x6, v10  }
0x11a: {  	v11 =	vor.u32 s24, v7;
	s24 =	smov.u32 s26;
	_ =	sdelay $0x1  }
.Ltmp4:
0x11b: {  	(pc) =	sbr.rel @p0 .LBB2_9-.Ltmp4, $4  }
0x11c: {  	_ = 	snop  }
0x11d: {  	[tilespmem:v9+s14+$0x0] =	vst.idx.add.f32.msk $0xffff, v8  }
0x11e: {  	v8 =	vld.idx.msk [tilespmem:v11+s16+$0x0], $0xffff  }
0x11f: {  	v9 =	vor.u32 $0x7, v10  }
0x120: {  	_ =	sdelay $0x3  }
0x121: {  	s23 =	sadd.s32 $0x10, s23;
	[tilespmem:v9+s14+$0x0] =	vst.idx.add.f32.msk $0xffff, v8  }
0x122: {  	v8 =	vor.u32 s24, v0;
	v9 =	vld [tilespmem:s23+$0x0];
	_ =	sdelay $0x4  }
0x123: {  	v8 =	vld.idx.msk [tilespmem:v8+s16+$0x0], $0xffff;
	v9 =	vshll.u32 v9, $0x3  }
0x124: {  	v10 =	vor.u32 s24, v1;
	_ =	sdelay $0x3  }
0x125: {  	[tilespmem:v9+s14+$0x0] =	vst.idx.add.f32.msk $0xffff, v8  }
0x126: {  	v53 =	vor.u32 $0x1, v9;
	v8 =	vld.idx.msk [tilespmem:v10+s16+$0x0], $0xffff  }
0x127: {  	v11 =	vor.u32 s24, v2;
	_ =	sdelay $0x3  }
0x128: {  	[tilespmem:v53+s14+$0x0] =	vst.idx.add.f32.msk $0xffff, v8  }
0x129: {  	v54 =	vor.u32 $0x2, v9;
	v8 =	vld.idx.msk [tilespmem:v11+s16+$0x0], $0xffff  }
0x12a: {  	v55 =	vor.u32 s24, v3;
	_ =	sdelay $0x3  }
0x12b: {  	[tilespmem:v54+s14+$0x0] =	vst.idx.add.f32.msk $0xffff, v8  }
0x12c: {  	v56 =	vor.u32 $0x3, v9;
	v8 =	vld.idx.msk [tilespmem:v55+s16+$0x0], $0xffff  }
0x12d: {  	v57 =	vor.u32 s24, v4;
	_ =	sdelay $0x3  }
0x12e: {  	[tilespmem:v56+s14+$0x0] =	vst.idx.add.f32.msk $0xffff, v8  }
0x12f: {  	v58 =	vor.u32 $0x4, v9;
	v8 =	vld.idx.msk [tilespmem:v57+s16+$0x0], $0xffff  }
0x130: {  	v59 =	vor.u32 s24, v5;
	_ =	sdelay $0x3  }
0x131: {  	[tilespmem:v58+s14+$0x0] =	vst.idx.add.f32.msk $0xffff, v8  }
0x132: {  	v60 =	vor.u32 $0x5, v9;
	v8 =	vld.idx.msk [tilespmem:v59+s16+$0x0], $0xffff  }
0x133: {  	v61 =	vor.u32 s24, v6;
	_ =	sdelay $0x3  }
0x134: {  	[tilespmem:v60+s14+$0x0] =	vst.idx.add.f32.msk $0xffff, v8  }
0x135: {  	v62 =	vor.u32 $0x6, v9;
	v8 =	vld.idx.msk [tilespmem:v61+s16+$0x0], $0xffff  }
0x136: {  	v63 =	vor.u32 s24, v7;
	_ =	sdelay $0x3  }
0x137: {  	[tilespmem:v62+s14+$0x0] =	vst.idx.add.f32.msk $0xffff, v8  }
0x138: {  	v9 =	vor.u32 $0x7, v9;
	v8 =	vld.idx.msk [tilespmem:v63+s16+$0x0], $0xffff;
	_ =	sdelay $0x2  }
0x139: {  	s22 =	sadd.s32 $0x1, s22  }
0x13a: {  	p0 =	sne.s32 s22, s13  }
.Ltmp5:
0x13b: {  	[tilespmem:v9+s14+$0x0] =	vst.idx.add.f32.msk $0xffff, v8;
	(pc) =	sbr.rel @p0 .LBB2_1-.Ltmp5, $4  }
0x13c: {  	[hbm4b:s12+s17] =	stream.strided.scatter [tilespmem:s14], [sflag:$0x3], $0x14000, s21, s17, $0x38;
	[tilespmem:$0x14600] =	vst v63  }
0x13d: {  	_ =	swait.ge [sflag:s15], $0x14000  }
0x13e: {  	[sflag:s15] =	ssyncset.done $0x0  }
0x13f: {  	[sflag:s15] =	ssyncadd.s32 $0xFFFEC000  }
0x140: {  	_ =	sfence.sel $0x180000  }
0x141: {  	[bflag:$0x0] =	sbarrier.arrive $0xFFFF  }
0x142: {  	p0 =	sne.s32 s0, $0x0;
	_ =	strace $0x9000004A  }
0x143: {  	s0 =	sadd.s32 @!p0 $0x100000, s1;
	[bflag:$0x2] =	sbarrier.arrive $0xFFFF  }
0x144: {  	[sflag:s0] =	ssyncadd.tile.s32 @!p0 $0x1;
	_ =	shalt  }
.Lfunc_end2:
_tile_overlayer_lowered:
.L_overlay_start_2:
0x145: {  	(tag) =	ssettag $0x2  }
0x146: {  	s0 =	rddreg [dreg:$0x0];
	s2 =	stileid.u32  }
0x147: {  	s1 =	rddreg [dreg:$0x1];
	p0 =	sne.s32 s2, $0x0  }
0x148: {  	s3 =	rddreg [dreg:$0x2];
	[bflag:$0x3] =	sbarrier.arrive $0xFFFF;
	s2 =	simm.s32 @!p0 $0x1C03  }
0x149: {  	[timem:s3], [sflag:s2] =	dma.local @!p0 [hbm:s0], s1  }
0x14a: {  	s0 =	simm.s32 @!p0 $0x3  }
0x14b: {  	_ =	swait.ge @!p0 [sflag:s0], s1  }
0x14c: {  	s1 =	ssub.s32 @!p0 $0x0, s1;
	[sflag:s0] =	ssyncset.done @!p0 $0x0  }
0x14d: {  	[sflag:s0] =	ssyncadd.s32 @!p0 s1  }
0x14e: {  	[bflag:$0x3] =	sbarrier.arrive $0xFFFF  }
0x14f: {  	_ =	shalt  }

// kernel: kernel.15.cloned.1.call-start
scs
__scs_entry_jumppad:
0x0: {  	(pc) =	sbr.rel $0x88, $3  }
0x1: {  	(tag) =	ssettag $0x0;
	lr =	simm.s32 $0x1  }
0x2: {  	[smem:$0x3F97] =	sst lr;
	_ =	strace $0xD0000000  }
0x3: {  	_ = 	snop  }
0x4: {  	_ = 	snop  }
0x5: {  	_ = 	snop  }
0x6: {  	_ = 	snop  }
0x7: {  	_ = 	snop  }
__scs_overlays_trampoline_lowered:
0x8: {  	[smem:$0x3FA6] =	sst s0  }
0x9: {  	[smem:$0x3FA7] =	sst s1  }
0xa: {  	[smem:$0x3FA8] =	sst s2  }
0xb: {  	[smem:$0x3FA9] =	sst s3  }
0xc: {  	[smem:$0x3FAA] =	sst s4  }
0xd: {  	[smem:$0x3FAB] =	sst s5  }
0xe: {  	[smem:$0x3FAC] =	sst s6  }
0xf: {  	[smem:$0x3FAD] =	sst s7  }
0x10: {  	[smem:$0x3FAE] =	sst s8  }
0x11: {  	[smem:$0x3FAF] =	sst s9;
	s0 =	simm.s32 @!p0 $0x0  }
0x12: {  	s1 =	sld [smem:$0x3F95];
	s0 =	simm.s32 @p0 $0x1  }
0x13: {  	[smem:$0x3FB0] =	sst s0;
	s0 =	simm.s32 @!p1 $0x0  }
0x14: {  	s2 =	sld [smem:$0x3F94];
	s0 =	simm.s32 @p1 $0x1  }
0x15: {  	[smem:$0x3FB1] =	sst s0;
	s0 =	simm.s32 @!p2 $0x0  }
0x16: {  	s3 =	sld [smem:$0x3FDB];
	s0 =	simm.s32 @p2 $0x1  }
0x17: {  	s4 =	simm.s32 $0x1BF5;
	[smem:$0x3FB3] =	sst s0  }
0x18: {  	s0 =	sld [smem:$0x3F96];
	_ =	swait.ge [sflag:s4], $0x0  }
0x19: {  	s7 =	sld [smem:$0x3F97]  }
0x1a: {  	s8 =	sadd.s32 $0xFFFFE003, lr  }
0x1b: {  	s9 =	sadd.s32 $0xFFFFFEF7, lr;
	s5 =	simm.s32 $0xFFFFFFFF;
	p2 =	slt.u32 s8, $0xFFFFF086  }
0x1c: {  	p1 =	slt.u32 s9, $0xF7A;
	s5 =	simm.s32 @!p2 $0x0  }
0x1d: {  	s5 =	simm.s32 @p1 $0x1;
	p0 =	seq.s32 s7, s2  }
0x1e: {  	s7 =	smul.u32 @!p0 $0xF7A, s2;
	p2 =	seq.s32 @!p0 s5, $0x0  }
0x1f: {  	s9 =	smul.u32 $0xF7A, s1;
	s8 =	simm.s32 @!p0 $0x1BF5;
	p2 =	por !p2, p0  }
0x20: {  	[sflag:s8] =	ssyncset.s32 @!p0 $0xFFFFF086;
	s6 =	sadd.s32 @!p0 s3, s7;
	s7 =	simm.s32 @!p0 $0x108  }
0x21: {  	s3 =	sadd.s32 s3, s9;
	s6 =	sadd.s32 @!p0 $0x88, s6;
	s7 =	simm.s32 @p2 $0x1082  }
0x22: {  	[simem:s7], [sflag:s8] =	dma.local @!p0 [hbm:s6], $0xF7A  }
0x23: {  	s9 =	sor.u32 $0xD0000000, s2;
	s6 =	simm.s32 $0x108;
	_ =	swait.ge @!p0 [sflag:s8], $0x0  }
0x24: {  	s3 =	sadd.s32 $0x88, s3;
	s6 =	simm.s32 @!p1 $0x1082;
	[sflag:s4] =	ssyncset.s32 $0xFFFFF086  }
0x25: {  	[simem:s6], [sflag:s4] =	dma.local [hbm:s3], $0xF7A  }
0x26: {  	[smem:$0x3F97] =	sst s1;
	(tag) =	ssettag s2;
	_ =	strace s9  }
0x27: {  	s1 =	sld [smem:$0x3FA7]  }
0x28: {  	s2 =	sld [smem:$0x3FA8]  }
0x29: {  	s4 =	sld [smem:$0x3FAA]  }
0x2a: {  	p0 =	seq.s32 s5, $0x0;
	s5 =	sld [smem:$0x3FAB]  }
0x2b: {  	s6 =	sld [smem:$0x3FAC]  }
0x2c: {  	s7 =	sld [smem:$0x3FAD]  }
0x2d: {  	s3 =	simm.s32 $0x108;
	s8 =	sld [smem:$0x3FAE]  }
0x2e: {  	s3 =	simm.s32 @!p0 $0x1082;
	s9 =	sld [smem:$0x3FAF]  }
0x2f: {  	lr =	sadd.s32 s0, s3;
	s0 =	sld [smem:$0x3FA6]  }
0x30: {  	s3 =	sld [smem:$0x3FA9]  }
0x31: {  	[smem:$0x3FB2] =	sst s10  }
0x32: {  	s10 =	sld [smem:$0x3FB0];
	_ =	sdelay $0x3  }
0x33: {  	p0 =	seq.s32 s10, $0x1;
	s10 =	sld [smem:$0x3FB2];
	_ =	sdelay $0x3  }
0x34: {  	[smem:$0x3FB2] =	sst s10  }
0x35: {  	s10 =	sld [smem:$0x3FB1];
	_ =	sdelay $0x3  }
0x36: {  	p1 =	seq.s32 s10, $0x1;
	s10 =	sld [smem:$0x3FB2];
	_ =	sdelay $0x3  }
0x37: {  	[smem:$0x3FB2] =	sst s10  }
0x38: {  	s10 =	sld [smem:$0x3FB3]  }
0x39: {  	_ = 	snop;
	(pc) =	sbr.ind lr, $3  }
0x3a: {  	_ = 	snop  }
0x3b: {  	_ = 	snop  }
0x3c: {  	p2 =	seq.s32 s10, $0x1;
	s10 =	sld [smem:$0x3FB2]  }
0x3d: {  	_ =	shalt  }
0x3e: {  	_ =	shalt  }
0x3f: {  	_ =	shalt  }
0x40: {  	_ =	shalt  }
0x41: {  	_ =	shalt  }
0x42: {  	_ =	shalt  }
0x43: {  	_ =	shalt  }
0x44: {  	_ =	shalt  }
0x45: {  	_ =	shalt  }
0x46: {  	_ =	shalt  }
0x47: {  	_ =	shalt  }
0x48: {  	_ =	shalt  }
0x49: {  	_ =	shalt  }
0x4a: {  	_ =	shalt  }
0x4b: {  	_ =	shalt  }
0x4c: {  	_ =	shalt  }
0x4d: {  	_ =	shalt  }
0x4e: {  	_ =	shalt  }
0x4f: {  	_ =	shalt  }
0x50: {  	_ =	shalt  }
0x51: {  	_ =	shalt  }
0x52: {  	_ =	shalt  }
0x53: {  	_ =	shalt  }
0x54: {  	_ =	shalt  }
0x55: {  	_ =	shalt  }
0x56: {  	_ =	shalt  }
0x57: {  	_ =	shalt  }
0x58: {  	_ =	shalt  }
0x59: {  	_ =	shalt  }
0x5a: {  	_ =	shalt  }
0x5b: {  	_ =	shalt  }
0x5c: {  	_ =	shalt  }
0x5d: {  	_ =	shalt  }
0x5e: {  	_ =	shalt  }
0x5f: {  	_ =	shalt  }
0x60: {  	_ =	shalt  }
0x61: {  	_ =	shalt  }
0x62: {  	_ =	shalt  }
0x63: {  	_ =	shalt  }
0x64: {  	_ =	shalt  }
0x65: {  	_ =	shalt  }
0x66: {  	_ =	shalt  }
0x67: {  	_ =	shalt  }
0x68: {  	_ =	shalt  }
0x69: {  	_ =	shalt  }
0x6a: {  	_ =	shalt  }
0x6b: {  	_ =	shalt  }
0x6c: {  	_ =	shalt  }
0x6d: {  	_ =	shalt  }
0x6e: {  	_ =	shalt  }
0x6f: {  	_ =	shalt  }
0x70: {  	_ =	shalt  }
0x71: {  	_ =	shalt  }
0x72: {  	_ =	shalt  }
0x73: {  	_ =	shalt  }
0x74: {  	_ =	shalt  }
0x75: {  	_ =	shalt  }
0x76: {  	_ =	shalt  }
0x77: {  	_ =	shalt  }
0x78: {  	_ =	shalt  }
0x79: {  	_ =	shalt  }
0x7a: {  	_ =	shalt  }
0x7b: {  	_ =	shalt  }
0x7c: {  	_ =	shalt  }
0x7d: {  	_ =	shalt  }
0x7e: {  	_ =	shalt  }
0x7f: {  	_ =	shalt  }
0x80: {  	_ =	shalt  }
0x81: {  	_ =	shalt  }
0x82: {  	_ =	shalt  }
0x83: {  	_ =	shalt  }
0x84: {  	_ =	shalt  }
0x85: {  	_ =	shalt  }
0x86: {  	_ =	shalt  }
0x87: {  	_ =	shalt  }
.Lfunc_end0:
.L_simem_size_0:
called_computation.2_lowered:
.L_overlay_start_0:
0x88: {  	s2 =	sld [smem:$0x3FD9]  }
0x89: {  	s3 =	sld [smem:$0x3FFE];
	_ =	sdelay $0x1  }
0x8a: {  	s1 =	srdreg.scid  }
0x8b: {  	s0 =	sand.u32 $0x1, s1  }
0x8c: {  	s17 =	sshll.u32 s0, $0xA;
	s2 =	sadd.s32 s3, s2  }
0x8d: {  	s2 =	sadd.s32 s2, s17  }
0x8e: {  	[smem:$0x3FBE] =	sst s2  }
0x8f: {  	_ = 	snop  }
0x90: {  	(tm) =	ssettm $0x1  }
0x91: {  	s18 =	sld [smem:$0x3FFB];
	_ =	sdelay $0x3  }
0x92: {  	_ =	strace s18  }
0x93: {  	s2 =	sld [smem:$0x3FFC];
	_ =	sdelay $0x3  }
0x94: {  	_ =	strace s2  }
0x95: {  	s2 =	sld [smem:$0x3FFD];
	_ =	sdelay $0x3  }
0x96: {  	_ =	strace s2  }
0x97: {  	_ =	strace $0x8FFFFFFF  }
0x98: {  	s19 =	sld [smem:$0x3FDB];
	_ =	sdelay $0x1  }
0x99: {  	s20 =	simm.s32 $_scs_section_size  }
0x9a: {  	s4 =	simm.s32 $_size__tile_overlayer_lowered;
	s5 =	simm.s32 $_tile_overlayer_lowered  }
0x9b: {  	s6 =	simm.s32 $0x1BFF;
	s21 =	sshll.u32 s5, $0x1;
	s3 =	sadd.s32 s20, s19  }
0x9c: {  	s22 =	simm.s32 $0x0;
	s4 =	sshll.u32 s4, $0x1;
	s5 =	sadd.s32 s21, s3  }
0x9d: {  	[timem:s22], [sflag:s6] =	dma.local [hbm:s5], s4  }
0x9e: {  	_ =	swait.ge [sflag:s6], s4  }
0x9f: {  	s4 =	ssub.s32 $0x0, s4;
	[sflag:s6] =	ssyncset.done $0x0  }
0xa0: {  	[sflag:s6] =	ssyncadd.s32 s4;
	_ =	sdelay $0x1  }
0xa1: {  	s23 =	simm.s32 $0x1B8B  }
0xa2: {  	_ =	swait.ge [sflag:s23], $0x1  }
0xa3: {  	[sflag:s23] =	ssyncset.done $0x0  }
0xa4: {  	[sflag:s23] =	ssyncadd.s32 $0xFFFFFFFF  }
0xa5: {  	s4 =	sld [smem:$0x0]  }
0xa6: {  	s5 =	sand.u32 $0xFFFFFFFE, s1  }
0xa7: {  	p0 =	sne.s32 s1, s5  }
0xa8: {  	s5 =	sshll.u32 @p0 s5, $0xE  }
0xa9: {  	s5 =	sadd.s32 @p0 $0x11B8D, s5;
	s6 =	sshll.u32 @p0 s4, $0x11  }
0xaa: {  	s5 =	sor.u32 @p0 s6, s5  }
0xab: {  	[sflag:s5] =	ssyncadd.remote.s32 @p0 $0x1;
	_ =	sdelay $0x1  }
0xac: {  	s5 =	simm.s32 @p0 $0x1B8D  }
0xad: {  	_ =	swait.eq @p0 [sflag:s5], $0x1  }
0xae: {  	[sflag:s5] =	ssyncadd.s32 @p0 $0xFFFFFFFF  }
0xaf: {  	s6 =	sshll.u32 @!p0 s1, $0xE  }
0xb0: {  	s6 =	sor.u32 @!p0 $0x4000, s6;
	s5 =	simm.s32 @!p0 $0x1B8D  }
0xb1: {  	s4 =	sshll.u32 @!p0 s4, $0x11;
	s6 =	sadd.s32 @!p0 $0x11B8D, s6;
	_ =	swait.eq @!p0 [sflag:s5], $0x1  }
0xb2: {  	s4 =	sor.u32 @!p0 s4, s6;
	[sflag:s5] =	ssyncadd.s32 @!p0 $0xFFFFFFFF  }
0xb3: {  	s25 =	simm.s32 $0x1B8E;
	s24 =	sld [smem:$0x3FFE];
	[sflag:s4] =	ssyncadd.remote.s32 @!p0 $0x1  }
0xb4: {  	s26 =	simm.s32 $execute0_lowered;
	[smem:$0x3FD2] =	sst s25  }
0xb5: {  	s5 =	sshll.u32 s26, $0x1;
	_ =	strace $0x8000004C;
	[dreg:$0x1] =	wrdreg $0xFFFFFFFF  }
0xb6: {  	s28 =	simm.s32 $_size_execute0_lowered;
	s3 =	sadd.s32 s3, s5;
	[dreg:$0x0] =	wrdreg $0x0  }
0xb7: {  	s5 =	sshll.u32 s28, $0x1;
	[dreg:$0x2] =	wrdreg s3  }
0xb8: {  	[dreg:$0x3] =	wrdreg s5  }
0xb9: {  	[dreg:$0x4] =	wrdreg $0xC0  }
0xba: {  	_ =	task [dreg:s22], $0x5FFFF  }
0xbb: {  	[dreg:$0x1] =	wrdreg $0xFFFFFFFF  }
0xbc: {  	[dreg:$0x0] =	wrdreg $0x60  }
0xbd: {  	[dreg:$0x2] =	wrdreg s24  }
0xbe: {  	[dreg:$0x3] =	wrdreg $0x51800  }
0xbf: {  	[dreg:$0x4] =	wrdreg $0xA  }
0xc0: {  	_ =	task.clear_ibuf [dreg:s22], $0x5FFFF;
	_ =	strace $0x9000004C  }
0xc1: {  	s29 =	simm.s32 $0xA;
	_ =	strace $0x8000004E  }
0xc2: {  	_ =	swait.ge [sflag:s29], $0x1  }
0xc3: {  	[sflag:s29] =	ssyncadd.s32 $0xFFFFFFFF  }
0xc4: {  	_ =	strace $0x9000004E  }
0xc5: {  	_ =	sfence  }
0xc6: {  	s30 =	sld [smem:$0x0];
	_ =	sdelay $0x2  }
0xc7: {  	s31 =	sshll.u32 s1, $0xD;
	s1 =	sshrl.u32 s1, $0x2  }
0xc8: {  	s4 =	sand.u32 $0x4000, s31;
	s1 =	sadd.s32 s1, s30  }
0xc9: {  	s0 =	sor.u32 s4, s0;
	s1 =	sshll.u32 s1, $0x11  }
0xca: {  	s0 =	sor.u32 s1, s0  }
0xcb: {  	s0 =	sadd.s32 $0x8F2B, s0  }
0xcc: {  	[sflag:s0] =	ssyncadd.remote.s32 $0x1  }
0xcd: {  	_ =	sfence.sel $0xFFFF  }
0xce: {  	[dreg:$0x0] =	wrdreg $0xFFFFFFFF;
	(pc) =	sbr.abs _section_cstart, $3  }
0xcf: {  	[dreg:$0x1] =	wrdreg $0xFFFFFFFF  }
0xd0: {  	_ =	task.clear_ibuf [dreg:s22], $0x2FFFF;
	_ =	strace $0x9FFFFFFF  }
0xd1: {  	(tm) =	ssettm $0x7FFFFFFF  }
tec
execute0_lowered:
.L_overlay_start_1:
0x0: {  	(tag) =	ssettag $0x1  }
0x1: {  	s0 =	rddreg [dreg:$0x0]  }
0x2: {  	s2 =	rddreg [dreg:$0x1]  }
0x3: {  	s15 =	stileid.u32;
	s1 =	srdreg.scid  }
0x4: {  	s3 =	simm.s32 $0x0;
	s28 =	simm.s32 $0x2;
	s4 =	smul.u32 $0x14000, s15  }
0x5: {  	s29 =	simm.s32 $0x3;
	s30 =	simm.s32 $0x0;
	s9 =	smul.u32 $0x50000, s15  }
0x6: {  	s1 =	sand.u32 $0x1, s1;
	[smem:$0x7FF] =	sst s3;
	s19 =	smul.u32 $0x4E200, s15  }
0x7: {  	s17 =	sadd.s32 $0xBA00, s0;
	s18 =	sadd.s32 $0xEE2A00, s0;
	s20 =	smul.u32 $0x4E20, s15  }
0x8: {  	s8 =	sshll.u32 s15, $0x1;
	s26 =	sshll.u32 s15, $0x6;
	s5 =	smul.u32 $0x140000, s1  }
0x9: {  	_ =	strace $0x8000004D;
	s23 =	ssub.s32 $0x2, s1;
	s21 =	smul.u32 $0x2710, s1  }
0xa: {  	s24 =	sor.u32 s1, s8;
	s1 =	smul.u32 $0x27100, s1;
	s6 =	sshrl.u32 s4, $0x3  }
0xb: {  	s7 =	sshrl.u32 s23, $0x1;
	s25 =	sshrl.u32 s9, $0x2;
	s11 =	smul.u32 $0x2710, s24  }
0xc: {  	s4 =	sadd.s32 s4, s5;
	s22 =	sadd.s32 s6, s0;
	s12 =	ssub.s32 s23, s7  }
0xd: {  	s6 =	sor.u32 $0x1C04, s26;
	s23 =	sadd.s32 s19, s18;
	s4 =	sshrl.u32 s4, $0x3  }
0xe: {  	s5 =	sadd.s32 $0xB3A00, s22;
	s31 =	sshrl.u32 s11, $0x3;
	s10 =	sadd.s32 $0x50, s11  }
0xf: {  	s14 =	sadd.s32 $0xA0, s11;
	s16 =	sadd.s32 $0xF0, s11;
	s12 =	smax.u32 s12, $0x1  }
0x10: {  	s0 =	sadd.s32 s4, s0;
	s4 =	sadd.s32 s25, s2;
	s7 =	sadd.s32 s17, s31  }
0x11: {  	s13 =	sshrl.u32 s10, $0x3;
	s10 =	sshll.u32 s10, $0x4;
	s15 =	sshrl.u32 s16, $0x3  }
0x12: {  	s22 =	sshll.u32 s16, $0x4;
	[dreg:$0x3] =	wrdreg s4;
	s4 =	smul.u32 $0x27100, s24  }
0x13: {  	s9 =	sadd.s32 s17, s13;
	s10 =	sadd.s32 s18, s10;
	s11 =	sadd.s32 $0xDBA00, s0  }
0x14: {  	s13 =	sshrl.u32 s14, $0x3;
	s14 =	sshll.u32 s14, $0x4;
	s15 =	sadd.s32 s17, s15  }
0x15: {  	s16 =	sadd.s32 s18, s22;
	s24 =	sadd.s32 s21, s20;
	s0 =	sadd.s32 s1, s23  }
0x16: {  	s20 =	simm.s32 $0x4;
	s21 =	simm.s32 $0x100;
	s22 =	simm.s32 $0x80  }
.Ltmp0:
0x17: {  	s23 =	simm.s32 $0x2900;
	s13 =	sadd.s32 s17, s13;
	(pc) =	sbr.rel .LBB2_1-.Ltmp0, $4  }
0x18: {  	s14 =	sadd.s32 s18, s14;
	s25 =	sadd.s32 $0x190, s24;
	s1 =	sadd.s32 $0x1900, s0  }
0x19: {  	s8 =	sadd.s32 s18, s4;
	s18 =	sadd.s32 $0x140, s24;
	s26 =	sshrl.u32 s25, $0x3  }
0x1a: {  	s24 =	simm.s32 $0x1;
	s25 =	simm.s32 $0x50;
	s31 =	sshrl.u32 s18, $0x3  }
0x1b: {  	s18 =	sadd.s32 s26, s17;
	s26 =	simm.s32 $0x5100;
	s19 =	sadd.s32 s31, s17  }
.LBB2_4:
0x1c: {  	_ =	swait.ge [sflag:s24], $0x50  }
0x1d: {  	[sflag:s24] =	ssyncset.done $0x0  }
0x1e: {  	[sflag:s24] =	ssyncadd.s32 $0xFFFFFFB0  }
0x1f: {  	_ =	swait.ge [sflag:s24], $0x2800  }
0x20: {  	[sflag:s24] =	ssyncset.done $0x0  }
0x21: {  	[sflag:s24] =	ssyncadd.s32 $0xFFFFD800  }
0x22: {  	_ =	swait.ge [sflag:s29], $0x2800  }
0x23: {  	[sflag:s29] =	ssyncset.done $0x0  }
0x24: {  	[sflag:s29] =	ssyncadd.s32 $0xFFFFD800  }
0x25: {  	v0 =	vld [tilespmem:$0x0]  }
0x26: {  	v1 =	vld [tilespmem:$0x10]  }
0x27: {  	v2 =	vld [tilespmem:$0x20]  }
0x28: {  	v3 =	vld [tilespmem:$0x30]  }
0x29: {  	v4 =	vld [tilespmem:$0x40]  }
0x2a: {  	[tilespmem:$0x5100] =	vst v0  }
0x2b: {  	[tilespmem:$0x5110] =	vst v1  }
0x2c: {  	[tilespmem:$0x5120] =	vst v2  }
0x2d: {  	[tilespmem:$0x5130] =	vst v3  }
0x2e: {  	[tilespmem:$0x5140] =	vst v4  }
0x2f: {  	[spmem:s2] =	stream.indirect.scatter.add.f32 [tilespmem:s21], [sflag:$0x3], $0x80, s26, s25, $0xb8;
	[tilespmem:$0x19180] =	vst v63  }
0x30: {  	_ =	swait.ge [sflag:s29], $0x2800  }
0x31: {  	s30 =	sadd.s32 $0x1, s30;
	[sflag:s29] =	ssyncset.done $0x0  }
0x32: {  	p0 =	sne.s32 s30, s12;
	[sflag:s29] =	ssyncadd.s32 $0xFFFFD800  }
.Ltmp1:
0x33: {  	[bflag:$0x0] =	sbarrier.arrive $0xFFFF;
	(pc) =	sbr.rel @!p0 .LBB2_5-.Ltmp1, $4  }
0x34: {  	[hbm:s11], [sflag:s6] =	dma.local [spmem:s31], $0x2800  }
0x35: {  	_ =	swait.ge [sflag:s20], $0x2800  }
0x36: {  	[sflag:s20] =	ssyncset.done $0x0  }
0x37: {  	[sflag:s20] =	ssyncadd.s32 $0xFFFFD800  }
.LBB2_1:
0x38: {  	s0 =	rddreg [dreg:$0x3]  }
0x39: {  	s31 =	sshrl.u32 s0, $0x3  }
0x3a: {  	[spmem:s31], [sflag:s6] =	dma.local [hbm:s5], $0x2800  }
0x3b: {  	_ =	swait.ge [sflag:s20], $0x2800  }
0x3c: {  	[sflag:s20] =	ssyncset.done $0x0  }
0x3d: {  	[sflag:s20] =	ssyncadd.s32 $0xFFFFD800  }
0x3e: {  	[bflag:$0x0] =	sbarrier.arrive $0xFFFF  }
0x3f: {  	[tilespmem:s3], [sflag:$0x1] =	stream.linear.gather [hbm4b:s7+s3], $0x50, $0x38;
	[tilespmem:$0x19180] =	vst v63  }
0x40: {  	_ = 	snop  }
0x41: {  	[tilespmem:s21], [sflag:$0x1] =	stream.linear.gather [hbm4b:s8+s3], $0x2800, $0x38;
	[tilespmem:$0x19180] =	vst v63  }
0x42: {  	_ = 	snop  }
0x43: {  	[tilespmem:s22], [sflag:$0x2] =	stream.linear.gather [hbm4b:s9+s3], $0x50, $0x38;
	[tilespmem:$0x19180] =	vst v63  }
0x44: {  	_ = 	snop  }
0x45: {  	[tilespmem:s23], [sflag:$0x2] =	stream.linear.gather [hbm4b:s10+s3], $0x2800, $0x38;
	[tilespmem:$0x19180] =	vst v63  }
0x46: {  	_ =	swait.ge [sflag:s24], $0x50  }
0x47: {  	[sflag:s24] =	ssyncset.done $0x0  }
0x48: {  	[sflag:s24] =	ssyncadd.s32 $0xFFFFFFB0  }
0x49: {  	_ =	swait.ge [sflag:s24], $0x2800  }
0x4a: {  	[sflag:s24] =	ssyncset.done $0x0  }
0x4b: {  	[sflag:s24] =	ssyncadd.s32 $0xFFFFD800  }
0x4c: {  	v0 =	vld [tilespmem:$0x0]  }
0x4d: {  	v1 =	vld [tilespmem:$0x10]  }
0x4e: {  	v2 =	vld [tilespmem:$0x20]  }
0x4f: {  	v3 =	vld [tilespmem:$0x30]  }
0x50: {  	v4 =	vld [tilespmem:$0x40]  }
0x51: {  	[tilespmem:$0x5100] =	vst v0  }
0x52: {  	[tilespmem:$0x5110] =	vst v1  }
0x53: {  	[tilespmem:$0x5120] =	vst v2  }
0x54: {  	[tilespmem:$0x5130] =	vst v3  }
0x55: {  	[tilespmem:$0x5140] =	vst v4  }
0x56: {  	[spmem:s2] =	stream.indirect.scatter.add.f32 [tilespmem:s21], [sflag:$0x3], $0x80, s26, s25, $0xb8;
	[tilespmem:$0x19180] =	vst v63  }
0x57: {  	_ = 	snop  }
0x58: {  	[tilespmem:s3], [sflag:$0x1] =	stream.linear.gather [hbm4b:s13+s3], $0x50, $0x38;
	[tilespmem:$0x19180] =	vst v63  }
0x59: {  	_ = 	snop  }
0x5a: {  	[tilespmem:s21], [sflag:$0x1] =	stream.linear.gather [hbm4b:s14+s3], $0x2800, $0x38;
	[tilespmem:$0x19180] =	vst v63  }
0x5b: {  	_ =	swait.ge [sflag:s28], $0x50  }
0x5c: {  	[sflag:s28] =	ssyncset.done $0x0  }
0x5d: {  	[sflag:s28] =	ssyncadd.s32 $0xFFFFFFB0  }
0x5e: {  	_ =	swait.ge [sflag:s28], $0x2800  }
0x5f: {  	[sflag:s28] =	ssyncset.done $0x0  }
0x60: {  	[sflag:s28] =	ssyncadd.s32 $0xFFFFD800  }
0x61: {  	_ =	swait.ge [sflag:s29], $0x2800  }
0x62: {  	[sflag:s29] =	ssyncset.done $0x0  }
0x63: {  	[sflag:s29] =	ssyncadd.s32 $0xFFFFD800  }
0x64: {  	v59 =	vld [tilespmem:$0x80]  }
0x65: {  	v60 =	vld [tilespmem:$0x90]  }
0x66: {  	v61 =	vld [tilespmem:$0xA0]  }
0x67: {  	v62 =	vld [tilespmem:$0xB0]  }
0x68: {  	v63 =	vld [tilespmem:$0xC0]  }
0x69: {  	[tilespmem:$0x5100] =	vst v59  }
0x6a: {  	[tilespmem:$0x5110] =	vst v60  }
0x6b: {  	[tilespmem:$0x5120] =	vst v61  }
0x6c: {  	[tilespmem:$0x5130] =	vst v62  }
0x6d: {  	[tilespmem:$0x5140] =	vst v63  }
0x6e: {  	[spmem:s2] =	stream.indirect.scatter.add.f32 [tilespmem:s23], [sflag:$0x3], $0x80, s26, s25, $0xb8;
	[tilespmem:$0x19180] =	vst v63  }
0x6f: {  	_ = 	snop  }
0x70: {  	[tilespmem:s22], [sflag:$0x2] =	stream.linear.gather [hbm4b:s15+s3], $0x50, $0x38;
	[tilespmem:$0x19180] =	vst v63  }
0x71: {  	s17 =	smov.u32 s1;
	s0 =	simm.s32 $0x0  }
0x72: {  	[tilespmem:s23], [sflag:$0x2] =	stream.linear.gather [hbm4b:s16+s3], $0x2800, $0x38;
	[tilespmem:$0x19180] =	vst v63  }
.LBB2_2:
0x73: {  	_ =	swait.ge [sflag:s24], $0x50  }
0x74: {  	[sflag:s24] =	ssyncset.done $0x0  }
0x75: {  	[sflag:s24] =	ssyncadd.s32 $0xFFFFFFB0  }
0x76: {  	_ =	swait.ge [sflag:s24], $0x2800  }
0x77: {  	[sflag:s24] =	ssyncset.done $0x0  }
0x78: {  	[sflag:s24] =	ssyncadd.s32 $0xFFFFD800  }
0x79: {  	_ =	swait.ge [sflag:s29], $0x2800  }
0x7a: {  	[sflag:s29] =	ssyncset.done $0x0  }
0x7b: {  	[sflag:s29] =	ssyncadd.s32 $0xFFFFD800  }
0x7c: {  	v0 =	vld [tilespmem:$0x0]  }
0x7d: {  	v1 =	vld [tilespmem:$0x10]  }
0x7e: {  	v2 =	vld [tilespmem:$0x20]  }
0x7f: {  	v3 =	vld [tilespmem:$0x30]  }
0x80: {  	v4 =	vld [tilespmem:$0x40]  }
0x81: {  	[tilespmem:$0x5100] =	vst v0  }
0x82: {  	[tilespmem:$0x5110] =	vst v1  }
0x83: {  	[tilespmem:$0x5120] =	vst v2  }
0x84: {  	[tilespmem:$0x5130] =	vst v3  }
0x85: {  	[tilespmem:$0x5140] =	vst v4  }
0x86: {  	[spmem:s2] =	stream.indirect.scatter.add.f32 [tilespmem:s21], [sflag:$0x3], $0x80, s26, s25, $0xb8;
	[tilespmem:$0x19180] =	vst v63  }
0x87: {  	s4 =	sadd.s32 s0, s19  }
0x88: {  	[tilespmem:s3], [sflag:$0x1] =	stream.linear.gather [hbm4b:s4+s3], $0x50, $0x38;
	[tilespmem:$0x19180] =	vst v63  }
0x89: {  	s4 =	sadd.s32 $0xFFFFFB00, s17  }
0x8a: {  	[tilespmem:s21], [sflag:$0x1] =	stream.linear.gather [hbm4b:s4+s3], $0x2800, $0x38;
	[tilespmem:$0x19180] =	vst v63  }
0x8b: {  	_ =	swait.ge [sflag:s28], $0x50  }
0x8c: {  	[sflag:s28] =	ssyncset.done $0x0  }
0x8d: {  	[sflag:s28] =	ssyncadd.s32 $0xFFFFFFB0  }
0x8e: {  	_ =	swait.ge [sflag:s28], $0x2800  }
0x8f: {  	[sflag:s28] =	ssyncset.done $0x0  }
0x90: {  	[sflag:s28] =	ssyncadd.s32 $0xFFFFD800  }
0x91: {  	_ =	swait.ge [sflag:s29], $0x2800  }
0x92: {  	[sflag:s29] =	ssyncset.done $0x0  }
0x93: {  	[sflag:s29] =	ssyncadd.s32 $0xFFFFD800  }
0x94: {  	v59 =	vld [tilespmem:$0x80]  }
0x95: {  	v60 =	vld [tilespmem:$0x90]  }
0x96: {  	v61 =	vld [tilespmem:$0xA0]  }
0x97: {  	v62 =	vld [tilespmem:$0xB0]  }
0x98: {  	v63 =	vld [tilespmem:$0xC0]  }
0x99: {  	p0 =	seq.s32 s0, $0x4B0;
	[tilespmem:$0x5100] =	vst v59  }
.Ltmp2:
0x9a: {  	[tilespmem:$0x5110] =	vst v60;
	(pc) =	sbr.rel @p0 .LBB2_4-.Ltmp2, $4  }
0x9b: {  	[tilespmem:$0x5120] =	vst v61  }
0x9c: {  	[tilespmem:$0x5130] =	vst v62  }
0x9d: {  	[tilespmem:$0x5140] =	vst v63  }
0x9e: {  	[spmem:s2] =	stream.indirect.scatter.add.f32 [tilespmem:s23], [sflag:$0x3], $0x80, s26, s25, $0xb8;
	[tilespmem:$0x19180] =	vst v63  }
.Ltmp3:
0x9f: {  	s4 =	sadd.s32 s0, s18;
	(pc) =	sbr.rel .LBB2_2-.Ltmp3, $4  }
0xa0: {  	[tilespmem:s22], [sflag:$0x2] =	stream.linear.gather [hbm4b:s4+s3], $0x50, $0x38;
	[tilespmem:$0x19180] =	vst v63  }
0xa1: {  	_ = 	snop  }
0xa2: {  	[tilespmem:s23], [sflag:$0x2] =	stream.linear.gather [hbm4b:s17+s3], $0x2800, $0x38;
	[tilespmem:$0x19180] =	vst v63  }
0xa3: {  	s0 =	sadd.s32 $0x14, s0;
	s17 =	sadd.s32 $0xA00, s17  }
.LBB2_5:
0xa4: {  	_ =	sfence.sel $0x180000  }
0xa5: {  	[bflag:$0x0] =	sbarrier.arrive $0xFFFF  }
0xa6: {  	_ =	strace $0x9000004D  }
0xa7: {  	s0 =	stileid.u32;
	[bflag:$0x2] =	sbarrier.arrive $0xFFFF  }
0xa8: {  	p0 =	sne.s32 s0, $0x0;
	s0 =	rddreg [dreg:$0x2]  }
0xa9: {  	s0 =	sadd.s32 @!p0 $0x100000, s0  }
0xaa: {  	[sflag:s0] =	ssyncadd.tile.s32 @!p0 $0x1;
	_ =	shalt  }
.Lfunc_end2:
_tile_overlayer_lowered:
.L_overlay_start_2:
0xab: {  	(tag) =	ssettag $0x2  }
0xac: {  	s0 =	rddreg [dreg:$0x0];
	s2 =	stileid.u32  }
0xad: {  	s1 =	rddreg [dreg:$0x1];
	p0 =	sne.s32 s2, $0x0  }
0xae: {  	s3 =	rddreg [dreg:$0x2];
	[bflag:$0x3] =	sbarrier.arrive $0xFFFF;
	s2 =	simm.s32 @!p0 $0x1C04  }
0xaf: {  	[timem:s3], [sflag:s2] =	dma.local @!p0 [hbm:s0], s1  }
0xb0: {  	s0 =	simm.s32 @!p0 $0x4  }
0xb1: {  	_ =	swait.ge @!p0 [sflag:s0], s1  }
0xb2: {  	s1 =	ssub.s32 @!p0 $0x0, s1;
	[sflag:s0] =	ssyncset.done @!p0 $0x0  }
0xb3: {  	[sflag:s0] =	ssyncadd.s32 @!p0 s1  }
0xb4: {  	[bflag:$0x3] =	sbarrier.arrive $0xFFFF  }
0xb5: {  	_ =	shalt  }

// kernel: kernel.9.cloned.1.call-start
scs
__scs_entry_jumppad:
0x0: {  	(pc) =	sbr.rel $0x88, $3  }
0x1: {  	(tag) =	ssettag $0x0;
	lr =	simm.s32 $0x1  }
0x2: {  	[smem:$0x3F97] =	sst lr;
	_ =	strace $0xD0000000  }
0x3: {  	_ = 	snop  }
0x4: {  	_ = 	snop  }
0x5: {  	_ = 	snop  }
0x6: {  	_ = 	snop  }
0x7: {  	_ = 	snop  }
__scs_overlays_trampoline_lowered:
0x8: {  	[smem:$0x3FA6] =	sst s0  }
0x9: {  	[smem:$0x3FA7] =	sst s1  }
0xa: {  	[smem:$0x3FA8] =	sst s2  }
0xb: {  	[smem:$0x3FA9] =	sst s3  }
0xc: {  	[smem:$0x3FAA] =	sst s4  }
0xd: {  	[smem:$0x3FAB] =	sst s5  }
0xe: {  	[smem:$0x3FAC] =	sst s6  }
0xf: {  	[smem:$0x3FAD] =	sst s7  }
0x10: {  	[smem:$0x3FAE] =	sst s8  }
0x11: {  	[smem:$0x3FAF] =	sst s9;
	s0 =	simm.s32 @!p0 $0x0  }
0x12: {  	s1 =	sld [smem:$0x3F95];
	s0 =	simm.s32 @p0 $0x1  }
0x13: {  	[smem:$0x3FB0] =	sst s0;
	s0 =	simm.s32 @!p1 $0x0  }
0x14: {  	s2 =	sld [smem:$0x3F94];
	s0 =	simm.s32 @p1 $0x1  }
0x15: {  	[smem:$0x3FB1] =	sst s0;
	s0 =	simm.s32 @!p2 $0x0  }
0x16: {  	s3 =	sld [smem:$0x3FDB];
	s0 =	simm.s32 @p2 $0x1  }
0x17: {  	s4 =	simm.s32 $0x1BF5;
	[smem:$0x3FB3] =	sst s0  }
0x18: {  	s0 =	sld [smem:$0x3F96];
	_ =	swait.ge [sflag:s4], $0x0  }
0x19: {  	s7 =	sld [smem:$0x3F97]  }
0x1a: {  	s8 =	sadd.s32 $0xFFFFE003, lr  }
0x1b: {  	s9 =	sadd.s32 $0xFFFFFEF7, lr;
	s5 =	simm.s32 $0xFFFFFFFF;
	p2 =	slt.u32 s8, $0xFFFFF086  }
0x1c: {  	p1 =	slt.u32 s9, $0xF7A;
	s5 =	simm.s32 @!p2 $0x0  }
0x1d: {  	s5 =	simm.s32 @p1 $0x1;
	p0 =	seq.s32 s7, s2  }
0x1e: {  	s7 =	smul.u32 @!p0 $0xF7A, s2;
	p2 =	seq.s32 @!p0 s5, $0x0  }
0x1f: {  	s9 =	smul.u32 $0xF7A, s1;
	s8 =	simm.s32 @!p0 $0x1BF5;
	p2 =	por !p2, p0  }
0x20: {  	[sflag:s8] =	ssyncset.s32 @!p0 $0xFFFFF086;
	s6 =	sadd.s32 @!p0 s3, s7;
	s7 =	simm.s32 @!p0 $0x108  }
0x21: {  	s3 =	sadd.s32 s3, s9;
	s6 =	sadd.s32 @!p0 $0x88, s6;
	s7 =	simm.s32 @p2 $0x1082  }
0x22: {  	[simem:s7], [sflag:s8] =	dma.local @!p0 [hbm:s6], $0xF7A  }
0x23: {  	s9 =	sor.u32 $0xD0000000, s2;
	s6 =	simm.s32 $0x108;
	_ =	swait.ge @!p0 [sflag:s8], $0x0  }
0x24: {  	s3 =	sadd.s32 $0x88, s3;
	s6 =	simm.s32 @!p1 $0x1082;
	[sflag:s4] =	ssyncset.s32 $0xFFFFF086  }
0x25: {  	[simem:s6], [sflag:s4] =	dma.local [hbm:s3], $0xF7A  }
0x26: {  	[smem:$0x3F97] =	sst s1;
	(tag) =	ssettag s2;
	_ =	strace s9  }
0x27: {  	s1 =	sld [smem:$0x3FA7]  }
0x28: {  	s2 =	sld [smem:$0x3FA8]  }
0x29: {  	s4 =	sld [smem:$0x3FAA]  }
0x2a: {  	p0 =	seq.s32 s5, $0x0;
	s5 =	sld [smem:$0x3FAB]  }
0x2b: {  	s6 =	sld [smem:$0x3FAC]  }
0x2c: {  	s7 =	sld [smem:$0x3FAD]  }
0x2d: {  	s3 =	simm.s32 $0x108;
	s8 =	sld [smem:$0x3FAE]  }
0x2e: {  	s3 =	simm.s32 @!p0 $0x1082;
	s9 =	sld [smem:$0x3FAF]  }
0x2f: {  	lr =	sadd.s32 s0, s3;
	s0 =	sld [smem:$0x3FA6]  }
0x30: {  	s3 =	sld [smem:$0x3FA9]  }
0x31: {  	[smem:$0x3FB2] =	sst s10  }
0x32: {  	s10 =	sld [smem:$0x3FB0];
	_ =	sdelay $0x3  }
0x33: {  	p0 =	seq.s32 s10, $0x1;
	s10 =	sld [smem:$0x3FB2];
	_ =	sdelay $0x3  }
0x34: {  	[smem:$0x3FB2] =	sst s10  }
0x35: {  	s10 =	sld [smem:$0x3FB1];
	_ =	sdelay $0x3  }
0x36: {  	p1 =	seq.s32 s10, $0x1;
	s10 =	sld [smem:$0x3FB2];
	_ =	sdelay $0x3  }
0x37: {  	[smem:$0x3FB2] =	sst s10  }
0x38: {  	s10 =	sld [smem:$0x3FB3]  }
0x39: {  	_ = 	snop;
	(pc) =	sbr.ind lr, $3  }
0x3a: {  	_ = 	snop  }
0x3b: {  	_ = 	snop  }
0x3c: {  	p2 =	seq.s32 s10, $0x1;
	s10 =	sld [smem:$0x3FB2]  }
0x3d: {  	_ =	shalt  }
0x3e: {  	_ =	shalt  }
0x3f: {  	_ =	shalt  }
0x40: {  	_ =	shalt  }
0x41: {  	_ =	shalt  }
0x42: {  	_ =	shalt  }
0x43: {  	_ =	shalt  }
0x44: {  	_ =	shalt  }
0x45: {  	_ =	shalt  }
0x46: {  	_ =	shalt  }
0x47: {  	_ =	shalt  }
0x48: {  	_ =	shalt  }
0x49: {  	_ =	shalt  }
0x4a: {  	_ =	shalt  }
0x4b: {  	_ =	shalt  }
0x4c: {  	_ =	shalt  }
0x4d: {  	_ =	shalt  }
0x4e: {  	_ =	shalt  }
0x4f: {  	_ =	shalt  }
0x50: {  	_ =	shalt  }
0x51: {  	_ =	shalt  }
0x52: {  	_ =	shalt  }
0x53: {  	_ =	shalt  }
0x54: {  	_ =	shalt  }
0x55: {  	_ =	shalt  }
0x56: {  	_ =	shalt  }
0x57: {  	_ =	shalt  }
0x58: {  	_ =	shalt  }
0x59: {  	_ =	shalt  }
0x5a: {  	_ =	shalt  }
0x5b: {  	_ =	shalt  }
0x5c: {  	_ =	shalt  }
0x5d: {  	_ =	shalt  }
0x5e: {  	_ =	shalt  }
0x5f: {  	_ =	shalt  }
0x60: {  	_ =	shalt  }
0x61: {  	_ =	shalt  }
0x62: {  	_ =	shalt  }
0x63: {  	_ =	shalt  }
0x64: {  	_ =	shalt  }
0x65: {  	_ =	shalt  }
0x66: {  	_ =	shalt  }
0x67: {  	_ =	shalt  }
0x68: {  	_ =	shalt  }
0x69: {  	_ =	shalt  }
0x6a: {  	_ =	shalt  }
0x6b: {  	_ =	shalt  }
0x6c: {  	_ =	shalt  }
0x6d: {  	_ =	shalt  }
0x6e: {  	_ =	shalt  }
0x6f: {  	_ =	shalt  }
0x70: {  	_ =	shalt  }
0x71: {  	_ =	shalt  }
0x72: {  	_ =	shalt  }
0x73: {  	_ =	shalt  }
0x74: {  	_ =	shalt  }
0x75: {  	_ =	shalt  }
0x76: {  	_ =	shalt  }
0x77: {  	_ =	shalt  }
0x78: {  	_ =	shalt  }
0x79: {  	_ =	shalt  }
0x7a: {  	_ =	shalt  }
0x7b: {  	_ =	shalt  }
0x7c: {  	_ =	shalt  }
0x7d: {  	_ =	shalt  }
0x7e: {  	_ =	shalt  }
0x7f: {  	_ =	shalt  }
0x80: {  	_ =	shalt  }
0x81: {  	_ =	shalt  }
0x82: {  	_ =	shalt  }
0x83: {  	_ =	shalt  }
0x84: {  	_ =	shalt  }
0x85: {  	_ =	shalt  }
0x86: {  	_ =	shalt  }
0x87: {  	_ =	shalt  }
.Lfunc_end0:
.L_simem_size_0:
called_computation_lowered:
.L_overlay_start_0:
0x88: {  	s2 =	sld [smem:$0x3FD9]  }
0x89: {  	s3 =	sld [smem:$0x3FFE];
	_ =	sdelay $0x1  }
0x8a: {  	s1 =	srdreg.scid  }
0x8b: {  	s0 =	sand.u32 $0x1, s1  }
0x8c: {  	s17 =	sshll.u32 s0, $0xA;
	s2 =	sadd.s32 s3, s2  }
0x8d: {  	s2 =	sadd.s32 s2, s17  }
0x8e: {  	[smem:$0x3FBE] =	sst s2  }
0x8f: {  	_ = 	snop  }
0x90: {  	s2 =	sld [smem:$0x3FD0];
	(tm) =	ssettm $0x1  }
0x91: {  	s18 =	sld [smem:$0x3FFB];
	_ =	sdelay $0x3  }
0x92: {  	_ =	strace s18  }
0x93: {  	s3 =	sld [smem:$0x3FFC];
	_ =	sdelay $0x3  }
0x94: {  	_ =	strace s3  }
0x95: {  	s3 =	sld [smem:$0x3FFD];
	_ =	sdelay $0x3  }
0x96: {  	_ =	strace s3  }
0x97: {  	_ =	strace $0x8FFFFFFF  }
0x98: {  	s19 =	sld [smem:$0x3FDB];
	_ =	sdelay $0x1  }
0x99: {  	s4 =	simm.s32 $_scs_section_size  }
0x9a: {  	s5 =	simm.s32 $_size__tile_overlayer_lowered;
	s6 =	simm.s32 $_tile_overlayer_lowered  }
0x9b: {  	s22 =	simm.s32 $0x1BFF;
	s21 =	sshll.u32 s6, $0x1;
	s3 =	sadd.s32 s4, s19  }
0x9c: {  	s7 =	simm.s32 $0x0;
	s20 =	sshll.u32 s5, $0x1;
	s5 =	sadd.s32 s21, s3  }
0x9d: {  	[timem:s7], [sflag:s22] =	dma.local [hbm:s5], s20  }
0x9e: {  	_ =	swait.ge [sflag:s22], s20  }
0x9f: {  	s4 =	ssub.s32 $0x0, s20;
	[sflag:s22] =	ssyncset.done $0x0  }
0xa0: {  	[sflag:s22] =	ssyncadd.s32 s4;
	_ =	sdelay $0x1  }
0xa1: {  	s23 =	simm.s32 $0x1B8B  }
0xa2: {  	_ =	swait.ge [sflag:s23], $0x1  }
0xa3: {  	[sflag:s23] =	ssyncset.done $0x0  }
0xa4: {  	s25 =	simm.s32 $0x1B8E;
	s24 =	sld [smem:$0x3FFE];
	[sflag:s23] =	ssyncadd.s32 $0xFFFFFFFF  }
0xa5: {  	s26 =	simm.s32 $execute0_lowered;
	[smem:$0x3FD2] =	sst s25  }
0xa6: {  	s5 =	sshll.u32 s26, $0x1;
	_ =	strace $0x80000046;
	[dreg:$0x1] =	wrdreg $0xFFFFFFFF  }
0xa7: {  	s28 =	simm.s32 $_size_execute0_lowered;
	s3 =	sadd.s32 s3, s5;
	[dreg:$0x0] =	wrdreg $0x0  }
0xa8: {  	s5 =	sshll.u32 s28, $0x1;
	[dreg:$0x2] =	wrdreg s3  }
0xa9: {  	[dreg:$0x3] =	wrdreg s5  }
0xaa: {  	[dreg:$0x4] =	wrdreg $0xC0  }
0xab: {  	_ =	task [dreg:s7], $0x5FFFF  }
0xac: {  	[dreg:$0x1] =	wrdreg $0xFFFFFFFF  }
0xad: {  	[dreg:$0x0] =	wrdreg $0x60  }
0xae: {  	[dreg:$0x2] =	wrdreg s24  }
0xaf: {  	[dreg:$0x3] =	wrdreg s2  }
0xb0: {  	[dreg:$0x4] =	wrdreg $0x9  }
0xb1: {  	_ =	task.clear_ibuf [dreg:s7], $0x5FFFF;
	_ =	strace $0x90000046  }
0xb2: {  	s29 =	simm.s32 $0x9;
	_ =	strace $0x80000048  }
0xb3: {  	_ =	swait.ge [sflag:s29], $0x1  }
0xb4: {  	[sflag:s29] =	ssyncadd.s32 $0xFFFFFFFF  }
0xb5: {  	_ =	strace $0x90000048  }
0xb6: {  	_ =	sfence  }
0xb7: {  	s30 =	sld [smem:$0x0];
	_ =	sdelay $0x2  }
0xb8: {  	s31 =	sshll.u32 s1, $0xD;
	s1 =	sshrl.u32 s1, $0x2  }
0xb9: {  	s3 =	sand.u32 $0x4000, s31;
	s1 =	sadd.s32 s1, s30  }
0xba: {  	s0 =	sor.u32 s3, s0;
	s1 =	sshll.u32 s1, $0x11  }
0xbb: {  	s0 =	sor.u32 s1, s0  }
0xbc: {  	s0 =	sadd.s32 $0x8F2B, s0  }
0xbd: {  	[sflag:s0] =	ssyncadd.remote.s32 $0x1  }
0xbe: {  	_ =	sfence.sel $0xFFFF  }
0xbf: {  	[dreg:$0x0] =	wrdreg $0xFFFFFFFF;
	(pc) =	sbr.abs _section_cstart, $3  }
0xc0: {  	[dreg:$0x1] =	wrdreg $0xFFFFFFFF  }
0xc1: {  	_ =	task.clear_ibuf [dreg:s7], $0x2FFFF;
	_ =	strace $0x9FFFFFFF  }
0xc2: {  	(tm) =	ssettm $0x7FFFFFFF  }
0xc3: {  	_ =	shalt  }
tec
execute0_lowered:
.L_overlay_start_1:
0x0: {  	(tag) =	ssettag $0x1  }
0x1: {  	s0 =	rddreg [dreg:$0x0]  }
0x2: {  	s1 =	rddreg [dreg:$0x1];
	s3 =	simm.s32 $0x0;
	s2 =	srdreg.scid  }
0x3: {  	s13 =	stileid.u32;
	s28 =	simm.s32 $0x5200;
	s29 =	simm.s32 $0x7A00  }
0x4: {  	s30 =	simm.s32 $0x3;
	s31 =	simm.s32 $0x5;
	[smem:$0x7FF] =	sst s3  }
0x5: {  	s2 =	sand.u32 $0x1, s2;
	s6 =	sshll.u32 s13, $0x1;
	s12 =	smul.u32 $0x4E20, s13  }
0x6: {  	s4 =	sadd.s32 $0xBA00, s0;
	s5 =	sadd.s32 $0x1C00, s0;
	s24 =	smul.u32 $0x4E200, s13  }
0x7: {  	s8 =	sadd.s32 $0x3CA00, s0;
	_ =	strace $0x80000047;
	s18 =	smul.u32 $0x2710, s2  }
0x8: {  	s7 =	sor.u32 s2, s6;
	s10 =	ssub.s32 $0x2, s2;
	s2 =	smul.u32 $0x27100, s2  }
0x9: {  	s6 =	sadd.s32 $0x15800, s0;
	s0 =	sadd.s32 $0x51EA00, s0;
	s9 =	smul.u32 $0x2710, s7  }
0xa: {  	s7 =	smul.u32 $0x138800, s7;
	s11 =	sshrl.u32 s10, $0x1;
	s26 =	sadd.s32 s24, s8  }
0xb: {  	s10 =	ssub.s32 s10, s11;
	s20 =	sadd.s32 s18, s12;
	s9 =	sshrl.u32 s9, $0x3  }
0xc: {  	s7 =	sshrl.u32 s7, $0x3;
	s22 =	sadd.s32 $0xF0, s20;
	s10 =	smax.u32 s10, $0x1  }
0xd: {  	s17 =	sadd.s32 s4, s9;
	s14 =	sadd.s32 s5, s9;
	[dreg:$0x9] =	wrdreg s10  }
0xe: {  	s9 =	sadd.s32 $0xA, s9;
	s7 =	sadd.s32 $0x26C00, s7;
	[dreg:$0x3] =	wrdreg s17  }
0xf: {  	s23 =	sshrl.u32 s22, $0x3;
	[dreg:$0x4] =	wrdreg s14;
	s19 =	sadd.s32 s4, s9  }
0x10: {  	s22 =	simm.s32 $0x1;
	s9 =	sadd.s32 s5, s9;
	[dreg:$0x5] =	wrdreg s19  }
0x11: {  	s21 =	sadd.s32 s8, s7;
	s7 =	sadd.s32 s0, s7;
	[dreg:$0x6] =	wrdreg s9  }
0x12: {  	s25 =	sadd.s32 s23, s5;
	s0 =	sadd.s32 s24, s0;
	[dreg:$0x7] =	wrdreg s21  }
0x13: {  	s17 =	sadd.s32 s2, s26;
	s24 =	simm.s32 $0x200;
	[dreg:$0x8] =	wrdreg s7  }
.Ltmp0:
0x14: {  	s26 =	simm.s32 $0x2;
	[dreg:$0xa] =	wrdreg s25;
	(pc) =	sbr.rel .LBB2_1-.Ltmp0, $4  }
0x15: {  	s7 =	sadd.s32 s23, s4;
	s9 =	sadd.s32 $0xA0, s20;
	s18 =	sadd.s32 s2, s0  }
0x16: {  	s19 =	simm.s32 $0x80;
	s20 =	simm.s32 $0x100;
	s21 =	simm.s32 $0x180  }
0x17: {  	s23 =	simm.s32 $0x50;
	s25 =	simm.s32 $0x2A00;
	s0 =	simm.s32 $0x4  }
0x18: {  	s2 =	simm.s32 $0x6;
	[dreg:$0xb] =	wrdreg s7;
	s7 =	simm.s32 $0x0  }
.LBB2_4:
0x19: {  	_ =	swait.ge [sflag:s30], $0x2800  }
0x1a: {  	[sflag:s30] =	ssyncset.done $0x0  }
0x1b: {  	[sflag:s30] =	ssyncadd.s32 $0xFFFFD800  }
0x1c: {  	_ =	swait.ge [sflag:s30], $0x2800  }
0x1d: {  	[sflag:s30] =	ssyncset.done $0x0  }
0x1e: {  	s8 =	rddreg [dreg:$0x7];
	[sflag:s30] =	ssyncadd.s32 $0xFFFFD800  }
0x1f: {  	[hbm4b:s8+s3] =	stream.linear.scatter [tilespmem:s24], [sflag:$0x5], $0x2800, $0x38;
	[tilespmem:$0xA200] =	vst v63  }
0x20: {  	s15 =	rddreg [dreg:$0x8]  }
0x21: {  	[hbm4b:s15+s3] =	stream.linear.scatter [tilespmem:s25], [sflag:$0x5], $0x2800, $0x38;
	[tilespmem:$0xA200] =	vst v63  }
0x22: {  	_ =	swait.ge [sflag:s2], $0x2800  }
0x23: {  	[sflag:s2] =	ssyncset.done $0x0  }
0x24: {  	[sflag:s2] =	ssyncadd.s32 $0xFFFFD800  }
0x25: {  	_ =	swait.ge [sflag:s2], $0x2800  }
0x26: {  	[sflag:s2] =	ssyncset.done $0x0  }
0x27: {  	[sflag:s2] =	ssyncadd.s32 $0xFFFFD800  }
0x28: {  	_ =	swait.ge [sflag:s31], $0x2800  }
0x29: {  	[sflag:s31] =	ssyncset.done $0x0  }
0x2a: {  	[sflag:s31] =	ssyncadd.s32 $0xFFFFD800  }
0x2b: {  	_ =	swait.ge [sflag:s31], $0x2800  }
0x2c: {  	s7 =	sadd.s32 $0x1, s7;
	s16 =	rddreg [dreg:$0x9]  }
0x2d: {  	p0 =	sne.s32 s7, s16  }
.Ltmp1:
0x2e: {  	_ = 	snop;
	(pc) =	sbr.rel @!p0 .LBB2_5-.Ltmp1, $3  }
0x2f: {  	_ =	sdelay $0x1  }
0x30: {  	[sflag:s31] =	ssyncset.done $0x0  }
0x31: {  	[sflag:s31] =	ssyncadd.s32 $0xFFFFD800  }
.LBB2_1:
0x32: {  	s8 =	rddreg [dreg:$0x3]  }
0x33: {  	[tilespmem:s3], [sflag:$0x1] =	stream.linear.gather [hbm4b:s8+s3], $0x50, $0x38;
	[tilespmem:$0xA200] =	vst v63  }
0x34: {  	s14 =	rddreg [dreg:$0x4]  }
0x35: {  	[tilespmem:s19], [sflag:$0x1] =	stream.linear.gather [hbm4b:s14+s3], $0x50, $0x38;
	[tilespmem:$0xA200] =	vst v63  }
0x36: {  	s15 =	rddreg [dreg:$0x5]  }
0x37: {  	[tilespmem:s20], [sflag:$0x2] =	stream.linear.gather [hbm4b:s15+s3], $0x50, $0x38;
	[tilespmem:$0xA200] =	vst v63  }
0x38: {  	s16 =	rddreg [dreg:$0x6]  }
0x39: {  	[tilespmem:s21], [sflag:$0x2] =	stream.linear.gather [hbm4b:s16+s3], $0x50, $0x38;
	[tilespmem:$0xA200] =	vst v63  }
0x3a: {  	_ =	swait.ge [sflag:s22], $0x50  }
0x3b: {  	[sflag:s22] =	ssyncset.done $0x0  }
0x3c: {  	[sflag:s22] =	ssyncadd.s32 $0xFFFFFFB0  }
0x3d: {  	_ =	swait.ge [sflag:s22], $0x50  }
0x3e: {  	[sflag:s22] =	ssyncset.done $0x0  }
0x3f: {  	s15 =	rddreg [dreg:$0xb];
	[sflag:s22] =	ssyncadd.s32 $0xFFFFFFB0  }
0x40: {  	[tilespmem:s24], [sflag:$0x3] =	stream.indirect.gather [hbm4b:s1+s23], $0x80, s3, s23, $0xb8;
	[tilespmem:$0xA200] =	vst v63  }
0x41: {  	s8 =	simm.s32 $0x0;
	s16 =	smov.u32 s9;
	s14 =	rddreg [dreg:$0xa]  }
0x42: {  	[tilespmem:s25], [sflag:$0x3] =	stream.indirect.gather [hbm4b:s6+s23], $0x80, s19, s23, $0xb8;
	[tilespmem:$0xA200] =	vst v63  }
.LBB2_2:
0x43: {  	_ =	swait.ge [sflag:s26], $0x50  }
0x44: {  	[sflag:s26] =	ssyncset.done $0x0  }
0x45: {  	[sflag:s26] =	ssyncadd.s32 $0xFFFFFFB0  }
0x46: {  	_ =	swait.ge [sflag:s26], $0x50  }
0x47: {  	p0 =	seq.s32 s8, $0x0;
	[sflag:s26] =	ssyncset.done $0x0  }
0x48: {  	s12 =	simm.s32 @!p0 $0x6;
	[sflag:s26] =	ssyncadd.s32 $0xFFFFFFB0  }
0x49: {  	_ =	swait.ge @!p0 [sflag:s12], $0x2800  }
0x4a: {  	[sflag:s12] =	ssyncset.done @!p0 $0x0  }
0x4b: {  	[sflag:s12] =	ssyncadd.s32 @!p0 $0xFFFFD800  }
0x4c: {  	_ =	swait.ge @!p0 [sflag:s12], $0x2800  }
0x4d: {  	[sflag:s12] =	ssyncset.done @!p0 $0x0  }
0x4e: {  	[sflag:s12] =	ssyncadd.s32 @!p0 $0xFFFFD800  }
0x4f: {  	[tilespmem:s28], [sflag:$0x4] =	stream.indirect.gather [hbm4b:s1+s23], $0x80, s20, s23, $0xb8;
	[tilespmem:$0xA200] =	vst v63  }
0x50: {  	_ = 	snop  }
0x51: {  	[tilespmem:s29], [sflag:$0x4] =	stream.indirect.gather [hbm4b:s6+s23], $0x80, s21, s23, $0xb8;
	[tilespmem:$0xA200] =	vst v63  }
0x52: {  	_ =	swait.ge [sflag:s30], $0x2800  }
0x53: {  	[sflag:s30] =	ssyncset.done $0x0  }
0x54: {  	[sflag:s30] =	ssyncadd.s32 $0xFFFFD800  }
0x55: {  	_ =	swait.ge [sflag:s30], $0x2800  }
0x56: {  	[sflag:s30] =	ssyncset.done $0x0  }
0x57: {  	s12 =	sadd.s32 s8, s17;
	[sflag:s30] =	ssyncadd.s32 $0xFFFFD800  }
0x58: {  	[hbm4b:s12+s3] =	stream.linear.scatter [tilespmem:s24], [sflag:$0x5], $0x2800, $0x38;
	[tilespmem:$0xA200] =	vst v63  }
0x59: {  	s13 =	sadd.s32 s8, s18;
	s11 =	sshrl.u32 s16, $0x3  }
0x5a: {  	[hbm4b:s13+s3] =	stream.linear.scatter [tilespmem:s25], [sflag:$0x5], $0x2800, $0x38;
	[tilespmem:$0xA200] =	vst v63  }
0x5b: {  	s10 =	sadd.s32 s4, s11  }
0x5c: {  	[tilespmem:s3], [sflag:$0x1] =	stream.linear.gather [hbm4b:s10+s3], $0x50, $0x38;
	[tilespmem:$0xA200] =	vst v63  }
0x5d: {  	s11 =	sadd.s32 s5, s11  }
0x5e: {  	[tilespmem:s19], [sflag:$0x1] =	stream.linear.gather [hbm4b:s11+s3], $0x50, $0x38;
	[tilespmem:$0xA200] =	vst v63  }
0x5f: {  	_ =	swait.ge [sflag:s22], $0x50  }
0x60: {  	[sflag:s22] =	ssyncset.done $0x0  }
0x61: {  	[sflag:s22] =	ssyncadd.s32 $0xFFFFFFB0  }
0x62: {  	_ =	swait.ge [sflag:s22], $0x50  }
0x63: {  	[sflag:s22] =	ssyncset.done $0x0  }
0x64: {  	[sflag:s22] =	ssyncadd.s32 $0xFFFFFFB0  }
0x65: {  	_ =	swait.ge [sflag:s31], $0x2800  }
0x66: {  	[sflag:s31] =	ssyncset.done $0x0  }
0x67: {  	[sflag:s31] =	ssyncadd.s32 $0xFFFFD800  }
0x68: {  	_ =	swait.ge [sflag:s31], $0x2800  }
0x69: {  	[sflag:s31] =	ssyncset.done $0x0  }
0x6a: {  	[sflag:s31] =	ssyncadd.s32 $0xFFFFD800  }
0x6b: {  	[tilespmem:s24], [sflag:$0x3] =	stream.indirect.gather [hbm4b:s1+s23], $0x80, s3, s23, $0xb8;
	[tilespmem:$0xA200] =	vst v63  }
0x6c: {  	_ = 	snop  }
0x6d: {  	[tilespmem:s25], [sflag:$0x3] =	stream.indirect.gather [hbm4b:s6+s23], $0x80, s19, s23, $0xb8;
	[tilespmem:$0xA200] =	vst v63  }
0x6e: {  	_ =	swait.ge [sflag:s0], $0x2800  }
0x6f: {  	[sflag:s0] =	ssyncset.done $0x0  }
0x70: {  	[sflag:s0] =	ssyncadd.s32 $0xFFFFD800  }
0x71: {  	p0 =	seq.s32 s8, $0x26200;
	_ =	swait.ge [sflag:s0], $0x2800  }
.Ltmp2:
0x72: {  	[sflag:s0] =	ssyncset.done $0x0;
	(pc) =	sbr.rel @p0 .LBB2_4-.Ltmp2, $4  }
0x73: {  	s12 =	sadd.s32 $0x500, s12;
	[sflag:s0] =	ssyncadd.s32 $0xFFFFD800  }
0x74: {  	[hbm4b:s12+s3] =	stream.linear.scatter [tilespmem:s28], [sflag:$0x6], $0x2800, $0x38;
	[tilespmem:$0xA200] =	vst v63  }
0x75: {  	s13 =	sadd.s32 $0x500, s13  }
0x76: {  	[hbm4b:s13+s3] =	stream.linear.scatter [tilespmem:s29], [sflag:$0x6], $0x2800, $0x38;
	[tilespmem:$0xA200] =	vst v63  }
.Ltmp3:
0x77: {  	(pc) =	sbr.rel .LBB2_2-.Ltmp3, $4  }
0x78: {  	[tilespmem:s20], [sflag:$0x2] =	stream.linear.gather [hbm4b:s15+s3], $0x50, $0x38;
	[tilespmem:$0xA200] =	vst v63  }
0x79: {  	s15 =	sadd.s32 $0x14, s15  }
0x7a: {  	[tilespmem:s21], [sflag:$0x2] =	stream.linear.gather [hbm4b:s14+s3], $0x50, $0x38;
	[tilespmem:$0xA200] =	vst v63  }
0x7b: {  	s16 =	sadd.s32 $0xA0, s16;
	s8 =	sadd.s32 $0xA00, s8;
	s14 =	sadd.s32 $0x14, s14  }
.LBB2_5:
0x7c: {  	_ =	sfence.sel $0x180000  }
0x7d: {  	[bflag:$0x0] =	sbarrier.arrive $0xFFFF  }
0x7e: {  	_ =	strace $0x90000047  }
0x7f: {  	s0 =	stileid.u32;
	[bflag:$0x2] =	sbarrier.arrive $0xFFFF  }
0x80: {  	p0 =	sne.s32 s0, $0x0;
	s0 =	rddreg [dreg:$0x2]  }
0x81: {  	s0 =	sadd.s32 @!p0 $0x100000, s0  }
0x82: {  	[sflag:s0] =	ssyncadd.tile.s32 @!p0 $0x1;
	_ =	shalt  }
.Lfunc_end2:
_tile_overlayer_lowered:
.L_overlay_start_2:
0x83: {  	(tag) =	ssettag $0x2  }
0x84: {  	s0 =	rddreg [dreg:$0x0];
	s2 =	stileid.u32  }
0x85: {  	s1 =	rddreg [dreg:$0x1];
	p0 =	sne.s32 s2, $0x0  }
0x86: {  	s3 =	rddreg [dreg:$0x2];
	[bflag:$0x3] =	sbarrier.arrive $0xFFFF;
	s2 =	simm.s32 @!p0 $0x1C07  }
0x87: {  	[timem:s3], [sflag:s2] =	dma.local @!p0 [hbm:s0], s1  }
0x88: {  	s0 =	simm.s32 @!p0 $0x7  }
0x89: {  	_ =	swait.ge @!p0 [sflag:s0], s1  }
0x8a: {  	s1 =	ssub.s32 @!p0 $0x0, s1;
	[sflag:s0] =	ssyncset.done @!p0 $0x0  }
0x8b: {  	[sflag:s0] =	ssyncadd.s32 @!p0 s1  }
0x8c: {  	[bflag:$0x3] =	sbarrier.arrive $0xFFFF  }
0x8d: {  	_ =	shalt  }

</sc_bundles>
